<compile_context>
chip_gen: v7x
topology: tpu7x:2x2x1
jax: 0.10.2.dev20260603
libtpu: 0.0.44.dev20260713+nightly
codegen_flags: <defaults>
</compile_context>

<pallas_src>
import functools

import jax
import jax.numpy as jnp
from jax import lax
from jax.experimental import pallas as pl
from jax.experimental.pallas import tpu as pltpu
from jax.experimental.pallas import tpu_sc as plsc

N, E, D, H, O, G = 10000, 320000, 128, 128, 128, 64
NC, NS, L = 2, 16, 16
EPW = E // (NC * NS)
C = 40
NCH = EPW // C
NBUF = 7
NW = NCH // NBUF
NTL = NCH - NBUF * NW
ZR = 16
DR = 80

BN = 10000
NB = N // BN


def _edge_aggr_body(h_hbm, ei_hbm, out_hbm, sidx_all, *scr):
    didx = scr[0:NBUF]
    rows = scr[NBUF:2 * NBUF]
    zbuf = scr[2 * NBUF]
    acc = scr[2 * NBUF + 1]
    sg = scr[2 * NBUF + 2:3 * NBUF + 2]
    ss = scr[3 * NBUF + 2:4 * NBUF + 2]
    cid = lax.axis_index("c")
    sid = lax.axis_index("s")

    ebase = (cid * NS + sid) * EPW
    pltpu.async_copy(ei_hbm.at[pl.ds(ebase, EPW)], sidx_all, ss[0])

    zv = jnp.zeros((L,), jnp.float32)

    def zb(i, _):
        zbuf[i // (D // L), pl.ds((i % (D // L)) * L, L)] = zv
        return 0

    lax.fori_loop(0, ZR * (D // L), zb, 0)

    nz = jnp.where(sid < NS - 1, 640 // ZR, 400 // ZR)
    zbase = sid * 640

    def zc(j, _):
        pltpu.sync_copy(zbuf, acc.at[pl.ds(zbase + j * ZR, ZR)])
        return 0

    lax.fori_loop(0, nz, zc, 0)

    pltpu.make_async_copy(ei_hbm.at[pl.ds(ebase, EPW)], sidx_all, ss[0]).wait()
    plsc.subcore_barrier()

    def fire_in(cn, b):
        pltpu.async_copy(h_hbm.at[sidx_all.at[pl.ds(cn * C, C)]], rows[b], sg[b])
        pltpu.async_copy(ei_hbm.at[pl.ds(E + ebase + cn * C, C)], didx[b], sg[b])

    def wait_in(cn, b):
        pltpu.make_async_copy(
            ei_hbm.at[pl.ds(E + ebase + cn * C, C)], didx[b], sg[b]).wait()
        pltpu.make_async_copy(
            h_hbm.at[sidx_all.at[pl.ds(cn * C, C)]], rows[b], sg[b]).wait()

    def fire_s(b):
        pltpu.async_copy(rows[b], acc.at[didx[b]], ss[b], add=True)

    def wait_s(b):
        pltpu.make_async_copy(rows[b], acc.at[didx[b]], ss[b]).wait()

    for b in range(NBUF):
        fire_in(b, b)

    def body(i, _):
        for b in range(NBUF):
            j = NBUF * i + b
            wait_in(j, b)
            fire_s(b)
        for b in range(NBUF):
            jn = NBUF * (i + 1) + b

            @pl.when(jn < NCH)
            def _():
                wait_s(b)
                fire_in(jn, b)
            _ = None
        return 0

    lax.fori_loop(0, NW, body, 0)
    for b in range(NTL):
        wait_in(NBUF * NW + b, b)
        fire_s(b)
    for b in range(NTL, NBUF):
        wait_s(b)
    for b in range(NTL):
        wait_s(b)

    plsc.subcore_barrier()

    nd = jnp.where(sid < NS - 1, 640 // DR, 400 // DR)

    def dc(j, _):
        b = zbase + j * DR
        pltpu.sync_copy(acc.at[pl.ds(b, DR)], out_hbm.at[cid, pl.ds(b, DR)])
        return 0

    lax.fori_loop(0, nd, dc, 0)


_edge_aggr = functools.partial(
    pl.kernel,
    out_type=jax.ShapeDtypeStruct((NC, N, D), jnp.float32),
    mesh=plsc.VectorSubcoreMesh(core_axis_name="c", subcore_axis_name="s"),
    scratch_types=(
        [pltpu.VMEM((EPW,), jnp.int32)]
        + [pltpu.VMEM((C,), jnp.int32) for _ in range(NBUF)]
        + [pltpu.VMEM((C, D), jnp.float32) for _ in range(NBUF)]
        + [pltpu.VMEM((ZR, D), jnp.float32),
           pltpu.VMEM_SHARED((N, D), jnp.float32)]
        + [pltpu.SemaphoreType.DMA for _ in range(2 * NBUF)]
    ),
)(_edge_aggr_body)


def _mlp1_body(x_ref, p_ref, w1_ref, b1_ref, w2_ref, b2_ref, o_ref):
    m = x_ref[...] + p_ref[0] + p_ref[1]
    t = jnp.dot(m, w1_ref[...], preferred_element_type=jnp.float32) + b1_ref[...]
    t = jnp.maximum(t, 0.0)
    y = jnp.dot(t, w2_ref[...], preferred_element_type=jnp.float32) + b2_ref[...]
    o_ref[...] = jnp.maximum(y, 0.0)


def _mlp1(x, p, w1, b1, w2, b2):
    return pl.pallas_call(
        _mlp1_body,
        grid=(NB,),
        in_specs=[
            pl.BlockSpec((BN, D), lambda i: (i, 0)),
            pl.BlockSpec((NC, BN, D), lambda i: (0, i, 0)),
            pl.BlockSpec((D, H), lambda i: (0, 0)),
            pl.BlockSpec((1, H), lambda i: (0, 0)),
            pl.BlockSpec((H, H), lambda i: (0, 0)),
            pl.BlockSpec((1, H), lambda i: (0, 0)),
        ],
        out_specs=pl.BlockSpec((BN, H), lambda i: (i, 0)),
        out_shape=jax.ShapeDtypeStruct((N, H), jnp.float32),
    )(x, p, w1, b1, w2, b2)


def _mlp2_pool_body(h_ref, q_ref, bt_ref, w1_ref, b1_ref, w2_ref, b2_ref, o_ref):
    m = h_ref[...] + q_ref[0] + q_ref[1]
    t = jnp.dot(m, w1_ref[...], preferred_element_type=jnp.float32) + b1_ref[...]
    t = jnp.maximum(t, 0.0)
    y = jnp.dot(t, w2_ref[...], preferred_element_type=jnp.float32) + b2_ref[...]
    bt = bt_ref[...].reshape(1, BN)
    onehot = (bt == lax.broadcasted_iota(jnp.int32, (G, BN), 0)).astype(jnp.float32)
    contrib = jnp.dot(onehot, y, preferred_element_type=jnp.float32)

    @pl.when(pl.program_id(0) == 0)
    def _():
        o_ref[...] = jnp.zeros_like(o_ref)

    o_ref[...] += contrib


def _mlp2_pool(h, q, bt3, w1, b1, w2, b2):
    return pl.pallas_call(
        _mlp2_pool_body,
        grid=(NB,),
        in_specs=[
            pl.BlockSpec((BN, H), lambda i: (i, 0)),
            pl.BlockSpec((NC, BN, H), lambda i: (0, i, 0)),
            pl.BlockSpec((1, 1, BN), lambda i: (i, 0, 0)),
            pl.BlockSpec((H, O), lambda i: (0, 0)),
            pl.BlockSpec((1, O), lambda i: (0, 0)),
            pl.BlockSpec((O, O), lambda i: (0, 0)),
            pl.BlockSpec((1, O), lambda i: (0, 0)),
        ],
        out_specs=pl.BlockSpec((G, O), lambda i: (0, 0)),
        out_shape=jax.ShapeDtypeStruct((G, O), jnp.float32),
    )(h, q, bt3, w1, b1, w2, b2)


def kernel(x, edge_index, edge_attr, batch, W1_0, b1_0, W2_0, b2_0,
           W1_1, b1_1, W2_1, b2_1):
    del edge_attr
    ei = edge_index.reshape(2 * E)
    p = _edge_aggr(x, ei)
    h1 = _mlp1(x, p, W1_0, b1_0[None], W2_0, b2_0[None])
    q = _edge_aggr(h1, ei)
    bt3 = batch.reshape(NB, 1, BN)
    return _mlp2_pool(h1, q, bt3, W1_1, b1_1[None], W2_1, b2_1[None])

# --- scband reference (transcript-rebuilt; emitter-appended) ---
"""Pipeline reference for scband-ginmodel-15607911154302 (READ-ONLY COPY).

The authoritative reference and input builder live on the scoring server;
editing this copy changes nothing except your own understanding.
"""

import jax, jax.numpy as jnp
import numpy as np

N, E, D, H, O, G = 10000, 320000, 128, 128, 128, 64

def setup_inputs(seed: int = 0) -> dict:
    key = jax.random.key(seed)
    ks = jax.random.split(key, 16)
    x = jax.random.normal(ks[0], (N, D), dtype=jnp.float32)
    edge_index = jax.random.randint(ks[1], (2, E), 0, N, dtype=jnp.int32)
    edge_attr = jax.random.normal(ks[2], (E, 4), dtype=jnp.float32)
    batch = jnp.sort(jax.random.randint(ks[3], (N,), 0, G, dtype=jnp.int32))
    # GIN layer 0: MLP([in=D, hidden=H, hidden=H]); layer 1 (last): MLP([H, out=O, out=O])
    W1_0 = jax.random.normal(ks[4], (D, H), dtype=jnp.float32) * 0.05
    b1_0 = jnp.zeros((H,), dtype=jnp.float32)
    W2_0 = jax.random.normal(ks[5], (H, H), dtype=jnp.float32) * 0.05
    b2_0 = jnp.zeros((H,), dtype=jnp.float32)
    W1_1 = jax.random.normal(ks[6], (H, O), dtype=jnp.float32) * 0.05
    b1_1 = jnp.zeros((O,), dtype=jnp.float32)
    W2_1 = jax.random.normal(ks[7], (O, O), dtype=jnp.float32) * 0.05
    b2_1 = jnp.zeros((O,), dtype=jnp.float32)
    return {"x": x, "edge_index": edge_index, "edge_attr": edge_attr, "batch": batch,
            "W1_0": W1_0, "b1_0": b1_0, "W2_0": W2_0, "b2_0": b2_0,
            "W1_1": W1_1, "b1_1": b1_1, "W2_1": W2_1, "b2_1": b2_1}

def _gin_conv(h, edge_index, W1, b1, W2, b2):
    # GINConv: out = MLP((1+eps)*x_i + sum_{j in N(i)} x_j), eps=0 default.
    # Note: GINConv does not consume edge_attr (PyG GIN has supports_edge_attr=False).
    src = edge_index[0]
    dst = edge_index[1]
    aggr = jax.ops.segment_sum(h[src], dst, num_segments=h.shape[0])
    m = h + aggr
    m = jnp.maximum(m @ W1 + b1, 0.0)  # MLP hidden layer + ReLU act
    m = m @ W2 + b2                     # plain last layer of MLP
    return m

def reference(x, edge_index, edge_attr, batch, W1_0, b1_0, W2_0, b2_0, W1_1, b1_1, W2_1, b2_1):
    # edge_attr is accepted but ignored (GIN does not support edge attributes)
    h = _gin_conv(x, edge_index, W1_0, b1_0, W2_0, b2_0)
    h = jnp.maximum(h, 0.0)  # inter-layer activation (dropout is identity in eval)
    h = _gin_conv(h, edge_index, W1_1, b1_1, W2_1, b2_1)
    # global_add_pool over batch assignment vector
    h_G = jax.ops.segment_sum(h, batch, num_segments=G)
    return h_G

if __name__ == "__main__":
    import jax
    _d = setup_inputs()
    print(jax.jit(kernel)(*tuple(_d.values())))

</pallas_src>

<mosaic_0001>
#map = affine_map<(d0, d1) -> (0, 0)>
#map1 = affine_map<(d0, d1) -> (0)>
#map2 = affine_map<(d0, d1) -> (0, 0, 0)>
module attributes {stable_mosaic.version = 14 : i64} {
  func.func @_edge_aggr_body(%arg0: i32, %arg1: i32, %arg2: memref<10000x128xf32, #tpu.memory_space<hbm>>, %arg3: memref<640000xi32, #tpu.memory_space<hbm>>, %arg4: memref<2x10000x128xf32, #tpu.memory_space<hbm>>, %arg5: memref<10000xi32, #tpu.memory_space<vmem>>, %arg6: memref<40xi32, #tpu.memory_space<vmem>>, %arg7: memref<40xi32, #tpu.memory_space<vmem>>, %arg8: memref<40xi32, #tpu.memory_space<vmem>>, %arg9: memref<40xi32, #tpu.memory_space<vmem>>, %arg10: memref<40xi32, #tpu.memory_space<vmem>>, %arg11: memref<40xi32, #tpu.memory_space<vmem>>, %arg12: memref<40xi32, #tpu.memory_space<vmem>>, %arg13: memref<40x128xf32, #tpu.memory_space<vmem>>, %arg14: memref<40x128xf32, #tpu.memory_space<vmem>>, %arg15: memref<40x128xf32, #tpu.memory_space<vmem>>, %arg16: memref<40x128xf32, #tpu.memory_space<vmem>>, %arg17: memref<40x128xf32, #tpu.memory_space<vmem>>, %arg18: memref<40x128xf32, #tpu.memory_space<vmem>>, %arg19: memref<40x128xf32, #tpu.memory_space<vmem>>, %arg20: memref<16x128xf32, #tpu.memory_space<vmem>>, %arg21: memref<10000x128xf32, #tpu.memory_space<vmem_shared>>, %arg22: memref<!tpu.dma_semaphore, #tpu.memory_space<semaphore_mem>>, %arg23: memref<!tpu.dma_semaphore, #tpu.memory_space<semaphore_mem>>, %arg24: memref<!tpu.dma_semaphore, #tpu.memory_space<semaphore_mem>>, %arg25: memref<!tpu.dma_semaphore, #tpu.memory_space<semaphore_mem>>, %arg26: memref<!tpu.dma_semaphore, #tpu.memory_space<semaphore_mem>>, %arg27: memref<!tpu.dma_semaphore, #tpu.memory_space<semaphore_mem>>, %arg28: memref<!tpu.dma_semaphore, #tpu.memory_space<semaphore_mem>>, %arg29: memref<!tpu.dma_semaphore, #tpu.memory_space<semaphore_mem>>, %arg30: memref<!tpu.dma_semaphore, #tpu.memory_space<semaphore_mem>>, %arg31: memref<!tpu.dma_semaphore, #tpu.memory_space<semaphore_mem>>, %arg32: memref<!tpu.dma_semaphore, #tpu.memory_space<semaphore_mem>>, %arg33: memref<!tpu.dma_semaphore, #tpu.memory_space<semaphore_mem>>, %arg34: memref<!tpu.dma_semaphore, #tpu.memory_space<semaphore_mem>>, %arg35: memref<!tpu.dma_semaphore, #tpu.memory_space<semaphore_mem>>) attributes {dimension_semantics = [#tpu.dimension_semantics<core_parallel>, #tpu.dimension_semantics<subcore_parallel>], iteration_bounds = array<i64: 2, 16>, scalar_prefetch = 0 : i64, scratch_operands = 31 : i64, tpu.core_type = #tpu.core_type<sc_vector_subcore>, window_params = [{transform_indices = #map}, {transform_indices = #map1}, {transform_indices = #map2}]} {
    %mul3A = arith.constant 16 : i32
    %mul3A_0 = arith.muli %arg0, %mul3A : i32
    %add3A = arith.addi %mul3A_0, %arg1 : i32
    %mul3A_1 = arith.constant 10000 : i32
    %mul3A_2 = arith.muli %add3A, %mul3A_1 : i32
    %dma_start3A = tpu.memref_slice %arg3[%mul3A_2] : memref<640000xi32, #tpu.memory_space<hbm>> -> memref<10000xi32, #tpu.memory_space<hbm>>
    %dma_start3A_3 = tpu.memref_slice %arg3[%mul3A_2] : memref<640000xi32, #tpu.memory_space<hbm>> -> memref<10000xi32, #tpu.memory_space<hbm>>
    tpu.enqueue_dma source(%dma_start3A_3 : memref<10000xi32, #tpu.memory_space<hbm>>) target(%arg5 : memref<10000xi32, #tpu.memory_space<vmem>>) target_semaphore(%arg29 : memref<!tpu.dma_semaphore, #tpu.memory_space<semaphore_mem>>)
    %broadcast_in_dim3A = arith.constant 0.000000e+00 : f32
    %broadcast_in_dim3A_4 = vector.broadcast %broadcast_in_dim3A : f32 to vector<16xf32>
    %scan3A = arith.constant 0 : i32
    %scan3A_5 = arith.constant 0 : i32
    %scan3A_6 = arith.constant 128 : i32
    %scan3A_7 = arith.addi %scan3A_5, %scan3A_6 : i32
    %scan3A_8 = arith.constant 1 : i32
    %scan3A_9 = scf.for %scan3A_220 = %scan3A_5 to %scan3A_7 step %scan3A_8 iter_args(%scan3A_221 = %scan3A) -> (i32)  : i32 {
      %jit3A_222 = arith.constant 8 : i32
      %div3A = arith.divsi %scan3A_220, %jit3A_222 : i32
      %sign3A = arith.constant 0 : i32
      %sign3A_223 = arith.cmpi sgt, %scan3A_220, %sign3A : i32
      %sign3A_224 = arith.extui %sign3A_223 : i1 to i32
      %sign3A_225 = arith.constant 0 : i32
      %sign3A_226 = arith.cmpi slt, %scan3A_220, %sign3A_225 : i32
      %sign3A_227 = arith.extui %sign3A_226 : i1 to i32
      %sign3A_228 = arith.subi %sign3A_224, %sign3A_227 : i32
      %sign3A_229 = arith.constant 0 : i32
      %sign3A_230 = arith.cmpi sgt, %jit3A_222, %sign3A_229 : i32
      %sign3A_231 = arith.extui %sign3A_230 : i1 to i32
      %sign3A_232 = arith.constant 0 : i32
      %sign3A_233 = arith.cmpi slt, %jit3A_222, %sign3A_232 : i32
      %sign3A_234 = arith.extui %sign3A_233 : i1 to i32
      %sign3A_235 = arith.subi %sign3A_231, %sign3A_234 : i32
      %ne3A = arith.cmpi ne, %sign3A_228, %sign3A_235 : i32
      %rem3A = arith.remsi %scan3A_220, %jit3A_222 : i32
      %ne3A_236 = arith.constant 0 : i32
      %ne3A_237 = arith.cmpi ne, %rem3A, %ne3A_236 : i32
      %and3A = arith.andi %ne3A, %ne3A_237 : i1
      %sub3A = arith.constant 1 : i32
      %sub3A_238 = arith.subi %div3A, %sub3A : i32
      %select_n3A_239 = arith.select %and3A, %sub3A_238, %div3A : i32
      %jit3A_240 = arith.constant 8 : i32
      %eq3A = arith.constant 0 : i32
      %eq3A_241 = arith.cmpi eq, %jit3A_240, %eq3A : i32
      %jit3A_242 = arith.constant 1 : i32
      %select_n3A_243 = arith.select %eq3A_241, %jit3A_242, %jit3A_240 : i32
      %rem3A_244 = arith.remsi %scan3A_220, %select_n3A_243 : i32
      %ne3A_245 = arith.constant 0 : i32
      %ne3A_246 = arith.cmpi ne, %rem3A_244, %ne3A_245 : i32
      %lt3A_247 = arith.constant 0 : i32
      %lt3A_248 = arith.cmpi slt, %rem3A_244, %lt3A_247 : i32
      %lt3A_249 = arith.constant 0 : i32
      %lt3A_250 = arith.cmpi slt, %select_n3A_243, %lt3A_249 : i32
      %ne3A_251 = arith.xori %lt3A_248, %lt3A_250 : i1
      %and3A_252 = arith.andi %ne3A_251, %ne3A_246 : i1
      %add3A_253 = arith.addi %rem3A_244, %select_n3A_243 : i32
      %select_n3A_254 = arith.select %and3A_252, %add3A_253, %rem3A_244 : i32
      %mul3A_255 = arith.constant 16 : i32
      %mul3A_256 = arith.muli %select_n3A_254, %mul3A_255 : i32
      %swap3A = arith.index_cast %select_n3A_239 : i32 to index
      %swap3A_257 = arith.index_cast %mul3A_256 : i32 to index
      %swap3A_258 = tpu.vector_load %arg20[%swap3A, %swap3A_257] {strides = array<i32>} : memref<16x128xf32, #tpu.memory_space<vmem>>, vector<1x16xf32>,
      %swap3A_259 = vector.shape_cast %swap3A_258 : vector<1x16xf32> to vector<16xf32>
      %swap3A_260 = vector.shape_cast %broadcast_in_dim3A_4 : vector<16xf32> to vector<1x16xf32>
      tpu.vector_store %arg20[%swap3A, %swap3A_257], %swap3A_260 {strides = array<i32>} : memref<16x128xf32, #tpu.memory_space<vmem>>, vector<1x16xf32>,
      %scan3A_261 = arith.constant 0 : i32
      scf.yield %scan3A_261 : i32
    }
    %scan3A_10 = arith.constant 128 : i32
    %lt3A = arith.constant 15 : i32
    %lt3A_11 = arith.cmpi slt, %arg1, %lt3A : i32
    %jit3A = arith.constant 40 : i32
    %jit3A_12 = arith.constant 25 : i32
    %select_n3A = arith.select %lt3A_11, %jit3A, %jit3A_12 : i32
    %mul3A_13 = arith.constant 640 : i32
    %mul3A_14 = arith.muli %arg1, %mul3A_13 : i32
    %while3A = arith.constant 0 : i32
    %while3A_15 = arith.constant 0 : i32
    %while3A_16 = arith.subi %select_n3A, %while3A : i32
    %while3A_17 = arith.addi %while3A, %while3A_16 : i32
    %while3A_18 = arith.constant 1 : i32
    %while3A_19 = arith.divsi %while3A_16, %while3A_18 : i32
    %while3A_20 = arith.muli %while3A_19, %while3A_18 : i32
    %while3A_21 = arith.addi %while3A, %while3A_20 : i32
    %while3A_22 = arith.constant 1 : i32
    %while3A_23 = scf.for %while3A_220 = %while3A to %while3A_21 step %while3A_22 iter_args(%while3A_221 = %while3A_15) -> (i32)  : i32 {
      %mul3A_222 = arith.constant 16 : i32
      %mul3A_223 = arith.muli %while3A_220, %mul3A_222 : i32
      %add3A_224 = arith.addi %mul3A_14, %mul3A_223 : i32
      "tpu.region"() ({
        %run_scoped3A = tpu.sem_alloc : memref<!tpu.dma_semaphore, #tpu.memory_space<semaphore_mem>>
        %dma_start3A_226 = arith.constant 0 : i32
        %dma_start3A_227 = tpu.memref_slice %arg21[%add3A_224, %dma_start3A_226] : memref<10000x128xf32, #tpu.memory_space<vmem_shared>> -> memref<16x128xf32, #tpu.memory_space<vmem_shared>>
        %dma_start3A_228 = arith.constant 0 : i32
        %dma_start3A_229 = tpu.memref_slice %arg21[%add3A_224, %dma_start3A_228] : memref<10000x128xf32, #tpu.memory_space<vmem_shared>> -> memref<16x128xf32, #tpu.memory_space<vmem_shared>>
        tpu.enqueue_dma source(%arg20 : memref<16x128xf32, #tpu.memory_space<vmem>>) target(%dma_start3A_229 : memref<16x128xf32, #tpu.memory_space<vmem_shared>>) target_semaphore(%run_scoped3A : memref<!tpu.dma_semaphore, #tpu.memory_space<semaphore_mem>>)
        %dma_wait3A_230 = arith.constant 0 : i32
        %dma_wait3A_231 = tpu.memref_slice %arg21[%add3A_224, %dma_wait3A_230] : memref<10000x128xf32, #tpu.memory_space<vmem_shared>> -> memref<16x128xf32, #tpu.memory_space<vmem_shared>>
        %dma_wait3A_232 = arith.constant 0 : i32
        %dma_wait3A_233 = tpu.memref_slice %arg21[%add3A_224, %dma_wait3A_232] : memref<10000x128xf32, #tpu.memory_space<vmem_shared>> -> memref<16x128xf32, #tpu.memory_space<vmem_shared>>
        tpu.wait_dma2 semaphore(%run_scoped3A : memref<!tpu.dma_semaphore, #tpu.memory_space<semaphore_mem>>) src(%arg20 : memref<16x128xf32, #tpu.memory_space<vmem>>) dst(%dma_wait3A_233 : memref<16x128xf32, #tpu.memory_space<vmem_shared>>)
        tpu.yield
      }) : () -> ()
      %while3A_225 = arith.constant 0 : i32
      scf.yield %while3A_225 : i32
    }
    %while3A_24 = arith.constant 1 : i32
    %while3A_25 = scf.for %while3A_220 = %while3A_21 to %while3A_17 step %while3A_24 iter_args(%while3A_221 = %while3A_23) -> (i32)  : i32 {
      %mul3A_222 = arith.constant 16 : i32
      %mul3A_223 = arith.muli %while3A_220, %mul3A_222 : i32
      %add3A_224 = arith.addi %mul3A_14, %mul3A_223 : i32
      "tpu.region"() ({
        %run_scoped3A = tpu.sem_alloc : memref<!tpu.dma_semaphore, #tpu.memory_space<semaphore_mem>>
        %dma_start3A_226 = arith.constant 0 : i32
        %dma_start3A_227 = tpu.memref_slice %arg21[%add3A_224, %dma_start3A_226] : memref<10000x128xf32, #tpu.memory_space<vmem_shared>> -> memref<16x128xf32, #tpu.memory_space<vmem_shared>>
        %dma_start3A_228 = arith.constant 0 : i32
        %dma_start3A_229 = tpu.memref_slice %arg21[%add3A_224, %dma_start3A_228] : memref<10000x128xf32, #tpu.memory_space<vmem_shared>> -> memref<16x128xf32, #tpu.memory_space<vmem_shared>>
        tpu.enqueue_dma source(%arg20 : memref<16x128xf32, #tpu.memory_space<vmem>>) target(%dma_start3A_229 : memref<16x128xf32, #tpu.memory_space<vmem_shared>>) target_semaphore(%run_scoped3A : memref<!tpu.dma_semaphore, #tpu.memory_space<semaphore_mem>>)
        %dma_wait3A_230 = arith.constant 0 : i32
        %dma_wait3A_231 = tpu.memref_slice %arg21[%add3A_224, %dma_wait3A_230] : memref<10000x128xf32, #tpu.memory_space<vmem_shared>> -> memref<16x128xf32, #tpu.memory_space<vmem_shared>>
        %dma_wait3A_232 = arith.constant 0 : i32
        %dma_wait3A_233 = tpu.memref_slice %arg21[%add3A_224, %dma_wait3A_232] : memref<10000x128xf32, #tpu.memory_space<vmem_shared>> -> memref<16x128xf32, #tpu.memory_space<vmem_shared>>
        tpu.wait_dma2 semaphore(%run_scoped3A : memref<!tpu.dma_semaphore, #tpu.memory_space<semaphore_mem>>) src(%arg20 : memref<16x128xf32, #tpu.memory_space<vmem>>) dst(%dma_wait3A_233 : memref<16x128xf32, #tpu.memory_space<vmem_shared>>)
        tpu.yield
      }) : () -> ()
      %while3A_225 = arith.constant 0 : i32
      scf.yield %while3A_225 : i32
    }
    %dma_wait3A = tpu.memref_slice %arg3[%mul3A_2] : memref<640000xi32, #tpu.memory_space<hbm>> -> memref<10000xi32, #tpu.memory_space<hbm>>
    %dma_wait3A_26 = tpu.memref_slice %arg3[%mul3A_2] : memref<640000xi32, #tpu.memory_space<hbm>> -> memref<10000xi32, #tpu.memory_space<hbm>>
    tpu.wait_dma2 semaphore(%arg29 : memref<!tpu.dma_semaphore, #tpu.memory_space<semaphore_mem>>) src(%dma_wait3A_26 : memref<10000xi32, #tpu.memory_space<hbm>>) dst(%arg5 : memref<10000xi32, #tpu.memory_space<vmem>>)
    %barrier3A = arith.constant 0 : index
    tpu.barrier barrier_id(%barrier3A)
    %dma_start3A_27 = arith.constant 0 : i32
    %dma_start3A_28 = tpu.memref_slice %arg5[%dma_start3A_27] : memref<10000xi32, #tpu.memory_space<vmem>> -> memref<40xi32, #tpu.memory_space<vmem>>
    %dma_start3A_29 = arith.constant 0 : i32
    %dma_start3A_30 = arith.constant 0 : i32
    %dma_start3A_31 = tpu.memref_slice %arg2[%dma_start3A_29, %dma_start3A_30] : memref<10000x128xf32, #tpu.memory_space<hbm>> -> memref<10000x128xf32, #tpu.memory_space<hbm>>
    tpu.enqueue_indirect_dma source(%dma_start3A_31 : memref<10000x128xf32, #tpu.memory_space<hbm>>) target(%arg13 : memref<40x128xf32, #tpu.memory_space<vmem>>) offsets(%dma_start3A_28 : memref<40xi32, #tpu.memory_space<vmem>>) semaphore(%arg22 : memref<!tpu.dma_semaphore, #tpu.memory_space<semaphore_mem>>)
    %add3A_32 = arith.constant 320000 : i32
    %add3A_33 = arith.addi %add3A_32, %mul3A_2 : i32
    %add3A_34 = arith.constant 0 : i32
    %add3A_35 = arith.addi %add3A_33, %add3A_34 : i32
    %dma_start3A_36 = tpu.memref_slice %arg3[%add3A_35] : memref<640000xi32, #tpu.memory_space<hbm>> -> memref<40xi32, #tpu.memory_space<hbm>>
    %dma_start3A_37 = tpu.memref_slice %arg3[%add3A_35] : memref<640000xi32, #tpu.memory_space<hbm>> -> memref<40xi32, #tpu.memory_space<hbm>>
    tpu.enqueue_dma source(%dma_start3A_37 : memref<40xi32, #tpu.memory_space<hbm>>) target(%arg6 : memref<40xi32, #tpu.memory_space<vmem>>) target_semaphore(%arg22 : memref<!tpu.dma_semaphore, #tpu.memory_space<semaphore_mem>>)
    %dma_start3A_38 = arith.constant 40 : i32
    %dma_start3A_39 = tpu.memref_slice %arg5[%dma_start3A_38] : memref<10000xi32, #tpu.memory_space<vmem>> -> memref<40xi32, #tpu.memory_space<vmem>>
    %dma_start3A_40 = arith.constant 0 : i32
    %dma_start3A_41 = arith.constant 0 : i32
    %dma_start3A_42 = tpu.memref_slice %arg2[%dma_start3A_40, %dma_start3A_41] : memref<10000x128xf32, #tpu.memory_space<hbm>> -> memref<10000x128xf32, #tpu.memory_space<hbm>>
    tpu.enqueue_indirect_dma source(%dma_start3A_42 : memref<10000x128xf32, #tpu.memory_space<hbm>>) target(%arg14 : memref<40x128xf32, #tpu.memory_space<vmem>>) offsets(%dma_start3A_39 : memref<40xi32, #tpu.memory_space<vmem>>) semaphore(%arg23 : memref<!tpu.dma_semaphore, #tpu.memory_space<semaphore_mem>>)
    %add3A_43 = arith.constant 320000 : i32
    %add3A_44 = arith.addi %add3A_43, %mul3A_2 : i32
    %add3A_45 = arith.constant 40 : i32
    %add3A_46 = arith.addi %add3A_44, %add3A_45 : i32
    %dma_start3A_47 = tpu.memref_slice %arg3[%add3A_46] : memref<640000xi32, #tpu.memory_space<hbm>> -> memref<40xi32, #tpu.memory_space<hbm>>
    %dma_start3A_48 = tpu.memref_slice %arg3[%add3A_46] : memref<640000xi32, #tpu.memory_space<hbm>> -> memref<40xi32, #tpu.memory_space<hbm>>
    tpu.enqueue_dma source(%dma_start3A_48 : memref<40xi32, #tpu.memory_space<hbm>>) target(%arg7 : memref<40xi32, #tpu.memory_space<vmem>>) target_semaphore(%arg23 : memref<!tpu.dma_semaphore, #tpu.memory_space<semaphore_mem>>)
    %dma_start3A_49 = arith.constant 80 : i32
    %dma_start3A_50 = tpu.memref_slice %arg5[%dma_start3A_49] : memref<10000xi32, #tpu.memory_space<vmem>> -> memref<40xi32, #tpu.memory_space<vmem>>
    %dma_start3A_51 = arith.constant 0 : i32
    %dma_start3A_52 = arith.constant 0 : i32
    %dma_start3A_53 = tpu.memref_slice %arg2[%dma_start3A_51, %dma_start3A_52] : memref<10000x128xf32, #tpu.memory_space<hbm>> -> memref<10000x128xf32, #tpu.memory_space<hbm>>
    tpu.enqueue_indirect_dma source(%dma_start3A_53 : memref<10000x128xf32, #tpu.memory_space<hbm>>) target(%arg15 : memref<40x128xf32, #tpu.memory_space<vmem>>) offsets(%dma_start3A_50 : memref<40xi32, #tpu.memory_space<vmem>>) semaphore(%arg24 : memref<!tpu.dma_semaphore, #tpu.memory_space<semaphore_mem>>)
    %add3A_54 = arith.constant 320000 : i32
    %add3A_55 = arith.addi %add3A_54, %mul3A_2 : i32
    %add3A_56 = arith.constant 80 : i32
    %add3A_57 = arith.addi %add3A_55, %add3A_56 : i32
    %dma_start3A_58 = tpu.memref_slice %arg3[%add3A_57] : memref<640000xi32, #tpu.memory_space<hbm>> -> memref<40xi32, #tpu.memory_space<hbm>>
    %dma_start3A_59 = tpu.memref_slice %arg3[%add3A_57] : memref<640000xi32, #tpu.memory_space<hbm>> -> memref<40xi32, #tpu.memory_space<hbm>>
    tpu.enqueue_dma source(%dma_start3A_59 : memref<40xi32, #tpu.memory_space<hbm>>) target(%arg8 : memref<40xi32, #tpu.memory_space<vmem>>) target_semaphore(%arg24 : memref<!tpu.dma_semaphore, #tpu.memory_space<semaphore_mem>>)
    %dma_start3A_60 = arith.constant 120 : i32
    %dma_start3A_61 = tpu.memref_slice %arg5[%dma_start3A_60] : memref<10000xi32, #tpu.memory_space<vmem>> -> memref<40xi32, #tpu.memory_space<vmem>>
    %dma_start3A_62 = arith.constant 0 : i32
    %dma_start3A_63 = arith.constant 0 : i32
    %dma_start3A_64 = tpu.memref_slice %arg2[%dma_start3A_62, %dma_start3A_63] : memref<10000x128xf32, #tpu.memory_space<hbm>> -> memref<10000x128xf32, #tpu.memory_space<hbm>>
    tpu.enqueue_indirect_dma source(%dma_start3A_64 : memref<10000x128xf32, #tpu.memory_space<hbm>>) target(%arg16 : memref<40x128xf32, #tpu.memory_space<vmem>>) offsets(%dma_start3A_61 : memref<40xi32, #tpu.memory_space<vmem>>) semaphore(%arg25 : memref<!tpu.dma_semaphore, #tpu.memory_space<semaphore_mem>>)
    %add3A_65 = arith.constant 320000 : i32
    %add3A_66 = arith.addi %add3A_65, %mul3A_2 : i32
    %add3A_67 = arith.constant 120 : i32
    %add3A_68 = arith.addi %add3A_66, %add3A_67 : i32
    %dma_start3A_69 = tpu.memref_slice %arg3[%add3A_68] : memref<640000xi32, #tpu.memory_space<hbm>> -> memref<40xi32, #tpu.memory_space<hbm>>
    %dma_start3A_70 = tpu.memref_slice %arg3[%add3A_68] : memref<640000xi32, #tpu.memory_space<hbm>> -> memref<40xi32, #tpu.memory_space<hbm>>
    tpu.enqueue_dma source(%dma_start3A_70 : memref<40xi32, #tpu.memory_space<hbm>>) target(%arg9 : memref<40xi32, #tpu.memory_space<vmem>>) target_semaphore(%arg25 : memref<!tpu.dma_semaphore, #tpu.memory_space<semaphore_mem>>)
    %dma_start3A_71 = arith.constant 160 : i32
    %dma_start3A_72 = tpu.memref_slice %arg5[%dma_start3A_71] : memref<10000xi32, #tpu.memory_space<vmem>> -> memref<40xi32, #tpu.memory_space<vmem>>
    %dma_start3A_73 = arith.constant 0 : i32
    %dma_start3A_74 = arith.constant 0 : i32
    %dma_start3A_75 = tpu.memref_slice %arg2[%dma_start3A_73, %dma_start3A_74] : memref<10000x128xf32, #tpu.memory_space<hbm>> -> memref<10000x128xf32, #tpu.memory_space<hbm>>
    tpu.enqueue_indirect_dma source(%dma_start3A_75 : memref<10000x128xf32, #tpu.memory_space<hbm>>) target(%arg17 : memref<40x128xf32, #tpu.memory_space<vmem>>) offsets(%dma_start3A_72 : memref<40xi32, #tpu.memory_space<vmem>>) semaphore(%arg26 : memref<!tpu.dma_semaphore, #tpu.memory_space<semaphore_mem>>)
    %add3A_76 = arith.constant 320000 : i32
    %add3A_77 = arith.addi %add3A_76, %mul3A_2 : i32
    %add3A_78 = arith.constant 160 : i32
    %add3A_79 = arith.addi %add3A_77, %add3A_78 : i32
    %dma_start3A_80 = tpu.memref_slice %arg3[%add3A_79] : memref<640000xi32, #tpu.memory_space<hbm>> -> memref<40xi32, #tpu.memory_space<hbm>>
    %dma_start3A_81 = tpu.memref_slice %arg3[%add3A_79] : memref<640000xi32, #tpu.memory_space<hbm>> -> memref<40xi32, #tpu.memory_space<hbm>>
    tpu.enqueue_dma source(%dma_start3A_81 : memref<40xi32, #tpu.memory_space<hbm>>) target(%arg10 : memref<40xi32, #tpu.memory_space<vmem>>) target_semaphore(%arg26 : memref<!tpu.dma_semaphore, #tpu.memory_space<semaphore_mem>>)
    %dma_start3A_82 = arith.constant 200 : i32
    %dma_start3A_83 = tpu.memref_slice %arg5[%dma_start3A_82] : memref<10000xi32, #tpu.memory_space<vmem>> -> memref<40xi32, #tpu.memory_space<vmem>>
    %dma_start3A_84 = arith.constant 0 : i32
    %dma_start3A_85 = arith.constant 0 : i32
    %dma_start3A_86 = tpu.memref_slice %arg2[%dma_start3A_84, %dma_start3A_85] : memref<10000x128xf32, #tpu.memory_space<hbm>> -> memref<10000x128xf32, #tpu.memory_space<hbm>>
    tpu.enqueue_indirect_dma source(%dma_start3A_86 : memref<10000x128xf32, #tpu.memory_space<hbm>>) target(%arg18 : memref<40x128xf32, #tpu.memory_space<vmem>>) offsets(%dma_start3A_83 : memref<40xi32, #tpu.memory_space<vmem>>) semaphore(%arg27 : memref<!tpu.dma_semaphore, #tpu.memory_space<semaphore_mem>>)
    %add3A_87 = arith.constant 320000 : i32
    %add3A_88 = arith.addi %add3A_87, %mul3A_2 : i32
    %add3A_89 = arith.constant 200 : i32
    %add3A_90 = arith.addi %add3A_88, %add3A_89 : i32
    %dma_start3A_91 = tpu.memref_slice %arg3[%add3A_90] : memref<640000xi32, #tpu.memory_space<hbm>> -> memref<40xi32, #tpu.memory_space<hbm>>
    %dma_start3A_92 = tpu.memref_slice %arg3[%add3A_90] : memref<640000xi32, #tpu.memory_space<hbm>> -> memref<40xi32, #tpu.memory_space<hbm>>
    tpu.enqueue_dma source(%dma_start3A_92 : memref<40xi32, #tpu.memory_space<hbm>>) target(%arg11 : memref<40xi32, #tpu.memory_space<vmem>>) target_semaphore(%arg27 : memref<!tpu.dma_semaphore, #tpu.memory_space<semaphore_mem>>)
    %dma_start3A_93 = arith.constant 240 : i32
    %dma_start3A_94 = tpu.memref_slice %arg5[%dma_start3A_93] : memref<10000xi32, #tpu.memory_space<vmem>> -> memref<40xi32, #tpu.memory_space<vmem>>
    %dma_start3A_95 = arith.constant 0 : i32
    %dma_start3A_96 = arith.constant 0 : i32
    %dma_start3A_97 = tpu.memref_slice %arg2[%dma_start3A_95, %dma_start3A_96] : memref<10000x128xf32, #tpu.memory_space<hbm>> -> memref<10000x128xf32, #tpu.memory_space<hbm>>
    tpu.enqueue_indirect_dma source(%dma_start3A_97 : memref<10000x128xf32, #tpu.memory_space<hbm>>) target(%arg19 : memref<40x128xf32, #tpu.memory_space<vmem>>) offsets(%dma_start3A_94 : memref<40xi32, #tpu.memory_space<vmem>>) semaphore(%arg28 : memref<!tpu.dma_semaphore, #tpu.memory_space<semaphore_mem>>)
    %add3A_98 = arith.constant 320000 : i32
    %add3A_99 = arith.addi %add3A_98, %mul3A_2 : i32
    %add3A_100 = arith.constant 240 : i32
    %add3A_101 = arith.addi %add3A_99, %add3A_100 : i32
    %dma_start3A_102 = tpu.memref_slice %arg3[%add3A_101] : memref<640000xi32, #tpu.memory_space<hbm>> -> memref<40xi32, #tpu.memory_space<hbm>>
    %dma_start3A_103 = tpu.memref_slice %arg3[%add3A_101] : memref<640000xi32, #tpu.memory_space<hbm>> -> memref<40xi32, #tpu.memory_space<hbm>>
    tpu.enqueue_dma source(%dma_start3A_103 : memref<40xi32, #tpu.memory_space<hbm>>) target(%arg12 : memref<40xi32, #tpu.memory_space<vmem>>) target_semaphore(%arg28 : memref<!tpu.dma_semaphore, #tpu.memory_space<semaphore_mem>>)
    %scan3A_104 = arith.constant 0 : i32
    %scan3A_105 = arith.constant 0 : i32
    %scan3A_106 = arith.constant 35 : i32
    %scan3A_107 = arith.addi %scan3A_105, %scan3A_106 : i32
    %scan3A_108 = arith.constant 1 : i32
    %scan3A_109 = scf.for %scan3A_220 = %scan3A_105 to %scan3A_107 step %scan3A_108 iter_args(%scan3A_221 = %scan3A_104) -> (i32)  : i32 {
      %mul3A_222 = arith.constant 7 : i32
      %mul3A_223 = arith.muli %mul3A_222, %scan3A_220 : i32
      %add3A_224 = arith.constant 0 : i32
      %add3A_225 = arith.addi %mul3A_223, %add3A_224 : i32
      %add3A_226 = arith.constant 320000 : i32
      %add3A_227 = arith.addi %add3A_226, %mul3A_2 : i32
      %mul3A_228 = arith.constant 40 : i32
      %mul3A_229 = arith.muli %add3A_225, %mul3A_228 : i32
      %add3A_230 = arith.addi %add3A_227, %mul3A_229 : i32
      %dma_wait3A_231 = tpu.memref_slice %arg3[%add3A_230] : memref<640000xi32, #tpu.memory_space<hbm>> -> memref<40xi32, #tpu.memory_space<hbm>>
      %dma_wait3A_232 = tpu.memref_slice %arg3[%add3A_230] : memref<640000xi32, #tpu.memory_space<hbm>> -> memref<40xi32, #tpu.memory_space<hbm>>
      tpu.wait_dma2 semaphore(%arg22 : memref<!tpu.dma_semaphore, #tpu.memory_space<semaphore_mem>>) src(%dma_wait3A_232 : memref<40xi32, #tpu.memory_space<hbm>>) dst(%arg6 : memref<40xi32, #tpu.memory_space<vmem>>)
      %mul3A_233 = arith.constant 40 : i32
      %mul3A_234 = arith.muli %add3A_225, %mul3A_233 : i32
      %dma_wait3A_235 = tpu.memref_slice %arg5[%mul3A_234] : memref<10000xi32, #tpu.memory_space<vmem>> -> memref<40xi32, #tpu.memory_space<vmem>>
      %dma_wait3A_236 = arith.constant 0 : i32
      %dma_wait3A_237 = arith.constant 0 : i32
      %dma_wait3A_238 = tpu.memref_slice %arg2[%dma_wait3A_236, %dma_wait3A_237] : memref<10000x128xf32, #tpu.memory_space<hbm>> -> memref<10000x128xf32, #tpu.memory_space<hbm>>
      tpu.wait_indirect_dma semaphore(%arg22 : memref<!tpu.dma_semaphore, #tpu.memory_space<semaphore_mem>>) src(%dma_wait3A_238 : memref<10000x128xf32, #tpu.memory_space<hbm>>) dst(%arg13 : memref<40x128xf32, #tpu.memory_space<vmem>>)
      %dma_start3A_239 = arith.constant 0 : i32
      %dma_start3A_240 = arith.constant 0 : i32
      %dma_start3A_241 = tpu.memref_slice %arg21[%dma_start3A_239, %dma_start3A_240] : memref<10000x128xf32, #tpu.memory_space<vmem_shared>> -> memref<10000x128xf32, #tpu.memory_space<vmem_shared>>
      tpu.enqueue_indirect_dma source(%arg13 : memref<40x128xf32, #tpu.memory_space<vmem>>) target(%dma_start3A_241 : memref<10000x128xf32, #tpu.memory_space<vmem_shared>>) offsets(%arg6 : memref<40xi32, #tpu.memory_space<vmem>>) semaphore(%arg29 : memref<!tpu.dma_semaphore, #tpu.memory_space<semaphore_mem>>) {add = true}
      %mul3A_242 = arith.constant 7 : i32
      %mul3A_243 = arith.muli %mul3A_242, %scan3A_220 : i32
      %add3A_244 = arith.constant 1 : i32
      %add3A_245 = arith.addi %mul3A_243, %add3A_244 : i32
      %add3A_246 = arith.constant 320000 : i32
      %add3A_247 = arith.addi %add3A_246, %mul3A_2 : i32
      %mul3A_248 = arith.constant 40 : i32
      %mul3A_249 = arith.muli %add3A_245, %mul3A_248 : i32
      %add3A_250 = arith.addi %add3A_247, %mul3A_249 : i32
      %dma_wait3A_251 = tpu.memref_slice %arg3[%add3A_250] : memref<640000xi32, #tpu.memory_space<hbm>> -> memref<40xi32, #tpu.memory_space<hbm>>
      %dma_wait3A_252 = tpu.memref_slice %arg3[%add3A_250] : memref<640000xi32, #tpu.memory_space<hbm>> -> memref<40xi32, #tpu.memory_space<hbm>>
      tpu.wait_dma2 semaphore(%arg23 : memref<!tpu.dma_semaphore, #tpu.memory_space<semaphore_mem>>) src(%dma_wait3A_252 : memref<40xi32, #tpu.memory_space<hbm>>) dst(%arg7 : memref<40xi32, #tpu.memory_space<vmem>>)
      %mul3A_253 = arith.constant 40 : i32
      %mul3A_254 = arith.muli %add3A_245, %mul3A_253 : i32
      %dma_wait3A_255 = tpu.memref_slice %arg5[%mul3A_254] : memref<10000xi32, #tpu.memory_space<vmem>> -> memref<40xi32, #tpu.memory_space<vmem>>
      %dma_wait3A_256 = arith.constant 0 : i32
      %dma_wait3A_257 = arith.constant 0 : i32
      %dma_wait3A_258 = tpu.memref_slice %arg2[%dma_wait3A_256, %dma_wait3A_257] : memref<10000x128xf32, #tpu.memory_space<hbm>> -> memref<10000x128xf32, #tpu.memory_space<hbm>>
      tpu.wait_indirect_dma semaphore(%arg23 : memref<!tpu.dma_semaphore, #tpu.memory_space<semaphore_mem>>) src(%dma_wait3A_258 : memref<10000x128xf32, #tpu.memory_space<hbm>>) dst(%arg14 : memref<40x128xf32, #tpu.memory_space<vmem>>)
      %dma_start3A_259 = arith.constant 0 : i32
      %dma_start3A_260 = arith.constant 0 : i32
      %dma_start3A_261 = tpu.memref_slice %arg21[%dma_start3A_259, %dma_start3A_260] : memref<10000x128xf32, #tpu.memory_space<vmem_shared>> -> memref<10000x128xf32, #tpu.memory_space<vmem_shared>>
      tpu.enqueue_indirect_dma source(%arg14 : memref<40x128xf32, #tpu.memory_space<vmem>>) target(%dma_start3A_261 : memref<10000x128xf32, #tpu.memory_space<vmem_shared>>) offsets(%arg7 : memref<40xi32, #tpu.memory_space<vmem>>) semaphore(%arg30 : memref<!tpu.dma_semaphore, #tpu.memory_space<semaphore_mem>>) {add = true}
      %mul3A_262 = arith.constant 7 : i32
      %mul3A_263 = arith.muli %mul3A_262, %scan3A_220 : i32
      %add3A_264 = arith.constant 2 : i32
      %add3A_265 = arith.addi %mul3A_263, %add3A_264 : i32
      %add3A_266 = arith.constant 320000 : i32
      %add3A_267 = arith.addi %add3A_266, %mul3A_2 : i32
      %mul3A_268 = arith.constant 40 : i32
      %mul3A_269 = arith.muli %add3A_265, %mul3A_268 : i32
      %add3A_270 = arith.addi %add3A_267, %mul3A_269 : i32
      %dma_wait3A_271 = tpu.memref_slice %arg3[%add3A_270] : memref<640000xi32, #tpu.memory_space<hbm>> -> memref<40xi32, #tpu.memory_space<hbm>>
      %dma_wait3A_272 = tpu.memref_slice %arg3[%add3A_270] : memref<640000xi32, #tpu.memory_space<hbm>> -> memref<40xi32, #tpu.memory_space<hbm>>
      tpu.wait_dma2 semaphore(%arg24 : memref<!tpu.dma_semaphore, #tpu.memory_space<semaphore_mem>>) src(%dma_wait3A_272 : memref<40xi32, #tpu.memory_space<hbm>>) dst(%arg8 : memref<40xi32, #tpu.memory_space<vmem>>)
      %mul3A_273 = arith.constant 40 : i32
      %mul3A_274 = arith.muli %add3A_265, %mul3A_273 : i32
      %dma_wait3A_275 = tpu.memref_slice %arg5[%mul3A_274] : memref<10000xi32, #tpu.memory_space<vmem>> -> memref<40xi32, #tpu.memory_space<vmem>>
      %dma_wait3A_276 = arith.constant 0 : i32
      %dma_wait3A_277 = arith.constant 0 : i32
      %dma_wait3A_278 = tpu.memref_slice %arg2[%dma_wait3A_276, %dma_wait3A_277] : memref<10000x128xf32, #tpu.memory_space<hbm>> -> memref<10000x128xf32, #tpu.memory_space<hbm>>
      tpu.wait_indirect_dma semaphore(%arg24 : memref<!tpu.dma_semaphore, #tpu.memory_space<semaphore_mem>>) src(%dma_wait3A_278 : memref<10000x128xf32, #tpu.memory_space<hbm>>) dst(%arg15 : memref<40x128xf32, #tpu.memory_space<vmem>>)
      %dma_start3A_279 = arith.constant 0 : i32
      %dma_start3A_280 = arith.constant 0 : i32
      %dma_start3A_281 = tpu.memref_slice %arg21[%dma_start3A_279, %dma_start3A_280] : memref<10000x128xf32, #tpu.memory_space<vmem_shared>> -> memref<10000x128xf32, #tpu.memory_space<vmem_shared>>
      tpu.enqueue_indirect_dma source(%arg15 : memref<40x128xf32, #tpu.memory_space<vmem>>) target(%dma_start3A_281 : memref<10000x128xf32, #tpu.memory_space<vmem_shared>>) offsets(%arg8 : memref<40xi32, #tpu.memory_space<vmem>>) semaphore(%arg31 : memref<!tpu.dma_semaphore, #tpu.memory_space<semaphore_mem>>) {add = true}
      %mul3A_282 = arith.constant 7 : i32
      %mul3A_283 = arith.muli %mul3A_282, %scan3A_220 : i32
      %add3A_284 = arith.constant 3 : i32
      %add3A_285 = arith.addi %mul3A_283, %add3A_284 : i32
      %add3A_286 = arith.constant 320000 : i32
      %add3A_287 = arith.addi %add3A_286, %mul3A_2 : i32
      %mul3A_288 = arith.constant 40 : i32
      %mul3A_289 = arith.muli %add3A_285, %mul3A_288 : i32
      %add3A_290 = arith.addi %add3A_287, %mul3A_289 : i32
      %dma_wait3A_291 = tpu.memref_slice %arg3[%add3A_290] : memref<640000xi32, #tpu.memory_space<hbm>> -> memref<40xi32, #tpu.memory_space<hbm>>
      %dma_wait3A_292 = tpu.memref_slice %arg3[%add3A_290] : memref<640000xi32, #tpu.memory_space<hbm>> -> memref<40xi32, #tpu.memory_space<hbm>>
      tpu.wait_dma2 semaphore(%arg25 : memref<!tpu.dma_semaphore, #tpu.memory_space<semaphore_mem>>) src(%dma_wait3A_292 : memref<40xi32, #tpu.memory_space<hbm>>) dst(%arg9 : memref<40xi32, #tpu.memory_space<vmem>>)
      %mul3A_293 = arith.constant 40 : i32
      %mul3A_294 = arith.muli %add3A_285, %mul3A_293 : i32
      %dma_wait3A_295 = tpu.memref_slice %arg5[%mul3A_294] : memref<10000xi32, #tpu.memory_space<vmem>> -> memref<40xi32, #tpu.memory_space<vmem>>
      %dma_wait3A_296 = arith.constant 0 : i32
      %dma_wait3A_297 = arith.constant 0 : i32
      %dma_wait3A_298 = tpu.memref_slice %arg2[%dma_wait3A_296, %dma_wait3A_297] : memref<10000x128xf32, #tpu.memory_space<hbm>> -> memref<10000x128xf32, #tpu.memory_space<hbm>>
      tpu.wait_indirect_dma semaphore(%arg25 : memref<!tpu.dma_semaphore, #tpu.memory_space<semaphore_mem>>) src(%dma_wait3A_298 : memref<10000x128xf32, #tpu.memory_space<hbm>>) dst(%arg16 : memref<40x128xf32, #tpu.memory_space<vmem>>)
      %dma_start3A_299 = arith.constant 0 : i32
      %dma_start3A_300 = arith.constant 0 : i32
      %dma_start3A_301 = tpu.memref_slice %arg21[%dma_start3A_299, %dma_start3A_300] : memref<10000x128xf32, #tpu.memory_space<vmem_shared>> -> memref<10000x128xf32, #tpu.memory_space<vmem_shared>>
      tpu.enqueue_indirect_dma source(%arg16 : memref<40x128xf32, #tpu.memory_space<vmem>>) target(%dma_start3A_301 : memref<10000x128xf32, #tpu.memory_space<vmem_shared>>) offsets(%arg9 : memref<40xi32, #tpu.memory_space<vmem>>) semaphore(%arg32 : memref<!tpu.dma_semaphore, #tpu.memory_space<semaphore_mem>>) {add = true}
      %mul3A_302 = arith.constant 7 : i32
      %mul3A_303 = arith.muli %mul3A_302, %scan3A_220 : i32
      %add3A_304 = arith.constant 4 : i32
      %add3A_305 = arith.addi %mul3A_303, %add3A_304 : i32
      %add3A_306 = arith.constant 320000 : i32
      %add3A_307 = arith.addi %add3A_306, %mul3A_2 : i32
      %mul3A_308 = arith.constant 40 : i32
      %mul3A_309 = arith.muli %add3A_305, %mul3A_308 : i32
      %add3A_310 = arith.addi %add3A_307, %mul3A_309 : i32
      %dma_wait3A_311 = tpu.memref_slice %arg3[%add3A_310] : memref<640000xi32, #tpu.memory_space<hbm>> -> memref<40xi32, #tpu.memory_space<hbm>>
      %dma_wait3A_312 = tpu.memref_slice %arg3[%add3A_310] : memref<640000xi32, #tpu.memory_space<hbm>> -> memref<40xi32, #tpu.memory_space<hbm>>
      tpu.wait_dma2 semaphore(%arg26 : memref<!tpu.dma_semaphore, #tpu.memory_space<semaphore_mem>>) src(%dma_wait3A_312 : memref<40xi32, #tpu.memory_space<hbm>>) dst(%arg10 : memref<40xi32, #tpu.memory_space<vmem>>)
      %mul3A_313 = arith.constant 40 : i32
      %mul3A_314 = arith.muli %add3A_305, %mul3A_313 : i32
      %dma_wait3A_315 = tpu.memref_slice %arg5[%mul3A_314] : memref<10000xi32, #tpu.memory_space<vmem>> -> memref<40xi32, #tpu.memory_space<vmem>>
      %dma_wait3A_316 = arith.constant 0 : i32
      %dma_wait3A_317 = arith.constant 0 : i32
      %dma_wait3A_318 = tpu.memref_slice %arg2[%dma_wait3A_316, %dma_wait3A_317] : memref<10000x128xf32, #tpu.memory_space<hbm>> -> memref<10000x128xf32, #tpu.memory_space<hbm>>
      tpu.wait_indirect_dma semaphore(%arg26 : memref<!tpu.dma_semaphore, #tpu.memory_space<semaphore_mem>>) src(%dma_wait3A_318 : memref<10000x128xf32, #tpu.memory_space<hbm>>) dst(%arg17 : memref<40x128xf32, #tpu.memory_space<vmem>>)
      %dma_start3A_319 = arith.constant 0 : i32
      %dma_start3A_320 = arith.constant 0 : i32
      %dma_start3A_321 = tpu.memref_slice %arg21[%dma_start3A_319, %dma_start3A_320] : memref<10000x128xf32, #tpu.memory_space<vmem_shared>> -> memref<10000x128xf32, #tpu.memory_space<vmem_shared>>
      tpu.enqueue_indirect_dma source(%arg17 : memref<40x128xf32, #tpu.memory_space<vmem>>) target(%dma_start3A_321 : memref<10000x128xf32, #tpu.memory_space<vmem_shared>>) offsets(%arg10 : memref<40xi32, #tpu.memory_space<vmem>>) semaphore(%arg33 : memref<!tpu.dma_semaphore, #tpu.memory_space<semaphore_mem>>) {add = true}
      %mul3A_322 = arith.constant 7 : i32
      %mul3A_323 = arith.muli %mul3A_322, %scan3A_220 : i32
      %add3A_324 = arith.constant 5 : i32
      %add3A_325 = arith.addi %mul3A_323, %add3A_324 : i32
      %add3A_326 = arith.constant 320000 : i32
      %add3A_327 = arith.addi %add3A_326, %mul3A_2 : i32
      %mul3A_328 = arith.constant 40 : i32
      %mul3A_329 = arith.muli %add3A_325, %mul3A_328 : i32
      %add3A_330 = arith.addi %add3A_327, %mul3A_329 : i32
      %dma_wait3A_331 = tpu.memref_slice %arg3[%add3A_330] : memref<640000xi32, #tpu.memory_space<hbm>> -> memref<40xi32, #tpu.memory_space<hbm>>
      %dma_wait3A_332 = tpu.memref_slice %arg3[%add3A_330] : memref<640000xi32, #tpu.memory_space<hbm>> -> memref<40xi32, #tpu.memory_space<hbm>>
      tpu.wait_dma2 semaphore(%arg27 : memref<!tpu.dma_semaphore, #tpu.memory_space<semaphore_mem>>) src(%dma_wait3A_332 : memref<40xi32, #tpu.memory_space<hbm>>) dst(%arg11 : memref<40xi32, #tpu.memory_space<vmem>>)
      %mul3A_333 = arith.constant 40 : i32
      %mul3A_334 = arith.muli %add3A_325, %mul3A_333 : i32
      %dma_wait3A_335 = tpu.memref_slice %arg5[%mul3A_334] : memref<10000xi32, #tpu.memory_space<vmem>> -> memref<40xi32, #tpu.memory_space<vmem>>
      %dma_wait3A_336 = arith.constant 0 : i32
      %dma_wait3A_337 = arith.constant 0 : i32
      %dma_wait3A_338 = tpu.memref_slice %arg2[%dma_wait3A_336, %dma_wait3A_337] : memref<10000x128xf32, #tpu.memory_space<hbm>> -> memref<10000x128xf32, #tpu.memory_space<hbm>>
      tpu.wait_indirect_dma semaphore(%arg27 : memref<!tpu.dma_semaphore, #tpu.memory_space<semaphore_mem>>) src(%dma_wait3A_338 : memref<10000x128xf32, #tpu.memory_space<hbm>>) dst(%arg18 : memref<40x128xf32, #tpu.memory_space<vmem>>)
      %dma_start3A_339 = arith.constant 0 : i32
      %dma_start3A_340 = arith.constant 0 : i32
      %dma_start3A_341 = tpu.memref_slice %arg21[%dma_start3A_339, %dma_start3A_340] : memref<10000x128xf32, #tpu.memory_space<vmem_shared>> -> memref<10000x128xf32, #tpu.memory_space<vmem_shared>>
      tpu.enqueue_indirect_dma source(%arg18 : memref<40x128xf32, #tpu.memory_space<vmem>>) target(%dma_start3A_341 : memref<10000x128xf32, #tpu.memory_space<vmem_shared>>) offsets(%arg11 : memref<40xi32, #tpu.memory_space<vmem>>) semaphore(%arg34 : memref<!tpu.dma_semaphore, #tpu.memory_space<semaphore_mem>>) {add = true}
      %mul3A_342 = arith.constant 7 : i32
      %mul3A_343 = arith.muli %mul3A_342, %scan3A_220 : i32
      %add3A_344 = arith.constant 6 : i32
      %add3A_345 = arith.addi %mul3A_343, %add3A_344 : i32
      %add3A_346 = arith.constant 320000 : i32
      %add3A_347 = arith.addi %add3A_346, %mul3A_2 : i32
      %mul3A_348 = arith.constant 40 : i32
      %mul3A_349 = arith.muli %add3A_345, %mul3A_348 : i32
      %add3A_350 = arith.addi %add3A_347, %mul3A_349 : i32
      %dma_wait3A_351 = tpu.memref_slice %arg3[%add3A_350] : memref<640000xi32, #tpu.memory_space<hbm>> -> memref<40xi32, #tpu.memory_space<hbm>>
      %dma_wait3A_352 = tpu.memref_slice %arg3[%add3A_350] : memref<640000xi32, #tpu.memory_space<hbm>> -> memref<40xi32, #tpu.memory_space<hbm>>
      tpu.wait_dma2 semaphore(%arg28 : memref<!tpu.dma_semaphore, #tpu.memory_space<semaphore_mem>>) src(%dma_wait3A_352 : memref<40xi32, #tpu.memory_space<hbm>>) dst(%arg12 : memref<40xi32, #tpu.memory_space<vmem>>)
      %mul3A_353 = arith.constant 40 : i32
      %mul3A_354 = arith.muli %add3A_345, %mul3A_353 : i32
      %dma_wait3A_355 = tpu.memref_slice %arg5[%mul3A_354] : memref<10000xi32, #tpu.memory_space<vmem>> -> memref<40xi32, #tpu.memory_space<vmem>>
      %dma_wait3A_356 = arith.constant 0 : i32
      %dma_wait3A_357 = arith.constant 0 : i32
      %dma_wait3A_358 = tpu.memref_slice %arg2[%dma_wait3A_356, %dma_wait3A_357] : memref<10000x128xf32, #tpu.memory_space<hbm>> -> memref<10000x128xf32, #tpu.memory_space<hbm>>
      tpu.wait_indirect_dma semaphore(%arg28 : memref<!tpu.dma_semaphore, #tpu.memory_space<semaphore_mem>>) src(%dma_wait3A_358 : memref<10000x128xf32, #tpu.memory_space<hbm>>) dst(%arg19 : memref<40x128xf32, #tpu.memory_space<vmem>>)
      %dma_start3A_359 = arith.constant 0 : i32
      %dma_start3A_360 = arith.constant 0 : i32
      %dma_start3A_361 = tpu.memref_slice %arg21[%dma_start3A_359, %dma_start3A_360] : memref<10000x128xf32, #tpu.memory_space<vmem_shared>> -> memref<10000x128xf32, #tpu.memory_space<vmem_shared>>
      tpu.enqueue_indirect_dma source(%arg19 : memref<40x128xf32, #tpu.memory_space<vmem>>) target(%dma_start3A_361 : memref<10000x128xf32, #tpu.memory_space<vmem_shared>>) offsets(%arg12 : memref<40xi32, #tpu.memory_space<vmem>>) semaphore(%arg35 : memref<!tpu.dma_semaphore, #tpu.memory_space<semaphore_mem>>) {add = true}
      %add3A_362 = arith.constant 1 : i32
      %add3A_363 = arith.addi %scan3A_220, %add3A_362 : i32
      %mul3A_364 = arith.constant 7 : i32
      %mul3A_365 = arith.muli %mul3A_364, %add3A_363 : i32
      %add3A_366 = arith.constant 0 : i32
      %add3A_367 = arith.addi %mul3A_365, %add3A_366 : i32
      %lt3A_368 = arith.constant 250 : i32
      %lt3A_369 = arith.cmpi slt, %add3A_367, %lt3A_368 : i32
      %convert_element_type3A = arith.extui %lt3A_369 : i1 to i32
      %cond3A = arith.constant 0 : i32
      %cond3A_370 = arith.cmpi ne, %convert_element_type3A, %cond3A : i32
      scf.if %cond3A_370 {
        %dma_wait3A_438 = arith.constant 0 : i32
        %dma_wait3A_439 = arith.constant 0 : i32
        %dma_wait3A_440 = tpu.memref_slice %arg21[%dma_wait3A_438, %dma_wait3A_439] : memref<10000x128xf32, #tpu.memory_space<vmem_shared>> -> memref<10000x128xf32, #tpu.memory_space<vmem_shared>>
        tpu.wait_indirect_dma semaphore(%arg29 : memref<!tpu.dma_semaphore, #tpu.memory_space<semaphore_mem>>) src(%arg13 : memref<40x128xf32, #tpu.memory_space<vmem>>) dst(%dma_wait3A_440 : memref<10000x128xf32, #tpu.memory_space<vmem_shared>>)
        %mul3A_441 = arith.constant 40 : i32
        %mul3A_442 = arith.muli %add3A_367, %mul3A_441 : i32
        %dma_start3A_443 = tpu.memref_slice %arg5[%mul3A_442] : memref<10000xi32, #tpu.memory_space<vmem>> -> memref<40xi32, #tpu.memory_space<vmem>>
        %dma_start3A_444 = arith.constant 0 : i32
        %dma_start3A_445 = arith.constant 0 : i32
        %dma_start3A_446 = tpu.memref_slice %arg2[%dma_start3A_444, %dma_start3A_445] : memref<10000x128xf32, #tpu.memory_space<hbm>> -> memref<10000x128xf32, #tpu.memory_space<hbm>>
        tpu.enqueue_indirect_dma source(%dma_start3A_446 : memref<10000x128xf32, #tpu.memory_space<hbm>>) target(%arg13 : memref<40x128xf32, #tpu.memory_space<vmem>>) offsets(%dma_start3A_443 : memref<40xi32, #tpu.memory_space<vmem>>) semaphore(%arg22 : memref<!tpu.dma_semaphore, #tpu.memory_space<semaphore_mem>>)
        %add3A_447 = arith.constant 320000 : i32
        %add3A_448 = arith.addi %add3A_447, %mul3A_2 : i32
        %mul3A_449 = arith.constant 40 : i32
        %mul3A_450 = arith.muli %add3A_367, %mul3A_449 : i32
        %add3A_451 = arith.addi %add3A_448, %mul3A_450 : i32
        %dma_start3A_452 = tpu.memref_slice %arg3[%add3A_451] : memref<640000xi32, #tpu.memory_space<hbm>> -> memref<40xi32, #tpu.memory_space<hbm>>
        %dma_start3A_453 = tpu.memref_slice %arg3[%add3A_451] : memref<640000xi32, #tpu.memory_space<hbm>> -> memref<40xi32, #tpu.memory_space<hbm>>
        tpu.enqueue_dma source(%dma_start3A_453 : memref<40xi32, #tpu.memory_space<hbm>>) target(%arg6 : memref<40xi32, #tpu.memory_space<vmem>>) target_semaphore(%arg22 : memref<!tpu.dma_semaphore, #tpu.memory_space<semaphore_mem>>)
      } else {
      }
      %add3A_371 = arith.constant 1 : i32
      %add3A_372 = arith.addi %scan3A_220, %add3A_371 : i32
      %mul3A_373 = arith.constant 7 : i32
      %mul3A_374 = arith.muli %mul3A_373, %add3A_372 : i32
      %add3A_375 = arith.constant 1 : i32
      %add3A_376 = arith.addi %mul3A_374, %add3A_375 : i32
      %lt3A_377 = arith.constant 250 : i32
      %lt3A_378 = arith.cmpi slt, %add3A_376, %lt3A_377 : i32
      %convert_element_type3A_379 = arith.extui %lt3A_378 : i1 to i32
      %cond3A_380 = arith.constant 0 : i32
      %cond3A_381 = arith.cmpi ne, %convert_element_type3A_379, %cond3A_380 : i32
      scf.if %cond3A_381 {
        %dma_wait3A_438 = arith.constant 0 : i32
        %dma_wait3A_439 = arith.constant 0 : i32
        %dma_wait3A_440 = tpu.memref_slice %arg21[%dma_wait3A_438, %dma_wait3A_439] : memref<10000x128xf32, #tpu.memory_space<vmem_shared>> -> memref<10000x128xf32, #tpu.memory_space<vmem_shared>>
        tpu.wait_indirect_dma semaphore(%arg30 : memref<!tpu.dma_semaphore, #tpu.memory_space<semaphore_mem>>) src(%arg14 : memref<40x128xf32, #tpu.memory_space<vmem>>) dst(%dma_wait3A_440 : memref<10000x128xf32, #tpu.memory_space<vmem_shared>>)
        %mul3A_441 = arith.constant 40 : i32
        %mul3A_442 = arith.muli %add3A_376, %mul3A_441 : i32
        %dma_start3A_443 = tpu.memref_slice %arg5[%mul3A_442] : memref<10000xi32, #tpu.memory_space<vmem>> -> memref<40xi32, #tpu.memory_space<vmem>>
        %dma_start3A_444 = arith.constant 0 : i32
        %dma_start3A_445 = arith.constant 0 : i32
        %dma_start3A_446 = tpu.memref_slice %arg2[%dma_start3A_444, %dma_start3A_445] : memref<10000x128xf32, #tpu.memory_space<hbm>> -> memref<10000x128xf32, #tpu.memory_space<hbm>>
        tpu.enqueue_indirect_dma source(%dma_start3A_446 : memref<10000x128xf32, #tpu.memory_space<hbm>>) target(%arg14 : memref<40x128xf32, #tpu.memory_space<vmem>>) offsets(%dma_start3A_443 : memref<40xi32, #tpu.memory_space<vmem>>) semaphore(%arg23 : memref<!tpu.dma_semaphore, #tpu.memory_space<semaphore_mem>>)
        %add3A_447 = arith.constant 320000 : i32
        %add3A_448 = arith.addi %add3A_447, %mul3A_2 : i32
        %mul3A_449 = arith.constant 40 : i32
        %mul3A_450 = arith.muli %add3A_376, %mul3A_449 : i32
        %add3A_451 = arith.addi %add3A_448, %mul3A_450 : i32
        %dma_start3A_452 = tpu.memref_slice %arg3[%add3A_451] : memref<640000xi32, #tpu.memory_space<hbm>> -> memref<40xi32, #tpu.memory_space<hbm>>
        %dma_start3A_453 = tpu.memref_slice %arg3[%add3A_451] : memref<640000xi32, #tpu.memory_space<hbm>> -> memref<40xi32, #tpu.memory_space<hbm>>
        tpu.enqueue_dma source(%dma_start3A_453 : memref<40xi32, #tpu.memory_space<hbm>>) target(%arg7 : memref<40xi32, #tpu.memory_space<vmem>>) target_semaphore(%arg23 : memref<!tpu.dma_semaphore, #tpu.memory_space<semaphore_mem>>)
      } else {
      }
      %add3A_382 = arith.constant 1 : i32
      %add3A_383 = arith.addi %scan3A_220, %add3A_382 : i32
      %mul3A_384 = arith.constant 7 : i32
      %mul3A_385 = arith.muli %mul3A_384, %add3A_383 : i32
      %add3A_386 = arith.constant 2 : i32
      %add3A_387 = arith.addi %mul3A_385, %add3A_386 : i32
      %lt3A_388 = arith.constant 250 : i32
      %lt3A_389 = arith.cmpi slt, %add3A_387, %lt3A_388 : i32
      %convert_element_type3A_390 = arith.extui %lt3A_389 : i1 to i32
      %cond3A_391 = arith.constant 0 : i32
      %cond3A_392 = arith.cmpi ne, %convert_element_type3A_390, %cond3A_391 : i32
      scf.if %cond3A_392 {
        %dma_wait3A_438 = arith.constant 0 : i32
        %dma_wait3A_439 = arith.constant 0 : i32
        %dma_wait3A_440 = tpu.memref_slice %arg21[%dma_wait3A_438, %dma_wait3A_439] : memref<10000x128xf32, #tpu.memory_space<vmem_shared>> -> memref<10000x128xf32, #tpu.memory_space<vmem_shared>>
        tpu.wait_indirect_dma semaphore(%arg31 : memref<!tpu.dma_semaphore, #tpu.memory_space<semaphore_mem>>) src(%arg15 : memref<40x128xf32, #tpu.memory_space<vmem>>) dst(%dma_wait3A_440 : memref<10000x128xf32, #tpu.memory_space<vmem_shared>>)
        %mul3A_441 = arith.constant 40 : i32
        %mul3A_442 = arith.muli %add3A_387, %mul3A_441 : i32
        %dma_start3A_443 = tpu.memref_slice %arg5[%mul3A_442] : memref<10000xi32, #tpu.memory_space<vmem>> -> memref<40xi32, #tpu.memory_space<vmem>>
        %dma_start3A_444 = arith.constant 0 : i32
        %dma_start3A_445 = arith.constant 0 : i32
        %dma_start3A_446 = tpu.memref_slice %arg2[%dma_start3A_444, %dma_start3A_445] : memref<10000x128xf32, #tpu.memory_space<hbm>> -> memref<10000x128xf32, #tpu.memory_space<hbm>>
        tpu.enqueue_indirect_dma source(%dma_start3A_446 : memref<10000x128xf32, #tpu.memory_space<hbm>>) target(%arg15 : memref<40x128xf32, #tpu.memory_space<vmem>>) offsets(%dma_start3A_443 : memref<40xi32, #tpu.memory_space<vmem>>) semaphore(%arg24 : memref<!tpu.dma_semaphore, #tpu.memory_space<semaphore_mem>>)
        %add3A_447 = arith.constant 320000 : i32
        %add3A_448 = arith.addi %add3A_447, %mul3A_2 : i32
        %mul3A_449 = arith.constant 40 : i32
        %mul3A_450 = arith.muli %add3A_387, %mul3A_449 : i32
        %add3A_451 = arith.addi %add3A_448, %mul3A_450 : i32
        %dma_start3A_452 = tpu.memref_slice %arg3[%add3A_451] : memref<640000xi32, #tpu.memory_space<hbm>> -> memref<40xi32, #tpu.memory_space<hbm>>
        %dma_start3A_453 = tpu.memref_slice %arg3[%add3A_451] : memref<640000xi32, #tpu.memory_space<hbm>> -> memref<40xi32, #tpu.memory_space<hbm>>
        tpu.enqueue_dma source(%dma_start3A_453 : memref<40xi32, #tpu.memory_space<hbm>>) target(%arg8 : memref<40xi32, #tpu.memory_space<vmem>>) target_semaphore(%arg24 : memref<!tpu.dma_semaphore, #tpu.memory_space<semaphore_mem>>)
      } else {
      }
      %add3A_393 = arith.constant 1 : i32
      %add3A_394 = arith.addi %scan3A_220, %add3A_393 : i32
      %mul3A_395 = arith.constant 7 : i32
      %mul3A_396 = arith.muli %mul3A_395, %add3A_394 : i32
      %add3A_397 = arith.constant 3 : i32
      %add3A_398 = arith.addi %mul3A_396, %add3A_397 : i32
      %lt3A_399 = arith.constant 250 : i32
      %lt3A_400 = arith.cmpi slt, %add3A_398, %lt3A_399 : i32
      %convert_element_type3A_401 = arith.extui %lt3A_400 : i1 to i32
      %cond3A_402 = arith.constant 0 : i32
      %cond3A_403 = arith.cmpi ne, %convert_element_type3A_401, %cond3A_402 : i32
      scf.if %cond3A_403 {
        %dma_wait3A_438 = arith.constant 0 : i32
        %dma_wait3A_439 = arith.constant 0 : i32
        %dma_wait3A_440 = tpu.memref_slice %arg21[%dma_wait3A_438, %dma_wait3A_439] : memref<10000x128xf32, #tpu.memory_space<vmem_shared>> -> memref<10000x128xf32, #tpu.memory_space<vmem_shared>>
        tpu.wait_indirect_dma semaphore(%arg32 : memref<!tpu.dma_semaphore, #tpu.memory_space<semaphore_mem>>) src(%arg16 : memref<40x128xf32, #tpu.memory_space<vmem>>) dst(%dma_wait3A_440 : memref<10000x128xf32, #tpu.memory_space<vmem_shared>>)
        %mul3A_441 = arith.constant 40 : i32
        %mul3A_442 = arith.muli %add3A_398, %mul3A_441 : i32
        %dma_start3A_443 = tpu.memref_slice %arg5[%mul3A_442] : memref<10000xi32, #tpu.memory_space<vmem>> -> memref<40xi32, #tpu.memory_space<vmem>>
        %dma_start3A_444 = arith.constant 0 : i32
        %dma_start3A_445 = arith.constant 0 : i32
        %dma_start3A_446 = tpu.memref_slice %arg2[%dma_start3A_444, %dma_start3A_445] : memref<10000x128xf32, #tpu.memory_space<hbm>> -> memref<10000x128xf32, #tpu.memory_space<hbm>>
        tpu.enqueue_indirect_dma source(%dma_start3A_446 : memref<10000x128xf32, #tpu.memory_space<hbm>>) target(%arg16 : memref<40x128xf32, #tpu.memory_space<vmem>>) offsets(%dma_start3A_443 : memref<40xi32, #tpu.memory_space<vmem>>) semaphore(%arg25 : memref<!tpu.dma_semaphore, #tpu.memory_space<semaphore_mem>>)
        %add3A_447 = arith.constant 320000 : i32
        %add3A_448 = arith.addi %add3A_447, %mul3A_2 : i32
        %mul3A_449 = arith.constant 40 : i32
        %mul3A_450 = arith.muli %add3A_398, %mul3A_449 : i32
        %add3A_451 = arith.addi %add3A_448, %mul3A_450 : i32
        %dma_start3A_452 = tpu.memref_slice %arg3[%add3A_451] : memref<640000xi32, #tpu.memory_space<hbm>> -> memref<40xi32, #tpu.memory_space<hbm>>
        %dma_start3A_453 = tpu.memref_slice %arg3[%add3A_451] : memref<640000xi32, #tpu.memory_space<hbm>> -> memref<40xi32, #tpu.memory_space<hbm>>
        tpu.enqueue_dma source(%dma_start3A_453 : memref<40xi32, #tpu.memory_space<hbm>>) target(%arg9 : memref<40xi32, #tpu.memory_space<vmem>>) target_semaphore(%arg25 : memref<!tpu.dma_semaphore, #tpu.memory_space<semaphore_mem>>)
      } else {
      }
      %add3A_404 = arith.constant 1 : i32
      %add3A_405 = arith.addi %scan3A_220, %add3A_404 : i32
      %mul3A_406 = arith.constant 7 : i32
      %mul3A_407 = arith.muli %mul3A_406, %add3A_405 : i32
      %add3A_408 = arith.constant 4 : i32
      %add3A_409 = arith.addi %mul3A_407, %add3A_408 : i32
      %lt3A_410 = arith.constant 250 : i32
      %lt3A_411 = arith.cmpi slt, %add3A_409, %lt3A_410 : i32
      %convert_element_type3A_412 = arith.extui %lt3A_411 : i1 to i32
      %cond3A_413 = arith.constant 0 : i32
      %cond3A_414 = arith.cmpi ne, %convert_element_type3A_412, %cond3A_413 : i32
      scf.if %cond3A_414 {
        %dma_wait3A_438 = arith.constant 0 : i32
        %dma_wait3A_439 = arith.constant 0 : i32
        %dma_wait3A_440 = tpu.memref_slice %arg21[%dma_wait3A_438, %dma_wait3A_439] : memref<10000x128xf32, #tpu.memory_space<vmem_shared>> -> memref<10000x128xf32, #tpu.memory_space<vmem_shared>>
        tpu.wait_indirect_dma semaphore(%arg33 : memref<!tpu.dma_semaphore, #tpu.memory_space<semaphore_mem>>) src(%arg17 : memref<40x128xf32, #tpu.memory_space<vmem>>) dst(%dma_wait3A_440 : memref<10000x128xf32, #tpu.memory_space<vmem_shared>>)
        %mul3A_441 = arith.constant 40 : i32
        %mul3A_442 = arith.muli %add3A_409, %mul3A_441 : i32
        %dma_start3A_443 = tpu.memref_slice %arg5[%mul3A_442] : memref<10000xi32, #tpu.memory_space<vmem>> -> memref<40xi32, #tpu.memory_space<vmem>>
        %dma_start3A_444 = arith.constant 0 : i32
        %dma_start3A_445 = arith.constant 0 : i32
        %dma_start3A_446 = tpu.memref_slice %arg2[%dma_start3A_444, %dma_start3A_445] : memref<10000x128xf32, #tpu.memory_space<hbm>> -> memref<10000x128xf32, #tpu.memory_space<hbm>>
        tpu.enqueue_indirect_dma source(%dma_start3A_446 : memref<10000x128xf32, #tpu.memory_space<hbm>>) target(%arg17 : memref<40x128xf32, #tpu.memory_space<vmem>>) offsets(%dma_start3A_443 : memref<40xi32, #tpu.memory_space<vmem>>) semaphore(%arg26 : memref<!tpu.dma_semaphore, #tpu.memory_space<semaphore_mem>>)
        %add3A_447 = arith.constant 320000 : i32
        %add3A_448 = arith.addi %add3A_447, %mul3A_2 : i32
        %mul3A_449 = arith.constant 40 : i32
        %mul3A_450 = arith.muli %add3A_409, %mul3A_449 : i32
        %add3A_451 = arith.addi %add3A_448, %mul3A_450 : i32
        %dma_start3A_452 = tpu.memref_slice %arg3[%add3A_451] : memref<640000xi32, #tpu.memory_space<hbm>> -> memref<40xi32, #tpu.memory_space<hbm>>
        %dma_start3A_453 = tpu.memref_slice %arg3[%add3A_451] : memref<640000xi32, #tpu.memory_space<hbm>> -> memref<40xi32, #tpu.memory_space<hbm>>
        tpu.enqueue_dma source(%dma_start3A_453 : memref<40xi32, #tpu.memory_space<hbm>>) target(%arg10 : memref<40xi32, #tpu.memory_space<vmem>>) target_semaphore(%arg26 : memref<!tpu.dma_semaphore, #tpu.memory_space<semaphore_mem>>)
      } else {
      }
      %add3A_415 = arith.constant 1 : i32
      %add3A_416 = arith.addi %scan3A_220, %add3A_415 : i32
      %mul3A_417 = arith.constant 7 : i32
      %mul3A_418 = arith.muli %mul3A_417, %add3A_416 : i32
      %add3A_419 = arith.constant 5 : i32
      %add3A_420 = arith.addi %mul3A_418, %add3A_419 : i32
      %lt3A_421 = arith.constant 250 : i32
      %lt3A_422 = arith.cmpi slt, %add3A_420, %lt3A_421 : i32
      %convert_element_type3A_423 = arith.extui %lt3A_422 : i1 to i32
      %cond3A_424 = arith.constant 0 : i32
      %cond3A_425 = arith.cmpi ne, %convert_element_type3A_423, %cond3A_424 : i32
      scf.if %cond3A_425 {
        %dma_wait3A_438 = arith.constant 0 : i32
        %dma_wait3A_439 = arith.constant 0 : i32
        %dma_wait3A_440 = tpu.memref_slice %arg21[%dma_wait3A_438, %dma_wait3A_439] : memref<10000x128xf32, #tpu.memory_space<vmem_shared>> -> memref<10000x128xf32, #tpu.memory_space<vmem_shared>>
        tpu.wait_indirect_dma semaphore(%arg34 : memref<!tpu.dma_semaphore, #tpu.memory_space<semaphore_mem>>) src(%arg18 : memref<40x128xf32, #tpu.memory_space<vmem>>) dst(%dma_wait3A_440 : memref<10000x128xf32, #tpu.memory_space<vmem_shared>>)
        %mul3A_441 = arith.constant 40 : i32
        %mul3A_442 = arith.muli %add3A_420, %mul3A_441 : i32
        %dma_start3A_443 = tpu.memref_slice %arg5[%mul3A_442] : memref<10000xi32, #tpu.memory_space<vmem>> -> memref<40xi32, #tpu.memory_space<vmem>>
        %dma_start3A_444 = arith.constant 0 : i32
        %dma_start3A_445 = arith.constant 0 : i32
        %dma_start3A_446 = tpu.memref_slice %arg2[%dma_start3A_444, %dma_start3A_445] : memref<10000x128xf32, #tpu.memory_space<hbm>> -> memref<10000x128xf32, #tpu.memory_space<hbm>>
        tpu.enqueue_indirect_dma source(%dma_start3A_446 : memref<10000x128xf32, #tpu.memory_space<hbm>>) target(%arg18 : memref<40x128xf32, #tpu.memory_space<vmem>>) offsets(%dma_start3A_443 : memref<40xi32, #tpu.memory_space<vmem>>) semaphore(%arg27 : memref<!tpu.dma_semaphore, #tpu.memory_space<semaphore_mem>>)
        %add3A_447 = arith.constant 320000 : i32
        %add3A_448 = arith.addi %add3A_447, %mul3A_2 : i32
        %mul3A_449 = arith.constant 40 : i32
        %mul3A_450 = arith.muli %add3A_420, %mul3A_449 : i32
        %add3A_451 = arith.addi %add3A_448, %mul3A_450 : i32
        %dma_start3A_452 = tpu.memref_slice %arg3[%add3A_451] : memref<640000xi32, #tpu.memory_space<hbm>> -> memref<40xi32, #tpu.memory_space<hbm>>
        %dma_start3A_453 = tpu.memref_slice %arg3[%add3A_451] : memref<640000xi32, #tpu.memory_space<hbm>> -> memref<40xi32, #tpu.memory_space<hbm>>
        tpu.enqueue_dma source(%dma_start3A_453 : memref<40xi32, #tpu.memory_space<hbm>>) target(%arg11 : memref<40xi32, #tpu.memory_space<vmem>>) target_semaphore(%arg27 : memref<!tpu.dma_semaphore, #tpu.memory_space<semaphore_mem>>)
      } else {
      }
      %add3A_426 = arith.constant 1 : i32
      %add3A_427 = arith.addi %scan3A_220, %add3A_426 : i32
      %mul3A_428 = arith.constant 7 : i32
      %mul3A_429 = arith.muli %mul3A_428, %add3A_427 : i32
      %add3A_430 = arith.constant 6 : i32
      %add3A_431 = arith.addi %mul3A_429, %add3A_430 : i32
      %lt3A_432 = arith.constant 250 : i32
      %lt3A_433 = arith.cmpi slt, %add3A_431, %lt3A_432 : i32
      %convert_element_type3A_434 = arith.extui %lt3A_433 : i1 to i32
      %cond3A_435 = arith.constant 0 : i32
      %cond3A_436 = arith.cmpi ne, %convert_element_type3A_434, %cond3A_435 : i32
      scf.if %cond3A_436 {
        %dma_wait3A_438 = arith.constant 0 : i32
        %dma_wait3A_439 = arith.constant 0 : i32
        %dma_wait3A_440 = tpu.memref_slice %arg21[%dma_wait3A_438, %dma_wait3A_439] : memref<10000x128xf32, #tpu.memory_space<vmem_shared>> -> memref<10000x128xf32, #tpu.memory_space<vmem_shared>>
        tpu.wait_indirect_dma semaphore(%arg35 : memref<!tpu.dma_semaphore, #tpu.memory_space<semaphore_mem>>) src(%arg19 : memref<40x128xf32, #tpu.memory_space<vmem>>) dst(%dma_wait3A_440 : memref<10000x128xf32, #tpu.memory_space<vmem_shared>>)
        %mul3A_441 = arith.constant 40 : i32
        %mul3A_442 = arith.muli %add3A_431, %mul3A_441 : i32
        %dma_start3A_443 = tpu.memref_slice %arg5[%mul3A_442] : memref<10000xi32, #tpu.memory_space<vmem>> -> memref<40xi32, #tpu.memory_space<vmem>>
        %dma_start3A_444 = arith.constant 0 : i32
        %dma_start3A_445 = arith.constant 0 : i32
        %dma_start3A_446 = tpu.memref_slice %arg2[%dma_start3A_444, %dma_start3A_445] : memref<10000x128xf32, #tpu.memory_space<hbm>> -> memref<10000x128xf32, #tpu.memory_space<hbm>>
        tpu.enqueue_indirect_dma source(%dma_start3A_446 : memref<10000x128xf32, #tpu.memory_space<hbm>>) target(%arg19 : memref<40x128xf32, #tpu.memory_space<vmem>>) offsets(%dma_start3A_443 : memref<40xi32, #tpu.memory_space<vmem>>) semaphore(%arg28 : memref<!tpu.dma_semaphore, #tpu.memory_space<semaphore_mem>>)
        %add3A_447 = arith.constant 320000 : i32
        %add3A_448 = arith.addi %add3A_447, %mul3A_2 : i32
        %mul3A_449 = arith.constant 40 : i32
        %mul3A_450 = arith.muli %add3A_431, %mul3A_449 : i32
        %add3A_451 = arith.addi %add3A_448, %mul3A_450 : i32
        %dma_start3A_452 = tpu.memref_slice %arg3[%add3A_451] : memref<640000xi32, #tpu.memory_space<hbm>> -> memref<40xi32, #tpu.memory_space<hbm>>
        %dma_start3A_453 = tpu.memref_slice %arg3[%add3A_451] : memref<640000xi32, #tpu.memory_space<hbm>> -> memref<40xi32, #tpu.memory_space<hbm>>
        tpu.enqueue_dma source(%dma_start3A_453 : memref<40xi32, #tpu.memory_space<hbm>>) target(%arg12 : memref<40xi32, #tpu.memory_space<vmem>>) target_semaphore(%arg28 : memref<!tpu.dma_semaphore, #tpu.memory_space<semaphore_mem>>)
      } else {
      }
      %scan3A_437 = arith.constant 0 : i32
      scf.yield %scan3A_437 : i32
    }
    %scan3A_110 = arith.constant 35 : i32
    %add3A_111 = arith.constant 320000 : i32
    %add3A_112 = arith.addi %add3A_111, %mul3A_2 : i32
    %add3A_113 = arith.constant 9800 : i32
    %add3A_114 = arith.addi %add3A_112, %add3A_113 : i32
    %dma_wait3A_115 = tpu.memref_slice %arg3[%add3A_114] : memref<640000xi32, #tpu.memory_space<hbm>> -> memref<40xi32, #tpu.memory_space<hbm>>
    %dma_wait3A_116 = tpu.memref_slice %arg3[%add3A_114] : memref<640000xi32, #tpu.memory_space<hbm>> -> memref<40xi32, #tpu.memory_space<hbm>>
    tpu.wait_dma2 semaphore(%arg22 : memref<!tpu.dma_semaphore, #tpu.memory_space<semaphore_mem>>) src(%dma_wait3A_116 : memref<40xi32, #tpu.memory_space<hbm>>) dst(%arg6 : memref<40xi32, #tpu.memory_space<vmem>>)
    %dma_wait3A_117 = arith.constant 9800 : i32
    %dma_wait3A_118 = tpu.memref_slice %arg5[%dma_wait3A_117] : memref<10000xi32, #tpu.memory_space<vmem>> -> memref<40xi32, #tpu.memory_space<vmem>>
    %dma_wait3A_119 = arith.constant 0 : i32
    %dma_wait3A_120 = arith.constant 0 : i32
    %dma_wait3A_121 = tpu.memref_slice %arg2[%dma_wait3A_119, %dma_wait3A_120] : memref<10000x128xf32, #tpu.memory_space<hbm>> -> memref<10000x128xf32, #tpu.memory_space<hbm>>
    tpu.wait_indirect_dma semaphore(%arg22 : memref<!tpu.dma_semaphore, #tpu.memory_space<semaphore_mem>>) src(%dma_wait3A_121 : memref<10000x128xf32, #tpu.memory_space<hbm>>) dst(%arg13 : memref<40x128xf32, #tpu.memory_space<vmem>>)
    %dma_start3A_122 = arith.constant 0 : i32
    %dma_start3A_123 = arith.constant 0 : i32
    %dma_start3A_124 = tpu.memref_slice %arg21[%dma_start3A_122, %dma_start3A_123] : memref<10000x128xf32, #tpu.memory_space<vmem_shared>> -> memref<10000x128xf32, #tpu.memory_space<vmem_shared>>
    tpu.enqueue_indirect_dma source(%arg13 : memref<40x128xf32, #tpu.memory_space<vmem>>) target(%dma_start3A_124 : memref<10000x128xf32, #tpu.memory_space<vmem_shared>>) offsets(%arg6 : memref<40xi32, #tpu.memory_space<vmem>>) semaphore(%arg29 : memref<!tpu.dma_semaphore, #tpu.memory_space<semaphore_mem>>) {add = true}
    %add3A_125 = arith.constant 320000 : i32
    %add3A_126 = arith.addi %add3A_125, %mul3A_2 : i32
    %add3A_127 = arith.constant 9840 : i32
    %add3A_128 = arith.addi %add3A_126, %add3A_127 : i32
    %dma_wait3A_129 = tpu.memref_slice %arg3[%add3A_128] : memref<640000xi32, #tpu.memory_space<hbm>> -> memref<40xi32, #tpu.memory_space<hbm>>
    %dma_wait3A_130 = tpu.memref_slice %arg3[%add3A_128] : memref<640000xi32, #tpu.memory_space<hbm>> -> memref<40xi32, #tpu.memory_space<hbm>>
    tpu.wait_dma2 semaphore(%arg23 : memref<!tpu.dma_semaphore, #tpu.memory_space<semaphore_mem>>) src(%dma_wait3A_130 : memref<40xi32, #tpu.memory_space<hbm>>) dst(%arg7 : memref<40xi32, #tpu.memory_space<vmem>>)
    %dma_wait3A_131 = arith.constant 9840 : i32
    %dma_wait3A_132 = tpu.memref_slice %arg5[%dma_wait3A_131] : memref<10000xi32, #tpu.memory_space<vmem>> -> memref<40xi32, #tpu.memory_space<vmem>>
    %dma_wait3A_133 = arith.constant 0 : i32
    %dma_wait3A_134 = arith.constant 0 : i32
    %dma_wait3A_135 = tpu.memref_slice %arg2[%dma_wait3A_133, %dma_wait3A_134] : memref<10000x128xf32, #tpu.memory_space<hbm>> -> memref<10000x128xf32, #tpu.memory_space<hbm>>
    tpu.wait_indirect_dma semaphore(%arg23 : memref<!tpu.dma_semaphore, #tpu.memory_space<semaphore_mem>>) src(%dma_wait3A_135 : memref<10000x128xf32, #tpu.memory_space<hbm>>) dst(%arg14 : memref<40x128xf32, #tpu.memory_space<vmem>>)
    %dma_start3A_136 = arith.constant 0 : i32
    %dma_start3A_137 = arith.constant 0 : i32
    %dma_start3A_138 = tpu.memref_slice %arg21[%dma_start3A_136, %dma_start3A_137] : memref<10000x128xf32, #tpu.memory_space<vmem_shared>> -> memref<10000x128xf32, #tpu.memory_space<vmem_shared>>
    tpu.enqueue_indirect_dma source(%arg14 : memref<40x128xf32, #tpu.memory_space<vmem>>) target(%dma_start3A_138 : memref<10000x128xf32, #tpu.memory_space<vmem_shared>>) offsets(%arg7 : memref<40xi32, #tpu.memory_space<vmem>>) semaphore(%arg30 : memref<!tpu.dma_semaphore, #tpu.memory_space<semaphore_mem>>) {add = true}
    %add3A_139 = arith.constant 320000 : i32
    %add3A_140 = arith.addi %add3A_139, %mul3A_2 : i32
    %add3A_141 = arith.constant 9880 : i32
    %add3A_142 = arith.addi %add3A_140, %add3A_141 : i32
    %dma_wait3A_143 = tpu.memref_slice %arg3[%add3A_142] : memref<640000xi32, #tpu.memory_space<hbm>> -> memref<40xi32, #tpu.memory_space<hbm>>
    %dma_wait3A_144 = tpu.memref_slice %arg3[%add3A_142] : memref<640000xi32, #tpu.memory_space<hbm>> -> memref<40xi32, #tpu.memory_space<hbm>>
    tpu.wait_dma2 semaphore(%arg24 : memref<!tpu.dma_semaphore, #tpu.memory_space<semaphore_mem>>) src(%dma_wait3A_144 : memref<40xi32, #tpu.memory_space<hbm>>) dst(%arg8 : memref<40xi32, #tpu.memory_space<vmem>>)
    %dma_wait3A_145 = arith.constant 9880 : i32
    %dma_wait3A_146 = tpu.memref_slice %arg5[%dma_wait3A_145] : memref<10000xi32, #tpu.memory_space<vmem>> -> memref<40xi32, #tpu.memory_space<vmem>>
    %dma_wait3A_147 = arith.constant 0 : i32
    %dma_wait3A_148 = arith.constant 0 : i32
    %dma_wait3A_149 = tpu.memref_slice %arg2[%dma_wait3A_147, %dma_wait3A_148] : memref<10000x128xf32, #tpu.memory_space<hbm>> -> memref<10000x128xf32, #tpu.memory_space<hbm>>
    tpu.wait_indirect_dma semaphore(%arg24 : memref<!tpu.dma_semaphore, #tpu.memory_space<semaphore_mem>>) src(%dma_wait3A_149 : memref<10000x128xf32, #tpu.memory_space<hbm>>) dst(%arg15 : memref<40x128xf32, #tpu.memory_space<vmem>>)
    %dma_start3A_150 = arith.constant 0 : i32
    %dma_start3A_151 = arith.constant 0 : i32
    %dma_start3A_152 = tpu.memref_slice %arg21[%dma_start3A_150, %dma_start3A_151] : memref<10000x128xf32, #tpu.memory_space<vmem_shared>> -> memref<10000x128xf32, #tpu.memory_space<vmem_shared>>
    tpu.enqueue_indirect_dma source(%arg15 : memref<40x128xf32, #tpu.memory_space<vmem>>) target(%dma_start3A_152 : memref<10000x128xf32, #tpu.memory_space<vmem_shared>>) offsets(%arg8 : memref<40xi32, #tpu.memory_space<vmem>>) semaphore(%arg31 : memref<!tpu.dma_semaphore, #tpu.memory_space<semaphore_mem>>) {add = true}
    %add3A_153 = arith.constant 320000 : i32
    %add3A_154 = arith.addi %add3A_153, %mul3A_2 : i32
    %add3A_155 = arith.constant 9920 : i32
    %add3A_156 = arith.addi %add3A_154, %add3A_155 : i32
    %dma_wait3A_157 = tpu.memref_slice %arg3[%add3A_156] : memref<640000xi32, #tpu.memory_space<hbm>> -> memref<40xi32, #tpu.memory_space<hbm>>
    %dma_wait3A_158 = tpu.memref_slice %arg3[%add3A_156] : memref<640000xi32, #tpu.memory_space<hbm>> -> memref<40xi32, #tpu.memory_space<hbm>>
    tpu.wait_dma2 semaphore(%arg25 : memref<!tpu.dma_semaphore, #tpu.memory_space<semaphore_mem>>) src(%dma_wait3A_158 : memref<40xi32, #tpu.memory_space<hbm>>) dst(%arg9 : memref<40xi32, #tpu.memory_space<vmem>>)
    %dma_wait3A_159 = arith.constant 9920 : i32
    %dma_wait3A_160 = tpu.memref_slice %arg5[%dma_wait3A_159] : memref<10000xi32, #tpu.memory_space<vmem>> -> memref<40xi32, #tpu.memory_space<vmem>>
    %dma_wait3A_161 = arith.constant 0 : i32
    %dma_wait3A_162 = arith.constant 0 : i32
    %dma_wait3A_163 = tpu.memref_slice %arg2[%dma_wait3A_161, %dma_wait3A_162] : memref<10000x128xf32, #tpu.memory_space<hbm>> -> memref<10000x128xf32, #tpu.memory_space<hbm>>
    tpu.wait_indirect_dma semaphore(%arg25 : memref<!tpu.dma_semaphore, #tpu.memory_space<semaphore_mem>>) src(%dma_wait3A_163 : memref<10000x128xf32, #tpu.memory_space<hbm>>) dst(%arg16 : memref<40x128xf32, #tpu.memory_space<vmem>>)
    %dma_start3A_164 = arith.constant 0 : i32
    %dma_start3A_165 = arith.constant 0 : i32
    %dma_start3A_166 = tpu.memref_slice %arg21[%dma_start3A_164, %dma_start3A_165] : memref<10000x128xf32, #tpu.memory_space<vmem_shared>> -> memref<10000x128xf32, #tpu.memory_space<vmem_shared>>
    tpu.enqueue_indirect_dma source(%arg16 : memref<40x128xf32, #tpu.memory_space<vmem>>) target(%dma_start3A_166 : memref<10000x128xf32, #tpu.memory_space<vmem_shared>>) offsets(%arg9 : memref<40xi32, #tpu.memory_space<vmem>>) semaphore(%arg32 : memref<!tpu.dma_semaphore, #tpu.memory_space<semaphore_mem>>) {add = true}
    %add3A_167 = arith.constant 320000 : i32
    %add3A_168 = arith.addi %add3A_167, %mul3A_2 : i32
    %add3A_169 = arith.constant 9960 : i32
    %add3A_170 = arith.addi %add3A_168, %add3A_169 : i32
    %dma_wait3A_171 = tpu.memref_slice %arg3[%add3A_170] : memref<640000xi32, #tpu.memory_space<hbm>> -> memref<40xi32, #tpu.memory_space<hbm>>
    %dma_wait3A_172 = tpu.memref_slice %arg3[%add3A_170] : memref<640000xi32, #tpu.memory_space<hbm>> -> memref<40xi32, #tpu.memory_space<hbm>>
    tpu.wait_dma2 semaphore(%arg26 : memref<!tpu.dma_semaphore, #tpu.memory_space<semaphore_mem>>) src(%dma_wait3A_172 : memref<40xi32, #tpu.memory_space<hbm>>) dst(%arg10 : memref<40xi32, #tpu.memory_space<vmem>>)
    %dma_wait3A_173 = arith.constant 9960 : i32
    %dma_wait3A_174 = tpu.memref_slice %arg5[%dma_wait3A_173] : memref<10000xi32, #tpu.memory_space<vmem>> -> memref<40xi32, #tpu.memory_space<vmem>>
    %dma_wait3A_175 = arith.constant 0 : i32
    %dma_wait3A_176 = arith.constant 0 : i32
    %dma_wait3A_177 = tpu.memref_slice %arg2[%dma_wait3A_175, %dma_wait3A_176] : memref<10000x128xf32, #tpu.memory_space<hbm>> -> memref<10000x128xf32, #tpu.memory_space<hbm>>
    tpu.wait_indirect_dma semaphore(%arg26 : memref<!tpu.dma_semaphore, #tpu.memory_space<semaphore_mem>>) src(%dma_wait3A_177 : memref<10000x128xf32, #tpu.memory_space<hbm>>) dst(%arg17 : memref<40x128xf32, #tpu.memory_space<vmem>>)
    %dma_start3A_178 = arith.constant 0 : i32
    %dma_start3A_179 = arith.constant 0 : i32
    %dma_start3A_180 = tpu.memref_slice %arg21[%dma_start3A_178, %dma_start3A_179] : memref<10000x128xf32, #tpu.memory_space<vmem_shared>> -> memref<10000x128xf32, #tpu.memory_space<vmem_shared>>
    tpu.enqueue_indirect_dma source(%arg17 : memref<40x128xf32, #tpu.memory_space<vmem>>) target(%dma_start3A_180 : memref<10000x128xf32, #tpu.memory_space<vmem_shared>>) offsets(%arg10 : memref<40xi32, #tpu.memory_space<vmem>>) semaphore(%arg33 : memref<!tpu.dma_semaphore, #tpu.memory_space<semaphore_mem>>) {add = true}
    %dma_wait3A_181 = arith.constant 0 : i32
    %dma_wait3A_182 = arith.constant 0 : i32
    %dma_wait3A_183 = tpu.memref_slice %arg21[%dma_wait3A_181, %dma_wait3A_182] : memref<10000x128xf32, #tpu.memory_space<vmem_shared>> -> memref<10000x128xf32, #tpu.memory_space<vmem_shared>>
    tpu.wait_indirect_dma semaphore(%arg34 : memref<!tpu.dma_semaphore, #tpu.memory_space<semaphore_mem>>) src(%arg18 : memref<40x128xf32, #tpu.memory_space<vmem>>) dst(%dma_wait3A_183 : memref<10000x128xf32, #tpu.memory_space<vmem_shared>>)
    %dma_wait3A_184 = arith.constant 0 : i32
    %dma_wait3A_185 = arith.constant 0 : i32
    %dma_wait3A_186 = tpu.memref_slice %arg21[%dma_wait3A_184, %dma_wait3A_185] : memref<10000x128xf32, #tpu.memory_space<vmem_shared>> -> memref<10000x128xf32, #tpu.memory_space<vmem_shared>>
    tpu.wait_indirect_dma semaphore(%arg35 : memref<!tpu.dma_semaphore, #tpu.memory_space<semaphore_mem>>) src(%arg19 : memref<40x128xf32, #tpu.memory_space<vmem>>) dst(%dma_wait3A_186 : memref<10000x128xf32, #tpu.memory_space<vmem_shared>>)
    %dma_wait3A_187 = arith.constant 0 : i32
    %dma_wait3A_188 = arith.constant 0 : i32
    %dma_wait3A_189 = tpu.memref_slice %arg21[%dma_wait3A_187, %dma_wait3A_188] : memref<10000x128xf32, #tpu.memory_space<vmem_shared>> -> memref<10000x128xf32, #tpu.memory_space<vmem_shared>>
    tpu.wait_indirect_dma semaphore(%arg29 : memref<!tpu.dma_semaphore, #tpu.memory_space<semaphore_mem>>) src(%arg13 : memref<40x128xf32, #tpu.memory_space<vmem>>) dst(%dma_wait3A_189 : memref<10000x128xf32, #tpu.memory_space<vmem_shared>>)
    %dma_wait3A_190 = arith.constant 0 : i32
    %dma_wait3A_191 = arith.constant 0 : i32
    %dma_wait3A_192 = tpu.memref_slice %arg21[%dma_wait3A_190, %dma_wait3A_191] : memref<10000x128xf32, #tpu.memory_space<vmem_shared>> -> memref<10000x128xf32, #tpu.memory_space<vmem_shared>>
    tpu.wait_indirect_dma semaphore(%arg30 : memref<!tpu.dma_semaphore, #tpu.memory_space<semaphore_mem>>) src(%arg14 : memref<40x128xf32, #tpu.memory_space<vmem>>) dst(%dma_wait3A_192 : memref<10000x128xf32, #tpu.memory_space<vmem_shared>>)
    %dma_wait3A_193 = arith.constant 0 : i32
    %dma_wait3A_194 = arith.constant 0 : i32
    %dma_wait3A_195 = tpu.memref_slice %arg21[%dma_wait3A_193, %dma_wait3A_194] : memref<10000x128xf32, #tpu.memory_space<vmem_shared>> -> memref<10000x128xf32, #tpu.memory_space<vmem_shared>>
    tpu.wait_indirect_dma semaphore(%arg31 : memref<!tpu.dma_semaphore, #tpu.memory_space<semaphore_mem>>) src(%arg15 : memref<40x128xf32, #tpu.memory_space<vmem>>) dst(%dma_wait3A_195 : memref<10000x128xf32, #tpu.memory_space<vmem_shared>>)
    %dma_wait3A_196 = arith.constant 0 : i32
    %dma_wait3A_197 = arith.constant 0 : i32
    %dma_wait3A_198 = tpu.memref_slice %arg21[%dma_wait3A_196, %dma_wait3A_197] : memref<10000x128xf32, #tpu.memory_space<vmem_shared>> -> memref<10000x128xf32, #tpu.memory_space<vmem_shared>>
    tpu.wait_indirect_dma semaphore(%arg32 : memref<!tpu.dma_semaphore, #tpu.memory_space<semaphore_mem>>) src(%arg16 : memref<40x128xf32, #tpu.memory_space<vmem>>) dst(%dma_wait3A_198 : memref<10000x128xf32, #tpu.memory_space<vmem_shared>>)
    %dma_wait3A_199 = arith.constant 0 : i32
    %dma_wait3A_200 = arith.constant 0 : i32
    %dma_wait3A_201 = tpu.memref_slice %arg21[%dma_wait3A_199, %dma_wait3A_200] : memref<10000x128xf32, #tpu.memory_space<vmem_shared>> -> memref<10000x128xf32, #tpu.memory_space<vmem_shared>>
    tpu.wait_indirect_dma semaphore(%arg33 : memref<!tpu.dma_semaphore, #tpu.memory_space<semaphore_mem>>) src(%arg17 : memref<40x128xf32, #tpu.memory_space<vmem>>) dst(%dma_wait3A_201 : memref<10000x128xf32, #tpu.memory_space<vmem_shared>>)
    %barrier3A_202 = arith.constant 0 : index
    tpu.barrier barrier_id(%barrier3A_202)
    %lt3A_203 = arith.constant 15 : i32
    %lt3A_204 = arith.cmpi slt, %arg1, %lt3A_203 : i32
    %jit3A_205 = arith.constant 8 : i32
    %jit3A_206 = arith.constant 5 : i32
    %select_n3A_207 = arith.select %lt3A_204, %jit3A_205, %jit3A_206 : i32
    %while3A_208 = arith.constant 0 : i32
    %while3A_209 = arith.constant 0 : i32
    %while3A_210 = arith.subi %select_n3A_207, %while3A_208 : i32
    %while3A_211 = arith.addi %while3A_208, %while3A_210 : i32
    %while3A_212 = arith.constant 1 : i32
    %while3A_213 = arith.divsi %while3A_210, %while3A_212 : i32
    %while3A_214 = arith.muli %while3A_213, %while3A_212 : i32
    %while3A_215 = arith.addi %while3A_208, %while3A_214 : i32
    %while3A_216 = arith.constant 1 : i32
    %while3A_217 = scf.for %while3A_220 = %while3A_208 to %while3A_215 step %while3A_216 iter_args(%while3A_221 = %while3A_209) -> (i32)  : i32 {
      %mul3A_222 = arith.constant 80 : i32
      %mul3A_223 = arith.muli %while3A_220, %mul3A_222 : i32
      %add3A_224 = arith.addi %mul3A_14, %mul3A_223 : i32
      "tpu.region"() ({
        %run_scoped3A = tpu.sem_alloc : memref<!tpu.dma_semaphore, #tpu.memory_space<semaphore_mem>>
        %dma_start3A_226 = arith.constant 0 : i32
        %dma_start3A_227 = tpu.memref_slice %arg4[%arg0, %add3A_224, %dma_start3A_226] : memref<2x10000x128xf32, #tpu.memory_space<hbm>> -> memref<1x80x128xf32, #tpu.memory_space<hbm>>
        %dma_start3A_228 = tpu.memref_squeeze %dma_start3A_227 : memref<1x80x128xf32, #tpu.memory_space<hbm>> -> memref<80x128xf32, #tpu.memory_space<hbm>>
        %dma_start3A_229 = arith.constant 0 : i32
        %dma_start3A_230 = tpu.memref_slice %arg21[%add3A_224, %dma_start3A_229] : memref<10000x128xf32, #tpu.memory_space<vmem_shared>> -> memref<80x128xf32, #tpu.memory_space<vmem_shared>>
        tpu.enqueue_dma source(%dma_start3A_230 : memref<80x128xf32, #tpu.memory_space<vmem_shared>>) target(%dma_start3A_228 : memref<80x128xf32, #tpu.memory_space<hbm>>) target_semaphore(%run_scoped3A : memref<!tpu.dma_semaphore, #tpu.memory_space<semaphore_mem>>)
        %dma_wait3A_231 = arith.constant 0 : i32
        %dma_wait3A_232 = tpu.memref_slice %arg4[%arg0, %add3A_224, %dma_wait3A_231] : memref<2x10000x128xf32, #tpu.memory_space<hbm>> -> memref<1x80x128xf32, #tpu.memory_space<hbm>>
        %dma_wait3A_233 = tpu.memref_squeeze %dma_wait3A_232 : memref<1x80x128xf32, #tpu.memory_space<hbm>> -> memref<80x128xf32, #tpu.memory_space<hbm>>
        %dma_wait3A_234 = arith.constant 0 : i32
        %dma_wait3A_235 = tpu.memref_slice %arg21[%add3A_224, %dma_wait3A_234] : memref<10000x128xf32, #tpu.memory_space<vmem_shared>> -> memref<80x128xf32, #tpu.memory_space<vmem_shared>>
        tpu.wait_dma2 semaphore(%run_scoped3A : memref<!tpu.dma_semaphore, #tpu.memory_space<semaphore_mem>>) src(%dma_wait3A_235 : memref<80x128xf32, #tpu.memory_space<vmem_shared>>) dst(%dma_wait3A_233 : memref<80x128xf32, #tpu.memory_space<hbm>>)
        tpu.yield
      }) : () -> ()
      %while3A_225 = arith.constant 0 : i32
      scf.yield %while3A_225 : i32
    }
    %while3A_218 = arith.constant 1 : i32
    %while3A_219 = scf.for %while3A_220 = %while3A_215 to %while3A_211 step %while3A_218 iter_args(%while3A_221 = %while3A_217) -> (i32)  : i32 {
      %mul3A_222 = arith.constant 80 : i32
      %mul3A_223 = arith.muli %while3A_220, %mul3A_222 : i32
      %add3A_224 = arith.addi %mul3A_14, %mul3A_223 : i32
      "tpu.region"() ({
        %run_scoped3A = tpu.sem_alloc : memref<!tpu.dma_semaphore, #tpu.memory_space<semaphore_mem>>
        %dma_start3A_226 = arith.constant 0 : i32
        %dma_start3A_227 = tpu.memref_slice %arg4[%arg0, %add3A_224, %dma_start3A_226] : memref<2x10000x128xf32, #tpu.memory_space<hbm>> -> memref<1x80x128xf32, #tpu.memory_space<hbm>>
        %dma_start3A_228 = tpu.memref_squeeze %dma_start3A_227 : memref<1x80x128xf32, #tpu.memory_space<hbm>> -> memref<80x128xf32, #tpu.memory_space<hbm>>
        %dma_start3A_229 = arith.constant 0 : i32
        %dma_start3A_230 = tpu.memref_slice %arg21[%add3A_224, %dma_start3A_229] : memref<10000x128xf32, #tpu.memory_space<vmem_shared>> -> memref<80x128xf32, #tpu.memory_space<vmem_shared>>
        tpu.enqueue_dma source(%dma_start3A_230 : memref<80x128xf32, #tpu.memory_space<vmem_shared>>) target(%dma_start3A_228 : memref<80x128xf32, #tpu.memory_space<hbm>>) target_semaphore(%run_scoped3A : memref<!tpu.dma_semaphore, #tpu.memory_space<semaphore_mem>>)
        %dma_wait3A_231 = arith.constant 0 : i32
        %dma_wait3A_232 = tpu.memref_slice %arg4[%arg0, %add3A_224, %dma_wait3A_231] : memref<2x10000x128xf32, #tpu.memory_space<hbm>> -> memref<1x80x128xf32, #tpu.memory_space<hbm>>
        %dma_wait3A_233 = tpu.memref_squeeze %dma_wait3A_232 : memref<1x80x128xf32, #tpu.memory_space<hbm>> -> memref<80x128xf32, #tpu.memory_space<hbm>>
        %dma_wait3A_234 = arith.constant 0 : i32
        %dma_wait3A_235 = tpu.memref_slice %arg21[%add3A_224, %dma_wait3A_234] : memref<10000x128xf32, #tpu.memory_space<vmem_shared>> -> memref<80x128xf32, #tpu.memory_space<vmem_shared>>
        tpu.wait_dma2 semaphore(%run_scoped3A : memref<!tpu.dma_semaphore, #tpu.memory_space<semaphore_mem>>) src(%dma_wait3A_235 : memref<80x128xf32, #tpu.memory_space<vmem_shared>>) dst(%dma_wait3A_233 : memref<80x128xf32, #tpu.memory_space<hbm>>)
        tpu.yield
      }) : () -> ()
      %while3A_225 = arith.constant 0 : i32
      scf.yield %while3A_225 : i32
    }
    return
  }
}

#map = affine_map<(d0, d1) -> (0, 0)>
#map1 = affine_map<(d0, d1) -> (0)>
#map2 = affine_map<(d0, d1) -> (0, 0, 0)>
module attributes {stable_mosaic.version = 14 : i64} {
  func.func @_edge_aggr_body(%arg0: i32, %arg1: i32, %arg2: memref<10000x128xf32, #tpu.memory_space<hbm>>, %arg3: memref<640000xi32, #tpu.memory_space<hbm>>, %arg4: memref<2x10000x128xf32, #tpu.memory_space<hbm>>, %arg5: memref<10000xi32, #tpu.memory_space<vmem>>, %arg6: memref<40xi32, #tpu.memory_space<vmem>>, %arg7: memref<40xi32, #tpu.memory_space<vmem>>, %arg8: memref<40xi32, #tpu.memory_space<vmem>>, %arg9: memref<40xi32, #tpu.memory_space<vmem>>, %arg10: memref<40xi32, #tpu.memory_space<vmem>>, %arg11: memref<40xi32, #tpu.memory_space<vmem>>, %arg12: memref<40xi32, #tpu.memory_space<vmem>>, %arg13: memref<40x128xf32, #tpu.memory_space<vmem>>, %arg14: memref<40x128xf32, #tpu.memory_space<vmem>>, %arg15: memref<40x128xf32, #tpu.memory_space<vmem>>, %arg16: memref<40x128xf32, #tpu.memory_space<vmem>>, %arg17: memref<40x128xf32, #tpu.memory_space<vmem>>, %arg18: memref<40x128xf32, #tpu.memory_space<vmem>>, %arg19: memref<40x128xf32, #tpu.memory_space<vmem>>, %arg20: memref<16x128xf32, #tpu.memory_space<vmem>>, %arg21: memref<10000x128xf32, #tpu.memory_space<vmem_shared>>, %arg22: memref<!tpu.dma_semaphore, #tpu.memory_space<semaphore_mem>>, %arg23: memref<!tpu.dma_semaphore, #tpu.memory_space<semaphore_mem>>, %arg24: memref<!tpu.dma_semaphore, #tpu.memory_space<semaphore_mem>>, %arg25: memref<!tpu.dma_semaphore, #tpu.memory_space<semaphore_mem>>, %arg26: memref<!tpu.dma_semaphore, #tpu.memory_space<semaphore_mem>>, %arg27: memref<!tpu.dma_semaphore, #tpu.memory_space<semaphore_mem>>, %arg28: memref<!tpu.dma_semaphore, #tpu.memory_space<semaphore_mem>>, %arg29: memref<!tpu.dma_semaphore, #tpu.memory_space<semaphore_mem>>, %arg30: memref<!tpu.dma_semaphore, #tpu.memory_space<semaphore_mem>>, %arg31: memref<!tpu.dma_semaphore, #tpu.memory_space<semaphore_mem>>, %arg32: memref<!tpu.dma_semaphore, #tpu.memory_space<semaphore_mem>>, %arg33: memref<!tpu.dma_semaphore, #tpu.memory_space<semaphore_mem>>, %arg34: memref<!tpu.dma_semaphore, #tpu.memory_space<semaphore_mem>>, %arg35: memref<!tpu.dma_semaphore, #tpu.memory_space<semaphore_mem>>) attributes {dimension_semantics = [#tpu.dimension_semantics<core_parallel>, #tpu.dimension_semantics<subcore_parallel>], iteration_bounds = array<i64: 2, 16>, scalar_prefetch = 0 : i64, scratch_operands = 31 : i64, tpu.core_type = #tpu.core_type<sc_vector_subcore>, window_params = [{transform_indices = #map}, {transform_indices = #map1}, {transform_indices = #map2}]} {
    %mul3A = arith.constant 16 : i32
    %mul3A_0 = arith.muli %arg0, %mul3A : i32
    %add3A = arith.addi %mul3A_0, %arg1 : i32
    %mul3A_1 = arith.constant 10000 : i32
    %mul3A_2 = arith.muli %add3A, %mul3A_1 : i32
    %dma_start3A = tpu.memref_slice %arg3[%mul3A_2] : memref<640000xi32, #tpu.memory_space<hbm>> -> memref<10000xi32, #tpu.memory_space<hbm>>
    %dma_start3A_3 = tpu.memref_slice %arg3[%mul3A_2] : memref<640000xi32, #tpu.memory_space<hbm>> -> memref<10000xi32, #tpu.memory_space<hbm>>
    tpu.enqueue_dma source(%dma_start3A_3 : memref<10000xi32, #tpu.memory_space<hbm>>) target(%arg5 : memref<10000xi32, #tpu.memory_space<vmem>>) target_semaphore(%arg29 : memref<!tpu.dma_semaphore, #tpu.memory_space<semaphore_mem>>)
    %broadcast_in_dim3A = arith.constant 0.000000e+00 : f32
    %broadcast_in_dim3A_4 = vector.broadcast %broadcast_in_dim3A : f32 to vector<16xf32>
    %scan3A = arith.constant 0 : i32
    %scan3A_5 = arith.constant 0 : i32
    %scan3A_6 = arith.constant 128 : i32
    %scan3A_7 = arith.addi %scan3A_5, %scan3A_6 : i32
    %scan3A_8 = arith.constant 1 : i32
    %scan3A_9 = scf.for %scan3A_220 = %scan3A_5 to %scan3A_7 step %scan3A_8 iter_args(%scan3A_221 = %scan3A) -> (i32)  : i32 {
      %jit3A_222 = arith.constant 8 : i32
      %div3A = arith.divsi %scan3A_220, %jit3A_222 : i32
      %sign3A = arith.constant 0 : i32
      %sign3A_223 = arith.cmpi sgt, %scan3A_220, %sign3A : i32
      %sign3A_224 = arith.extui %sign3A_223 : i1 to i32
      %sign3A_225 = arith.constant 0 : i32
      %sign3A_226 = arith.cmpi slt, %scan3A_220, %sign3A_225 : i32
      %sign3A_227 = arith.extui %sign3A_226 : i1 to i32
      %sign3A_228 = arith.subi %sign3A_224, %sign3A_227 : i32
      %sign3A_229 = arith.constant 0 : i32
      %sign3A_230 = arith.cmpi sgt, %jit3A_222, %sign3A_229 : i32
      %sign3A_231 = arith.extui %sign3A_230 : i1 to i32
      %sign3A_232 = arith.constant 0 : i32
      %sign3A_233 = arith.cmpi slt, %jit3A_222, %sign3A_232 : i32
      %sign3A_234 = arith.extui %sign3A_233 : i1 to i32
      %sign3A_235 = arith.subi %sign3A_231, %sign3A_234 : i32
      %ne3A = arith.cmpi ne, %sign3A_228, %sign3A_235 : i32
      %rem3A = arith.remsi %scan3A_220, %jit3A_222 : i32
      %ne3A_236 = arith.constant 0 : i32
      %ne3A_237 = arith.cmpi ne, %rem3A, %ne3A_236 : i32
      %and3A = arith.andi %ne3A, %ne3A_237 : i1
      %sub3A = arith.constant 1 : i32
      %sub3A_238 = arith.subi %div3A, %sub3A : i32
      %select_n3A_239 = arith.select %and3A, %sub3A_238, %div3A : i32
      %jit3A_240 = arith.constant 8 : i32
      %eq3A = arith.constant 0 : i32
      %eq3A_241 = arith.cmpi eq, %jit3A_240, %eq3A : i32
      %jit3A_242 = arith.constant 1 : i32
      %select_n3A_243 = arith.select %eq3A_241, %jit3A_242, %jit3A_240 : i32
      %rem3A_244 = arith.remsi %scan3A_220, %select_n3A_243 : i32
      %ne3A_245 = arith.constant 0 : i32
      %ne3A_246 = arith.cmpi ne, %rem3A_244, %ne3A_245 : i32
      %lt3A_247 = arith.constant 0 : i32
      %lt3A_248 = arith.cmpi slt, %rem3A_244, %lt3A_247 : i32
      %lt3A_249 = arith.constant 0 : i32
      %lt3A_250 = arith.cmpi slt, %select_n3A_243, %lt3A_249 : i32
      %ne3A_251 = arith.xori %lt3A_248, %lt3A_250 : i1
      %and3A_252 = arith.andi %ne3A_251, %ne3A_246 : i1
      %add3A_253 = arith.addi %rem3A_244, %select_n3A_243 : i32
      %select_n3A_254 = arith.select %and3A_252, %add3A_253, %rem3A_244 : i32
      %mul3A_255 = arith.constant 16 : i32
      %mul3A_256 = arith.muli %select_n3A_254, %mul3A_255 : i32
      %swap3A = arith.index_cast %select_n3A_239 : i32 to index
      %swap3A_257 = arith.index_cast %mul3A_256 : i32 to index
      %swap3A_258 = tpu.vector_load %arg20[%swap3A, %swap3A_257] {strides = array<i32>} : memref<16x128xf32, #tpu.memory_space<vmem>>, vector<1x16xf32>,
      %swap3A_259 = vector.shape_cast %swap3A_258 : vector<1x16xf32> to vector<16xf32>
      %swap3A_260 = vector.shape_cast %broadcast_in_dim3A_4 : vector<16xf32> to vector<1x16xf32>
      tpu.vector_store %arg20[%swap3A, %swap3A_257], %swap3A_260 {strides = array<i32>} : memref<16x128xf32, #tpu.memory_space<vmem>>, vector<1x16xf32>,
      %scan3A_261 = arith.constant 0 : i32
      scf.yield %scan3A_261 : i32
    }
    %scan3A_10 = arith.constant 128 : i32
    %lt3A = arith.constant 15 : i32
    %lt3A_11 = arith.cmpi slt, %arg1, %lt3A : i32
    %jit3A = arith.constant 40 : i32
    %jit3A_12 = arith.constant 25 : i32
    %select_n3A = arith.select %lt3A_11, %jit3A, %jit3A_12 : i32
    %mul3A_13 = arith.constant 640 : i32
    %mul3A_14 = arith.muli %arg1, %mul3A_13 : i32
    %while3A = arith.constant 0 : i32
    %while3A_15 = arith.constant 0 : i32
    %while3A_16 = arith.subi %select_n3A, %while3A : i32
    %while3A_17 = arith.addi %while3A, %while3A_16 : i32
    %while3A_18 = arith.constant 1 : i32
    %while3A_19 = arith.divsi %while3A_16, %while3A_18 : i32
    %while3A_20 = arith.muli %while3A_19, %while3A_18 : i32
    %while3A_21 = arith.addi %while3A, %while3A_20 : i32
    %while3A_22 = arith.constant 1 : i32
    %while3A_23 = scf.for %while3A_220 = %while3A to %while3A_21 step %while3A_22 iter_args(%while3A_221 = %while3A_15) -> (i32)  : i32 {
      %mul3A_222 = arith.constant 16 : i32
      %mul3A_223 = arith.muli %while3A_220, %mul3A_222 : i32
      %add3A_224 = arith.addi %mul3A_14, %mul3A_223 : i32
      "tpu.region"() ({
        %run_scoped3A = tpu.sem_alloc : memref<!tpu.dma_semaphore, #tpu.memory_space<semaphore_mem>>
        %dma_start3A_226 = arith.constant 0 : i32
        %dma_start3A_227 = tpu.memref_slice %arg21[%add3A_224, %dma_start3A_226] : memref<10000x128xf32, #tpu.memory_space<vmem_shared>> -> memref<16x128xf32, #tpu.memory_space<vmem_shared>>
        %dma_start3A_228 = arith.constant 0 : i32
        %dma_start3A_229 = tpu.memref_slice %arg21[%add3A_224, %dma_start3A_228] : memref<10000x128xf32, #tpu.memory_space<vmem_shared>> -> memref<16x128xf32, #tpu.memory_space<vmem_shared>>
        tpu.enqueue_dma source(%arg20 : memref<16x128xf32, #tpu.memory_space<vmem>>) target(%dma_start3A_229 : memref<16x128xf32, #tpu.memory_space<vmem_shared>>) target_semaphore(%run_scoped3A : memref<!tpu.dma_semaphore, #tpu.memory_space<semaphore_mem>>)
        %dma_wait3A_230 = arith.constant 0 : i32
        %dma_wait3A_231 = tpu.memref_slice %arg21[%add3A_224, %dma_wait3A_230] : memref<10000x128xf32, #tpu.memory_space<vmem_shared>> -> memref<16x128xf32, #tpu.memory_space<vmem_shared>>
        %dma_wait3A_232 = arith.constant 0 : i32
        %dma_wait3A_233 = tpu.memref_slice %arg21[%add3A_224, %dma_wait3A_232] : memref<10000x128xf32, #tpu.memory_space<vmem_shared>> -> memref<16x128xf32, #tpu.memory_space<vmem_shared>>
        tpu.wait_dma2 semaphore(%run_scoped3A : memref<!tpu.dma_semaphore, #tpu.memory_space<semaphore_mem>>) src(%arg20 : memref<16x128xf32, #tpu.memory_space<vmem>>) dst(%dma_wait3A_233 : memref<16x128xf32, #tpu.memory_space<vmem_shared>>)
        tpu.yield
      }) : () -> ()
      %while3A_225 = arith.constant 0 : i32
      scf.yield %while3A_225 : i32
    }
    %while3A_24 = arith.constant 1 : i32
    %while3A_25 = scf.for %while3A_220 = %while3A_21 to %while3A_17 step %while3A_24 iter_args(%while3A_221 = %while3A_23) -> (i32)  : i32 {
      %mul3A_222 = arith.constant 16 : i32
      %mul3A_223 = arith.muli %while3A_220, %mul3A_222 : i32
      %add3A_224 = arith.addi %mul3A_14, %mul3A_223 : i32
      "tpu.region"() ({
        %run_scoped3A = tpu.sem_alloc : memref<!tpu.dma_semaphore, #tpu.memory_space<semaphore_mem>>
        %dma_start3A_226 = arith.constant 0 : i32
        %dma_start3A_227 = tpu.memref_slice %arg21[%add3A_224, %dma_start3A_226] : memref<10000x128xf32, #tpu.memory_space<vmem_shared>> -> memref<16x128xf32, #tpu.memory_space<vmem_shared>>
        %dma_start3A_228 = arith.constant 0 : i32
        %dma_start3A_229 = tpu.memref_slice %arg21[%add3A_224, %dma_start3A_228] : memref<10000x128xf32, #tpu.memory_space<vmem_shared>> -> memref<16x128xf32, #tpu.memory_space<vmem_shared>>
        tpu.enqueue_dma source(%arg20 : memref<16x128xf32, #tpu.memory_space<vmem>>) target(%dma_start3A_229 : memref<16x128xf32, #tpu.memory_space<vmem_shared>>) target_semaphore(%run_scoped3A : memref<!tpu.dma_semaphore, #tpu.memory_space<semaphore_mem>>)
        %dma_wait3A_230 = arith.constant 0 : i32
        %dma_wait3A_231 = tpu.memref_slice %arg21[%add3A_224, %dma_wait3A_230] : memref<10000x128xf32, #tpu.memory_space<vmem_shared>> -> memref<16x128xf32, #tpu.memory_space<vmem_shared>>
        %dma_wait3A_232 = arith.constant 0 : i32
        %dma_wait3A_233 = tpu.memref_slice %arg21[%add3A_224, %dma_wait3A_232] : memref<10000x128xf32, #tpu.memory_space<vmem_shared>> -> memref<16x128xf32, #tpu.memory_space<vmem_shared>>
        tpu.wait_dma2 semaphore(%run_scoped3A : memref<!tpu.dma_semaphore, #tpu.memory_space<semaphore_mem>>) src(%arg20 : memref<16x128xf32, #tpu.memory_space<vmem>>) dst(%dma_wait3A_233 : memref<16x128xf32, #tpu.memory_space<vmem_shared>>)
        tpu.yield
      }) : () -> ()
      %while3A_225 = arith.constant 0 : i32
      scf.yield %while3A_225 : i32
    }
    %dma_wait3A = tpu.memref_slice %arg3[%mul3A_2] : memref<640000xi32, #tpu.memory_space<hbm>> -> memref<10000xi32, #tpu.memory_space<hbm>>
    %dma_wait3A_26 = tpu.memref_slice %arg3[%mul3A_2] : memref<640000xi32, #tpu.memory_space<hbm>> -> memref<10000xi32, #tpu.memory_space<hbm>>
    tpu.wait_dma2 semaphore(%arg29 : memref<!tpu.dma_semaphore, #tpu.memory_space<semaphore_mem>>) src(%dma_wait3A_26 : memref<10000xi32, #tpu.memory_space<hbm>>) dst(%arg5 : memref<10000xi32, #tpu.memory_space<vmem>>)
    %barrier3A = arith.constant 0 : index
    tpu.barrier barrier_id(%barrier3A)
    %dma_start3A_27 = arith.constant 0 : i32
    %dma_start3A_28 = tpu.memref_slice %arg5[%dma_start3A_27] : memref<10000xi32, #tpu.memory_space<vmem>> -> memref<40xi32, #tpu.memory_space<vmem>>
    %dma_start3A_29 = arith.constant 0 : i32
    %dma_start3A_30 = arith.constant 0 : i32
    %dma_start3A_31 = tpu.memref_slice %arg2[%dma_start3A_29, %dma_start3A_30] : memref<10000x128xf32, #tpu.memory_space<hbm>> -> memref<10000x128xf32, #tpu.memory_space<hbm>>
    tpu.enqueue_indirect_dma source(%dma_start3A_31 : memref<10000x128xf32, #tpu.memory_space<hbm>>) target(%arg13 : memref<40x128xf32, #tpu.memory_space<vmem>>) offsets(%dma_start3A_28 : memref<40xi32, #tpu.memory_space<vmem>>) semaphore(%arg22 : memref<!tpu.dma_semaphore, #tpu.memory_space<semaphore_mem>>)
    %add3A_32 = arith.constant 320000 : i32
    %add3A_33 = arith.addi %add3A_32, %mul3A_2 : i32
    %add3A_34 = arith.constant 0 : i32
    %add3A_35 = arith.addi %add3A_33, %add3A_34 : i32
    %dma_start3A_36 = tpu.memref_slice %arg3[%add3A_35] : memref<640000xi32, #tpu.memory_space<hbm>> -> memref<40xi32, #tpu.memory_space<hbm>>
    %dma_start3A_37 = tpu.memref_slice %arg3[%add3A_35] : memref<640000xi32, #tpu.memory_space<hbm>> -> memref<40xi32, #tpu.memory_space<hbm>>
    tpu.enqueue_dma source(%dma_start3A_37 : memref<40xi32, #tpu.memory_space<hbm>>) target(%arg6 : memref<40xi32, #tpu.memory_space<vmem>>) target_semaphore(%arg22 : memref<!tpu.dma_semaphore, #tpu.memory_space<semaphore_mem>>)
    %dma_start3A_38 = arith.constant 40 : i32
    %dma_start3A_39 = tpu.memref_slice %arg5[%dma_start3A_38] : memref<10000xi32, #tpu.memory_space<vmem>> -> memref<40xi32, #tpu.memory_space<vmem>>
    %dma_start3A_40 = arith.constant 0 : i32
    %dma_start3A_41 = arith.constant 0 : i32
    %dma_start3A_42 = tpu.memref_slice %arg2[%dma_start3A_40, %dma_start3A_41] : memref<10000x128xf32, #tpu.memory_space<hbm>> -> memref<10000x128xf32, #tpu.memory_space<hbm>>
    tpu.enqueue_indirect_dma source(%dma_start3A_42 : memref<10000x128xf32, #tpu.memory_space<hbm>>) target(%arg14 : memref<40x128xf32, #tpu.memory_space<vmem>>) offsets(%dma_start3A_39 : memref<40xi32, #tpu.memory_space<vmem>>) semaphore(%arg23 : memref<!tpu.dma_semaphore, #tpu.memory_space<semaphore_mem>>)
    %add3A_43 = arith.constant 320000 : i32
    %add3A_44 = arith.addi %add3A_43, %mul3A_2 : i32
    %add3A_45 = arith.constant 40 : i32
    %add3A_46 = arith.addi %add3A_44, %add3A_45 : i32
    %dma_start3A_47 = tpu.memref_slice %arg3[%add3A_46] : memref<640000xi32, #tpu.memory_space<hbm>> -> memref<40xi32, #tpu.memory_space<hbm>>
    %dma_start3A_48 = tpu.memref_slice %arg3[%add3A_46] : memref<640000xi32, #tpu.memory_space<hbm>> -> memref<40xi32, #tpu.memory_space<hbm>>
    tpu.enqueue_dma source(%dma_start3A_48 : memref<40xi32, #tpu.memory_space<hbm>>) target(%arg7 : memref<40xi32, #tpu.memory_space<vmem>>) target_semaphore(%arg23 : memref<!tpu.dma_semaphore, #tpu.memory_space<semaphore_mem>>)
    %dma_start3A_49 = arith.constant 80 : i32
    %dma_start3A_50 = tpu.memref_slice %arg5[%dma_start3A_49] : memref<10000xi32, #tpu.memory_space<vmem>> -> memref<40xi32, #tpu.memory_space<vmem>>
    %dma_start3A_51 = arith.constant 0 : i32
    %dma_start3A_52 = arith.constant 0 : i32
    %dma_start3A_53 = tpu.memref_slice %arg2[%dma_start3A_51, %dma_start3A_52] : memref<10000x128xf32, #tpu.memory_space<hbm>> -> memref<10000x128xf32, #tpu.memory_space<hbm>>
    tpu.enqueue_indirect_dma source(%dma_start3A_53 : memref<10000x128xf32, #tpu.memory_space<hbm>>) target(%arg15 : memref<40x128xf32, #tpu.memory_space<vmem>>) offsets(%dma_start3A_50 : memref<40xi32, #tpu.memory_space<vmem>>) semaphore(%arg24 : memref<!tpu.dma_semaphore, #tpu.memory_space<semaphore_mem>>)
    %add3A_54 = arith.constant 320000 : i32
    %add3A_55 = arith.addi %add3A_54, %mul3A_2 : i32
    %add3A_56 = arith.constant 80 : i32
    %add3A_57 = arith.addi %add3A_55, %add3A_56 : i32
    %dma_start3A_58 = tpu.memref_slice %arg3[%add3A_57] : memref<640000xi32, #tpu.memory_space<hbm>> -> memref<40xi32, #tpu.memory_space<hbm>>
    %dma_start3A_59 = tpu.memref_slice %arg3[%add3A_57] : memref<640000xi32, #tpu.memory_space<hbm>> -> memref<40xi32, #tpu.memory_space<hbm>>
    tpu.enqueue_dma source(%dma_start3A_59 : memref<40xi32, #tpu.memory_space<hbm>>) target(%arg8 : memref<40xi32, #tpu.memory_space<vmem>>) target_semaphore(%arg24 : memref<!tpu.dma_semaphore, #tpu.memory_space<semaphore_mem>>)
    %dma_start3A_60 = arith.constant 120 : i32
    %dma_start3A_61 = tpu.memref_slice %arg5[%dma_start3A_60] : memref<10000xi32, #tpu.memory_space<vmem>> -> memref<40xi32, #tpu.memory_space<vmem>>
    %dma_start3A_62 = arith.constant 0 : i32
    %dma_start3A_63 = arith.constant 0 : i32
    %dma_start3A_64 = tpu.memref_slice %arg2[%dma_start3A_62, %dma_start3A_63] : memref<10000x128xf32, #tpu.memory_space<hbm>> -> memref<10000x128xf32, #tpu.memory_space<hbm>>
    tpu.enqueue_indirect_dma source(%dma_start3A_64 : memref<10000x128xf32, #tpu.memory_space<hbm>>) target(%arg16 : memref<40x128xf32, #tpu.memory_space<vmem>>) offsets(%dma_start3A_61 : memref<40xi32, #tpu.memory_space<vmem>>) semaphore(%arg25 : memref<!tpu.dma_semaphore, #tpu.memory_space<semaphore_mem>>)
    %add3A_65 = arith.constant 320000 : i32
    %add3A_66 = arith.addi %add3A_65, %mul3A_2 : i32
    %add3A_67 = arith.constant 120 : i32
    %add3A_68 = arith.addi %add3A_66, %add3A_67 : i32
    %dma_start3A_69 = tpu.memref_slice %arg3[%add3A_68] : memref<640000xi32, #tpu.memory_space<hbm>> -> memref<40xi32, #tpu.memory_space<hbm>>
    %dma_start3A_70 = tpu.memref_slice %arg3[%add3A_68] : memref<640000xi32, #tpu.memory_space<hbm>> -> memref<40xi32, #tpu.memory_space<hbm>>
    tpu.enqueue_dma source(%dma_start3A_70 : memref<40xi32, #tpu.memory_space<hbm>>) target(%arg9 : memref<40xi32, #tpu.memory_space<vmem>>) target_semaphore(%arg25 : memref<!tpu.dma_semaphore, #tpu.memory_space<semaphore_mem>>)
    %dma_start3A_71 = arith.constant 160 : i32
    %dma_start3A_72 = tpu.memref_slice %arg5[%dma_start3A_71] : memref<10000xi32, #tpu.memory_space<vmem>> -> memref<40xi32, #tpu.memory_space<vmem>>
    %dma_start3A_73 = arith.constant 0 : i32
    %dma_start3A_74 = arith.constant 0 : i32
    %dma_start3A_75 = tpu.memref_slice %arg2[%dma_start3A_73, %dma_start3A_74] : memref<10000x128xf32, #tpu.memory_space<hbm>> -> memref<10000x128xf32, #tpu.memory_space<hbm>>
    tpu.enqueue_indirect_dma source(%dma_start3A_75 : memref<10000x128xf32, #tpu.memory_space<hbm>>) target(%arg17 : memref<40x128xf32, #tpu.memory_space<vmem>>) offsets(%dma_start3A_72 : memref<40xi32, #tpu.memory_space<vmem>>) semaphore(%arg26 : memref<!tpu.dma_semaphore, #tpu.memory_space<semaphore_mem>>)
    %add3A_76 = arith.constant 320000 : i32
    %add3A_77 = arith.addi %add3A_76, %mul3A_2 : i32
    %add3A_78 = arith.constant 160 : i32
    %add3A_79 = arith.addi %add3A_77, %add3A_78 : i32
    %dma_start3A_80 = tpu.memref_slice %arg3[%add3A_79] : memref<640000xi32, #tpu.memory_space<hbm>> -> memref<40xi32, #tpu.memory_space<hbm>>
    %dma_start3A_81 = tpu.memref_slice %arg3[%add3A_79] : memref<640000xi32, #tpu.memory_space<hbm>> -> memref<40xi32, #tpu.memory_space<hbm>>
    tpu.enqueue_dma source(%dma_start3A_81 : memref<40xi32, #tpu.memory_space<hbm>>) target(%arg10 : memref<40xi32, #tpu.memory_space<vmem>>) target_semaphore(%arg26 : memref<!tpu.dma_semaphore, #tpu.memory_space<semaphore_mem>>)
    %dma_start3A_82 = arith.constant 200 : i32
    %dma_start3A_83 = tpu.memref_slice %arg5[%dma_start3A_82] : memref<10000xi32, #tpu.memory_space<vmem>> -> memref<40xi32, #tpu.memory_space<vmem>>
    %dma_start3A_84 = arith.constant 0 : i32
    %dma_start3A_85 = arith.constant 0 : i32
    %dma_start3A_86 = tpu.memref_slice %arg2[%dma_start3A_84, %dma_start3A_85] : memref<10000x128xf32, #tpu.memory_space<hbm>> -> memref<10000x128xf32, #tpu.memory_space<hbm>>
    tpu.enqueue_indirect_dma source(%dma_start3A_86 : memref<10000x128xf32, #tpu.memory_space<hbm>>) target(%arg18 : memref<40x128xf32, #tpu.memory_space<vmem>>) offsets(%dma_start3A_83 : memref<40xi32, #tpu.memory_space<vmem>>) semaphore(%arg27 : memref<!tpu.dma_semaphore, #tpu.memory_space<semaphore_mem>>)
    %add3A_87 = arith.constant 320000 : i32
    %add3A_88 = arith.addi %add3A_87, %mul3A_2 : i32
    %add3A_89 = arith.constant 200 : i32
    %add3A_90 = arith.addi %add3A_88, %add3A_89 : i32
    %dma_start3A_91 = tpu.memref_slice %arg3[%add3A_90] : memref<640000xi32, #tpu.memory_space<hbm>> -> memref<40xi32, #tpu.memory_space<hbm>>
    %dma_start3A_92 = tpu.memref_slice %arg3[%add3A_90] : memref<640000xi32, #tpu.memory_space<hbm>> -> memref<40xi32, #tpu.memory_space<hbm>>
    tpu.enqueue_dma source(%dma_start3A_92 : memref<40xi32, #tpu.memory_space<hbm>>) target(%arg11 : memref<40xi32, #tpu.memory_space<vmem>>) target_semaphore(%arg27 : memref<!tpu.dma_semaphore, #tpu.memory_space<semaphore_mem>>)
    %dma_start3A_93 = arith.constant 240 : i32
    %dma_start3A_94 = tpu.memref_slice %arg5[%dma_start3A_93] : memref<10000xi32, #tpu.memory_space<vmem>> -> memref<40xi32, #tpu.memory_space<vmem>>
    %dma_start3A_95 = arith.constant 0 : i32
    %dma_start3A_96 = arith.constant 0 : i32
    %dma_start3A_97 = tpu.memref_slice %arg2[%dma_start3A_95, %dma_start3A_96] : memref<10000x128xf32, #tpu.memory_space<hbm>> -> memref<10000x128xf32, #tpu.memory_space<hbm>>
    tpu.enqueue_indirect_dma source(%dma_start3A_97 : memref<10000x128xf32, #tpu.memory_space<hbm>>) target(%arg19 : memref<40x128xf32, #tpu.memory_space<vmem>>) offsets(%dma_start3A_94 : memref<40xi32, #tpu.memory_space<vmem>>) semaphore(%arg28 : memref<!tpu.dma_semaphore, #tpu.memory_space<semaphore_mem>>)
    %add3A_98 = arith.constant 320000 : i32
    %add3A_99 = arith.addi %add3A_98, %mul3A_2 : i32
    %add3A_100 = arith.constant 240 : i32
    %add3A_101 = arith.addi %add3A_99, %add3A_100 : i32
    %dma_start3A_102 = tpu.memref_slice %arg3[%add3A_101] : memref<640000xi32, #tpu.memory_space<hbm>> -> memref<40xi32, #tpu.memory_space<hbm>>
    %dma_start3A_103 = tpu.memref_slice %arg3[%add3A_101] : memref<640000xi32, #tpu.memory_space<hbm>> -> memref<40xi32, #tpu.memory_space<hbm>>
    tpu.enqueue_dma source(%dma_start3A_103 : memref<40xi32, #tpu.memory_space<hbm>>) target(%arg12 : memref<40xi32, #tpu.memory_space<vmem>>) target_semaphore(%arg28 : memref<!tpu.dma_semaphore, #tpu.memory_space<semaphore_mem>>)
    %scan3A_104 = arith.constant 0 : i32
    %scan3A_105 = arith.constant 0 : i32
    %scan3A_106 = arith.constant 35 : i32
    %scan3A_107 = arith.addi %scan3A_105, %scan3A_106 : i32
    %scan3A_108 = arith.constant 1 : i32
    %scan3A_109 = scf.for %scan3A_220 = %scan3A_105 to %scan3A_107 step %scan3A_108 iter_args(%scan3A_221 = %scan3A_104) -> (i32)  : i32 {
      %mul3A_222 = arith.constant 7 : i32
      %mul3A_223 = arith.muli %mul3A_222, %scan3A_220 : i32
      %add3A_224 = arith.constant 0 : i32
      %add3A_225 = arith.addi %mul3A_223, %add3A_224 : i32
      %add3A_226 = arith.constant 320000 : i32
      %add3A_227 = arith.addi %add3A_226, %mul3A_2 : i32
      %mul3A_228 = arith.constant 40 : i32
      %mul3A_229 = arith.muli %add3A_225, %mul3A_228 : i32
      %add3A_230 = arith.addi %add3A_227, %mul3A_229 : i32
      %dma_wait3A_231 = tpu.memref_slice %arg3[%add3A_230] : memref<640000xi32, #tpu.memory_space<hbm>> -> memref<40xi32, #tpu.memory_space<hbm>>
      %dma_wait3A_232 = tpu.memref_slice %arg3[%add3A_230] : memref<640000xi32, #tpu.memory_space<hbm>> -> memref<40xi32, #tpu.memory_space<hbm>>
      tpu.wait_dma2 semaphore(%arg22 : memref<!tpu.dma_semaphore, #tpu.memory_space<semaphore_mem>>) src(%dma_wait3A_232 : memref<40xi32, #tpu.memory_space<hbm>>) dst(%arg6 : memref<40xi32, #tpu.memory_space<vmem>>)
      %mul3A_233 = arith.constant 40 : i32
      %mul3A_234 = arith.muli %add3A_225, %mul3A_233 : i32
      %dma_wait3A_235 = tpu.memref_slice %arg5[%mul3A_234] : memref<10000xi32, #tpu.memory_space<vmem>> -> memref<40xi32, #tpu.memory_space<vmem>>
      %dma_wait3A_236 = arith.constant 0 : i32
      %dma_wait3A_237 = arith.constant 0 : i32
      %dma_wait3A_238 = tpu.memref_slice %arg2[%dma_wait3A_236, %dma_wait3A_237] : memref<10000x128xf32, #tpu.memory_space<hbm>> -> memref<10000x128xf32, #tpu.memory_space<hbm>>
      tpu.wait_indirect_dma semaphore(%arg22 : memref<!tpu.dma_semaphore, #tpu.memory_space<semaphore_mem>>) src(%dma_wait3A_238 : memref<10000x128xf32, #tpu.memory_space<hbm>>) dst(%arg13 : memref<40x128xf32, #tpu.memory_space<vmem>>)
      %dma_start3A_239 = arith.constant 0 : i32
      %dma_start3A_240 = arith.constant 0 : i32
      %dma_start3A_241 = tpu.memref_slice %arg21[%dma_start3A_239, %dma_start3A_240] : memref<10000x128xf32, #tpu.memory_space<vmem_shared>> -> memref<10000x128xf32, #tpu.memory_space<vmem_shared>>
      tpu.enqueue_indirect_dma source(%arg13 : memref<40x128xf32, #tpu.memory_space<vmem>>) target(%dma_start3A_241 : memref<10000x128xf32, #tpu.memory_space<vmem_shared>>) offsets(%arg6 : memref<40xi32, #tpu.memory_space<vmem>>) semaphore(%arg29 : memref<!tpu.dma_semaphore, #tpu.memory_space<semaphore_mem>>) {add = true}
      %mul3A_242 = arith.constant 7 : i32
      %mul3A_243 = arith.muli %mul3A_242, %scan3A_220 : i32
      %add3A_244 = arith.constant 1 : i32
      %add3A_245 = arith.addi %mul3A_243, %add3A_244 : i32
      %add3A_246 = arith.constant 320000 : i32
      %add3A_247 = arith.addi %add3A_246, %mul3A_2 : i32
      %mul3A_248 = arith.constant 40 : i32
      %mul3A_249 = arith.muli %add3A_245, %mul3A_248 : i32
      %add3A_250 = arith.addi %add3A_247, %mul3A_249 : i32
      %dma_wait3A_251 = tpu.memref_slice %arg3[%add3A_250] : memref<640000xi32, #tpu.memory_space<hbm>> -> memref<40xi32, #tpu.memory_space<hbm>>
      %dma_wait3A_252 = tpu.memref_slice %arg3[%add3A_250] : memref<640000xi32, #tpu.memory_space<hbm>> -> memref<40xi32, #tpu.memory_space<hbm>>
      tpu.wait_dma2 semaphore(%arg23 : memref<!tpu.dma_semaphore, #tpu.memory_space<semaphore_mem>>) src(%dma_wait3A_252 : memref<40xi32, #tpu.memory_space<hbm>>) dst(%arg7 : memref<40xi32, #tpu.memory_space<vmem>>)
      %mul3A_253 = arith.constant 40 : i32
      %mul3A_254 = arith.muli %add3A_245, %mul3A_253 : i32
      %dma_wait3A_255 = tpu.memref_slice %arg5[%mul3A_254] : memref<10000xi32, #tpu.memory_space<vmem>> -> memref<40xi32, #tpu.memory_space<vmem>>
      %dma_wait3A_256 = arith.constant 0 : i32
      %dma_wait3A_257 = arith.constant 0 : i32
      %dma_wait3A_258 = tpu.memref_slice %arg2[%dma_wait3A_256, %dma_wait3A_257] : memref<10000x128xf32, #tpu.memory_space<hbm>> -> memref<10000x128xf32, #tpu.memory_space<hbm>>
      tpu.wait_indirect_dma semaphore(%arg23 : memref<!tpu.dma_semaphore, #tpu.memory_space<semaphore_mem>>) src(%dma_wait3A_258 : memref<10000x128xf32, #tpu.memory_space<hbm>>) dst(%arg14 : memref<40x128xf32, #tpu.memory_space<vmem>>)
      %dma_start3A_259 = arith.constant 0 : i32
      %dma_start3A_260 = arith.constant 0 : i32
      %dma_start3A_261 = tpu.memref_slice %arg21[%dma_start3A_259, %dma_start3A_260] : memref<10000x128xf32, #tpu.memory_space<vmem_shared>> -> memref<10000x128xf32, #tpu.memory_space<vmem_shared>>
      tpu.enqueue_indirect_dma source(%arg14 : memref<40x128xf32, #tpu.memory_space<vmem>>) target(%dma_start3A_261 : memref<10000x128xf32, #tpu.memory_space<vmem_shared>>) offsets(%arg7 : memref<40xi32, #tpu.memory_space<vmem>>) semaphore(%arg30 : memref<!tpu.dma_semaphore, #tpu.memory_space<semaphore_mem>>) {add = true}
      %mul3A_262 = arith.constant 7 : i32
      %mul3A_263 = arith.muli %mul3A_262, %scan3A_220 : i32
      %add3A_264 = arith.constant 2 : i32
      %add3A_265 = arith.addi %mul3A_263, %add3A_264 : i32
      %add3A_266 = arith.constant 320000 : i32
      %add3A_267 = arith.addi %add3A_266, %mul3A_2 : i32
      %mul3A_268 = arith.constant 40 : i32
      %mul3A_269 = arith.muli %add3A_265, %mul3A_268 : i32
      %add3A_270 = arith.addi %add3A_267, %mul3A_269 : i32
      %dma_wait3A_271 = tpu.memref_slice %arg3[%add3A_270] : memref<640000xi32, #tpu.memory_space<hbm>> -> memref<40xi32, #tpu.memory_space<hbm>>
      %dma_wait3A_272 = tpu.memref_slice %arg3[%add3A_270] : memref<640000xi32, #tpu.memory_space<hbm>> -> memref<40xi32, #tpu.memory_space<hbm>>
      tpu.wait_dma2 semaphore(%arg24 : memref<!tpu.dma_semaphore, #tpu.memory_space<semaphore_mem>>) src(%dma_wait3A_272 : memref<40xi32, #tpu.memory_space<hbm>>) dst(%arg8 : memref<40xi32, #tpu.memory_space<vmem>>)
      %mul3A_273 = arith.constant 40 : i32
      %mul3A_274 = arith.muli %add3A_265, %mul3A_273 : i32
      %dma_wait3A_275 = tpu.memref_slice %arg5[%mul3A_274] : memref<10000xi32, #tpu.memory_space<vmem>> -> memref<40xi32, #tpu.memory_space<vmem>>
      %dma_wait3A_276 = arith.constant 0 : i32
      %dma_wait3A_277 = arith.constant 0 : i32
      %dma_wait3A_278 = tpu.memref_slice %arg2[%dma_wait3A_276, %dma_wait3A_277] : memref<10000x128xf32, #tpu.memory_space<hbm>> -> memref<10000x128xf32, #tpu.memory_space<hbm>>
      tpu.wait_indirect_dma semaphore(%arg24 : memref<!tpu.dma_semaphore, #tpu.memory_space<semaphore_mem>>) src(%dma_wait3A_278 : memref<10000x128xf32, #tpu.memory_space<hbm>>) dst(%arg15 : memref<40x128xf32, #tpu.memory_space<vmem>>)
      %dma_start3A_279 = arith.constant 0 : i32
      %dma_start3A_280 = arith.constant 0 : i32
      %dma_start3A_281 = tpu.memref_slice %arg21[%dma_start3A_279, %dma_start3A_280] : memref<10000x128xf32, #tpu.memory_space<vmem_shared>> -> memref<10000x128xf32, #tpu.memory_space<vmem_shared>>
      tpu.enqueue_indirect_dma source(%arg15 : memref<40x128xf32, #tpu.memory_space<vmem>>) target(%dma_start3A_281 : memref<10000x128xf32, #tpu.memory_space<vmem_shared>>) offsets(%arg8 : memref<40xi32, #tpu.memory_space<vmem>>) semaphore(%arg31 : memref<!tpu.dma_semaphore, #tpu.memory_space<semaphore_mem>>) {add = true}
      %mul3A_282 = arith.constant 7 : i32
      %mul3A_283 = arith.muli %mul3A_282, %scan3A_220 : i32
      %add3A_284 = arith.constant 3 : i32
      %add3A_285 = arith.addi %mul3A_283, %add3A_284 : i32
      %add3A_286 = arith.constant 320000 : i32
      %add3A_287 = arith.addi %add3A_286, %mul3A_2 : i32
      %mul3A_288 = arith.constant 40 : i32
      %mul3A_289 = arith.muli %add3A_285, %mul3A_288 : i32
      %add3A_290 = arith.addi %add3A_287, %mul3A_289 : i32
      %dma_wait3A_291 = tpu.memref_slice %arg3[%add3A_290] : memref<640000xi32, #tpu.memory_space<hbm>> -> memref<40xi32, #tpu.memory_space<hbm>>
      %dma_wait3A_292 = tpu.memref_slice %arg3[%add3A_290] : memref<640000xi32, #tpu.memory_space<hbm>> -> memref<40xi32, #tpu.memory_space<hbm>>
      tpu.wait_dma2 semaphore(%arg25 : memref<!tpu.dma_semaphore, #tpu.memory_space<semaphore_mem>>) src(%dma_wait3A_292 : memref<40xi32, #tpu.memory_space<hbm>>) dst(%arg9 : memref<40xi32, #tpu.memory_space<vmem>>)
      %mul3A_293 = arith.constant 40 : i32
      %mul3A_294 = arith.muli %add3A_285, %mul3A_293 : i32
      %dma_wait3A_295 = tpu.memref_slice %arg5[%mul3A_294] : memref<10000xi32, #tpu.memory_space<vmem>> -> memref<40xi32, #tpu.memory_space<vmem>>
      %dma_wait3A_296 = arith.constant 0 : i32
      %dma_wait3A_297 = arith.constant 0 : i32
      %dma_wait3A_298 = tpu.memref_slice %arg2[%dma_wait3A_296, %dma_wait3A_297] : memref<10000x128xf32, #tpu.memory_space<hbm>> -> memref<10000x128xf32, #tpu.memory_space<hbm>>
      tpu.wait_indirect_dma semaphore(%arg25 : memref<!tpu.dma_semaphore, #tpu.memory_space<semaphore_mem>>) src(%dma_wait3A_298 : memref<10000x128xf32, #tpu.memory_space<hbm>>) dst(%arg16 : memref<40x128xf32, #tpu.memory_space<vmem>>)
      %dma_start3A_299 = arith.constant 0 : i32
      %dma_start3A_300 = arith.constant 0 : i32
      %dma_start3A_301 = tpu.memref_slice %arg21[%dma_start3A_299, %dma_start3A_300] : memref<10000x128xf32, #tpu.memory_space<vmem_shared>> -> memref<10000x128xf32, #tpu.memory_space<vmem_shared>>
      tpu.enqueue_indirect_dma source(%arg16 : memref<40x128xf32, #tpu.memory_space<vmem>>) target(%dma_start3A_301 : memref<10000x128xf32, #tpu.memory_space<vmem_shared>>) offsets(%arg9 : memref<40xi32, #tpu.memory_space<vmem>>) semaphore(%arg32 : memref<!tpu.dma_semaphore, #tpu.memory_space<semaphore_mem>>) {add = true}
      %mul3A_302 = arith.constant 7 : i32
      %mul3A_303 = arith.muli %mul3A_302, %scan3A_220 : i32
      %add3A_304 = arith.constant 4 : i32
      %add3A_305 = arith.addi %mul3A_303, %add3A_304 : i32
      %add3A_306 = arith.constant 320000 : i32
      %add3A_307 = arith.addi %add3A_306, %mul3A_2 : i32
      %mul3A_308 = arith.constant 40 : i32
      %mul3A_309 = arith.muli %add3A_305, %mul3A_308 : i32
      %add3A_310 = arith.addi %add3A_307, %mul3A_309 : i32
      %dma_wait3A_311 = tpu.memref_slice %arg3[%add3A_310] : memref<640000xi32, #tpu.memory_space<hbm>> -> memref<40xi32, #tpu.memory_space<hbm>>
      %dma_wait3A_312 = tpu.memref_slice %arg3[%add3A_310] : memref<640000xi32, #tpu.memory_space<hbm>> -> memref<40xi32, #tpu.memory_space<hbm>>
      tpu.wait_dma2 semaphore(%arg26 : memref<!tpu.dma_semaphore, #tpu.memory_space<semaphore_mem>>) src(%dma_wait3A_312 : memref<40xi32, #tpu.memory_space<hbm>>) dst(%arg10 : memref<40xi32, #tpu.memory_space<vmem>>)
      %mul3A_313 = arith.constant 40 : i32
      %mul3A_314 = arith.muli %add3A_305, %mul3A_313 : i32
      %dma_wait3A_315 = tpu.memref_slice %arg5[%mul3A_314] : memref<10000xi32, #tpu.memory_space<vmem>> -> memref<40xi32, #tpu.memory_space<vmem>>
      %dma_wait3A_316 = arith.constant 0 : i32
      %dma_wait3A_317 = arith.constant 0 : i32
      %dma_wait3A_318 = tpu.memref_slice %arg2[%dma_wait3A_316, %dma_wait3A_317] : memref<10000x128xf32, #tpu.memory_space<hbm>> -> memref<10000x128xf32, #tpu.memory_space<hbm>>
      tpu.wait_indirect_dma semaphore(%arg26 : memref<!tpu.dma_semaphore, #tpu.memory_space<semaphore_mem>>) src(%dma_wait3A_318 : memref<10000x128xf32, #tpu.memory_space<hbm>>) dst(%arg17 : memref<40x128xf32, #tpu.memory_space<vmem>>)
      %dma_start3A_319 = arith.constant 0 : i32
      %dma_start3A_320 = arith.constant 0 : i32
      %dma_start3A_321 = tpu.memref_slice %arg21[%dma_start3A_319, %dma_start3A_320] : memref<10000x128xf32, #tpu.memory_space<vmem_shared>> -> memref<10000x128xf32, #tpu.memory_space<vmem_shared>>
      tpu.enqueue_indirect_dma source(%arg17 : memref<40x128xf32, #tpu.memory_space<vmem>>) target(%dma_start3A_321 : memref<10000x128xf32, #tpu.memory_space<vmem_shared>>) offsets(%arg10 : memref<40xi32, #tpu.memory_space<vmem>>) semaphore(%arg33 : memref<!tpu.dma_semaphore, #tpu.memory_space<semaphore_mem>>) {add = true}
      %mul3A_322 = arith.constant 7 : i32
      %mul3A_323 = arith.muli %mul3A_322, %scan3A_220 : i32
      %add3A_324 = arith.constant 5 : i32
      %add3A_325 = arith.addi %mul3A_323, %add3A_324 : i32
      %add3A_326 = arith.constant 320000 : i32
      %add3A_327 = arith.addi %add3A_326, %mul3A_2 : i32
      %mul3A_328 = arith.constant 40 : i32
      %mul3A_329 = arith.muli %add3A_325, %mul3A_328 : i32
      %add3A_330 = arith.addi %add3A_327, %mul3A_329 : i32
      %dma_wait3A_331 = tpu.memref_slice %arg3[%add3A_330] : memref<640000xi32, #tpu.memory_space<hbm>> -> memref<40xi32, #tpu.memory_space<hbm>>
      %dma_wait3A_332 = tpu.memref_slice %arg3[%add3A_330] : memref<640000xi32, #tpu.memory_space<hbm>> -> memref<40xi32, #tpu.memory_space<hbm>>
      tpu.wait_dma2 semaphore(%arg27 : memref<!tpu.dma_semaphore, #tpu.memory_space<semaphore_mem>>) src(%dma_wait3A_332 : memref<40xi32, #tpu.memory_space<hbm>>) dst(%arg11 : memref<40xi32, #tpu.memory_space<vmem>>)
      %mul3A_333 = arith.constant 40 : i32
      %mul3A_334 = arith.muli %add3A_325, %mul3A_333 : i32
      %dma_wait3A_335 = tpu.memref_slice %arg5[%mul3A_334] : memref<10000xi32, #tpu.memory_space<vmem>> -> memref<40xi32, #tpu.memory_space<vmem>>
      %dma_wait3A_336 = arith.constant 0 : i32
      %dma_wait3A_337 = arith.constant 0 : i32
      %dma_wait3A_338 = tpu.memref_slice %arg2[%dma_wait3A_336, %dma_wait3A_337] : memref<10000x128xf32, #tpu.memory_space<hbm>> -> memref<10000x128xf32, #tpu.memory_space<hbm>>
      tpu.wait_indirect_dma semaphore(%arg27 : memref<!tpu.dma_semaphore, #tpu.memory_space<semaphore_mem>>) src(%dma_wait3A_338 : memref<10000x128xf32, #tpu.memory_space<hbm>>) dst(%arg18 : memref<40x128xf32, #tpu.memory_space<vmem>>)
      %dma_start3A_339 = arith.constant 0 : i32
      %dma_start3A_340 = arith.constant 0 : i32
      %dma_start3A_341 = tpu.memref_slice %arg21[%dma_start3A_339, %dma_start3A_340] : memref<10000x128xf32, #tpu.memory_space<vmem_shared>> -> memref<10000x128xf32, #tpu.memory_space<vmem_shared>>
      tpu.enqueue_indirect_dma source(%arg18 : memref<40x128xf32, #tpu.memory_space<vmem>>) target(%dma_start3A_341 : memref<10000x128xf32, #tpu.memory_space<vmem_shared>>) offsets(%arg11 : memref<40xi32, #tpu.memory_space<vmem>>) semaphore(%arg34 : memref<!tpu.dma_semaphore, #tpu.memory_space<semaphore_mem>>) {add = true}
      %mul3A_342 = arith.constant 7 : i32
      %mul3A_343 = arith.muli %mul3A_342, %scan3A_220 : i32
      %add3A_344 = arith.constant 6 : i32
      %add3A_345 = arith.addi %mul3A_343, %add3A_344 : i32
      %add3A_346 = arith.constant 320000 : i32
      %add3A_347 = arith.addi %add3A_346, %mul3A_2 : i32
      %mul3A_348 = arith.constant 40 : i32
      %mul3A_349 = arith.muli %add3A_345, %mul3A_348 : i32
      %add3A_350 = arith.addi %add3A_347, %mul3A_349 : i32
      %dma_wait3A_351 = tpu.memref_slice %arg3[%add3A_350] : memref<640000xi32, #tpu.memory_space<hbm>> -> memref<40xi32, #tpu.memory_space<hbm>>
      %dma_wait3A_352 = tpu.memref_slice %arg3[%add3A_350] : memref<640000xi32, #tpu.memory_space<hbm>> -> memref<40xi32, #tpu.memory_space<hbm>>
      tpu.wait_dma2 semaphore(%arg28 : memref<!tpu.dma_semaphore, #tpu.memory_space<semaphore_mem>>) src(%dma_wait3A_352 : memref<40xi32, #tpu.memory_space<hbm>>) dst(%arg12 : memref<40xi32, #tpu.memory_space<vmem>>)
      %mul3A_353 = arith.constant 40 : i32
      %mul3A_354 = arith.muli %add3A_345, %mul3A_353 : i32
      %dma_wait3A_355 = tpu.memref_slice %arg5[%mul3A_354] : memref<10000xi32, #tpu.memory_space<vmem>> -> memref<40xi32, #tpu.memory_space<vmem>>
      %dma_wait3A_356 = arith.constant 0 : i32
      %dma_wait3A_357 = arith.constant 0 : i32
      %dma_wait3A_358 = tpu.memref_slice %arg2[%dma_wait3A_356, %dma_wait3A_357] : memref<10000x128xf32, #tpu.memory_space<hbm>> -> memref<10000x128xf32, #tpu.memory_space<hbm>>
      tpu.wait_indirect_dma semaphore(%arg28 : memref<!tpu.dma_semaphore, #tpu.memory_space<semaphore_mem>>) src(%dma_wait3A_358 : memref<10000x128xf32, #tpu.memory_space<hbm>>) dst(%arg19 : memref<40x128xf32, #tpu.memory_space<vmem>>)
      %dma_start3A_359 = arith.constant 0 : i32
      %dma_start3A_360 = arith.constant 0 : i32
      %dma_start3A_361 = tpu.memref_slice %arg21[%dma_start3A_359, %dma_start3A_360] : memref<10000x128xf32, #tpu.memory_space<vmem_shared>> -> memref<10000x128xf32, #tpu.memory_space<vmem_shared>>
      tpu.enqueue_indirect_dma source(%arg19 : memref<40x128xf32, #tpu.memory_space<vmem>>) target(%dma_start3A_361 : memref<10000x128xf32, #tpu.memory_space<vmem_shared>>) offsets(%arg12 : memref<40xi32, #tpu.memory_space<vmem>>) semaphore(%arg35 : memref<!tpu.dma_semaphore, #tpu.memory_space<semaphore_mem>>) {add = true}
      %add3A_362 = arith.constant 1 : i32
      %add3A_363 = arith.addi %scan3A_220, %add3A_362 : i32
      %mul3A_364 = arith.constant 7 : i32
      %mul3A_365 = arith.muli %mul3A_364, %add3A_363 : i32
      %add3A_366 = arith.constant 0 : i32
      %add3A_367 = arith.addi %mul3A_365, %add3A_366 : i32
      %lt3A_368 = arith.constant 250 : i32
      %lt3A_369 = arith.cmpi slt, %add3A_367, %lt3A_368 : i32
      %convert_element_type3A = arith.extui %lt3A_369 : i1 to i32
      %cond3A = arith.constant 0 : i32
      %cond3A_370 = arith.cmpi ne, %convert_element_type3A, %cond3A : i32
      scf.if %cond3A_370 {
        %dma_wait3A_438 = arith.constant 0 : i32
        %dma_wait3A_439 = arith.constant 0 : i32
        %dma_wait3A_440 = tpu.memref_slice %arg21[%dma_wait3A_438, %dma_wait3A_439] : memref<10000x128xf32, #tpu.memory_space<vmem_shared>> -> memref<10000x128xf32, #tpu.memory_space<vmem_shared>>
        tpu.wait_indirect_dma semaphore(%arg29 : memref<!tpu.dma_semaphore, #tpu.memory_space<semaphore_mem>>) src(%arg13 : memref<40x128xf32, #tpu.memory_space<vmem>>) dst(%dma_wait3A_440 : memref<10000x128xf32, #tpu.memory_space<vmem_shared>>)
        %mul3A_441 = arith.constant 40 : i32
        %mul3A_442 = arith.muli %add3A_367, %mul3A_441 : i32
        %dma_start3A_443 = tpu.memref_slice %arg5[%mul3A_442] : memref<10000xi32, #tpu.memory_space<vmem>> -> memref<40xi32, #tpu.memory_space<vmem>>
        %dma_start3A_444 = arith.constant 0 : i32
        %dma_start3A_445 = arith.constant 0 : i32
        %dma_start3A_446 = tpu.memref_slice %arg2[%dma_start3A_444, %dma_start3A_445] : memref<10000x128xf32, #tpu.memory_space<hbm>> -> memref<10000x128xf32, #tpu.memory_space<hbm>>
        tpu.enqueue_indirect_dma source(%dma_start3A_446 : memref<10000x128xf32, #tpu.memory_space<hbm>>) target(%arg13 : memref<40x128xf32, #tpu.memory_space<vmem>>) offsets(%dma_start3A_443 : memref<40xi32, #tpu.memory_space<vmem>>) semaphore(%arg22 : memref<!tpu.dma_semaphore, #tpu.memory_space<semaphore_mem>>)
        %add3A_447 = arith.constant 320000 : i32
        %add3A_448 = arith.addi %add3A_447, %mul3A_2 : i32
        %mul3A_449 = arith.constant 40 : i32
        %mul3A_450 = arith.muli %add3A_367, %mul3A_449 : i32
        %add3A_451 = arith.addi %add3A_448, %mul3A_450 : i32
        %dma_start3A_452 = tpu.memref_slice %arg3[%add3A_451] : memref<640000xi32, #tpu.memory_space<hbm>> -> memref<40xi32, #tpu.memory_space<hbm>>
        %dma_start3A_453 = tpu.memref_slice %arg3[%add3A_451] : memref<640000xi32, #tpu.memory_space<hbm>> -> memref<40xi32, #tpu.memory_space<hbm>>
        tpu.enqueue_dma source(%dma_start3A_453 : memref<40xi32, #tpu.memory_space<hbm>>) target(%arg6 : memref<40xi32, #tpu.memory_space<vmem>>) target_semaphore(%arg22 : memref<!tpu.dma_semaphore, #tpu.memory_space<semaphore_mem>>)
      } else {
      }
      %add3A_371 = arith.constant 1 : i32
      %add3A_372 = arith.addi %scan3A_220, %add3A_371 : i32
      %mul3A_373 = arith.constant 7 : i32
      %mul3A_374 = arith.muli %mul3A_373, %add3A_372 : i32
      %add3A_375 = arith.constant 1 : i32
      %add3A_376 = arith.addi %mul3A_374, %add3A_375 : i32
      %lt3A_377 = arith.constant 250 : i32
      %lt3A_378 = arith.cmpi slt, %add3A_376, %lt3A_377 : i32
      %convert_element_type3A_379 = arith.extui %lt3A_378 : i1 to i32
      %cond3A_380 = arith.constant 0 : i32
      %cond3A_381 = arith.cmpi ne, %convert_element_type3A_379, %cond3A_380 : i32
      scf.if %cond3A_381 {
        %dma_wait3A_438 = arith.constant 0 : i32
        %dma_wait3A_439 = arith.constant 0 : i32
        %dma_wait3A_440 = tpu.memref_slice %arg21[%dma_wait3A_438, %dma_wait3A_439] : memref<10000x128xf32, #tpu.memory_space<vmem_shared>> -> memref<10000x128xf32, #tpu.memory_space<vmem_shared>>
        tpu.wait_indirect_dma semaphore(%arg30 : memref<!tpu.dma_semaphore, #tpu.memory_space<semaphore_mem>>) src(%arg14 : memref<40x128xf32, #tpu.memory_space<vmem>>) dst(%dma_wait3A_440 : memref<10000x128xf32, #tpu.memory_space<vmem_shared>>)
        %mul3A_441 = arith.constant 40 : i32
        %mul3A_442 = arith.muli %add3A_376, %mul3A_441 : i32
        %dma_start3A_443 = tpu.memref_slice %arg5[%mul3A_442] : memref<10000xi32, #tpu.memory_space<vmem>> -> memref<40xi32, #tpu.memory_space<vmem>>
        %dma_start3A_444 = arith.constant 0 : i32
        %dma_start3A_445 = arith.constant 0 : i32
        %dma_start3A_446 = tpu.memref_slice %arg2[%dma_start3A_444, %dma_start3A_445] : memref<10000x128xf32, #tpu.memory_space<hbm>> -> memref<10000x128xf32, #tpu.memory_space<hbm>>
        tpu.enqueue_indirect_dma source(%dma_start3A_446 : memref<10000x128xf32, #tpu.memory_space<hbm>>) target(%arg14 : memref<40x128xf32, #tpu.memory_space<vmem>>) offsets(%dma_start3A_443 : memref<40xi32, #tpu.memory_space<vmem>>) semaphore(%arg23 : memref<!tpu.dma_semaphore, #tpu.memory_space<semaphore_mem>>)
        %add3A_447 = arith.constant 320000 : i32
        %add3A_448 = arith.addi %add3A_447, %mul3A_2 : i32
        %mul3A_449 = arith.constant 40 : i32
        %mul3A_450 = arith.muli %add3A_376, %mul3A_449 : i32
        %add3A_451 = arith.addi %add3A_448, %mul3A_450 : i32
        %dma_start3A_452 = tpu.memref_slice %arg3[%add3A_451] : memref<640000xi32, #tpu.memory_space<hbm>> -> memref<40xi32, #tpu.memory_space<hbm>>
        %dma_start3A_453 = tpu.memref_slice %arg3[%add3A_451] : memref<640000xi32, #tpu.memory_space<hbm>> -> memref<40xi32, #tpu.memory_space<hbm>>
        tpu.enqueue_dma source(%dma_start3A_453 : memref<40xi32, #tpu.memory_space<hbm>>) target(%arg7 : memref<40xi32, #tpu.memory_space<vmem>>) target_semaphore(%arg23 : memref<!tpu.dma_semaphore, #tpu.memory_space<semaphore_mem>>)
      } else {
      }
      %add3A_382 = arith.constant 1 : i32
      %add3A_383 = arith.addi %scan3A_220, %add3A_382 : i32
      %mul3A_384 = arith.constant 7 : i32
      %mul3A_385 = arith.muli %mul3A_384, %add3A_383 : i32
      %add3A_386 = arith.constant 2 : i32
      %add3A_387 = arith.addi %mul3A_385, %add3A_386 : i32
      %lt3A_388 = arith.constant 250 : i32
      %lt3A_389 = arith.cmpi slt, %add3A_387, %lt3A_388 : i32
      %convert_element_type3A_390 = arith.extui %lt3A_389 : i1 to i32
      %cond3A_391 = arith.constant 0 : i32
      %cond3A_392 = arith.cmpi ne, %convert_element_type3A_390, %cond3A_391 : i32
      scf.if %cond3A_392 {
        %dma_wait3A_438 = arith.constant 0 : i32
        %dma_wait3A_439 = arith.constant 0 : i32
        %dma_wait3A_440 = tpu.memref_slice %arg21[%dma_wait3A_438, %dma_wait3A_439] : memref<10000x128xf32, #tpu.memory_space<vmem_shared>> -> memref<10000x128xf32, #tpu.memory_space<vmem_shared>>
        tpu.wait_indirect_dma semaphore(%arg31 : memref<!tpu.dma_semaphore, #tpu.memory_space<semaphore_mem>>) src(%arg15 : memref<40x128xf32, #tpu.memory_space<vmem>>) dst(%dma_wait3A_440 : memref<10000x128xf32, #tpu.memory_space<vmem_shared>>)
        %mul3A_441 = arith.constant 40 : i32
        %mul3A_442 = arith.muli %add3A_387, %mul3A_441 : i32
        %dma_start3A_443 = tpu.memref_slice %arg5[%mul3A_442] : memref<10000xi32, #tpu.memory_space<vmem>> -> memref<40xi32, #tpu.memory_space<vmem>>
        %dma_start3A_444 = arith.constant 0 : i32
        %dma_start3A_445 = arith.constant 0 : i32
        %dma_start3A_446 = tpu.memref_slice %arg2[%dma_start3A_444, %dma_start3A_445] : memref<10000x128xf32, #tpu.memory_space<hbm>> -> memref<10000x128xf32, #tpu.memory_space<hbm>>
        tpu.enqueue_indirect_dma source(%dma_start3A_446 : memref<10000x128xf32, #tpu.memory_space<hbm>>) target(%arg15 : memref<40x128xf32, #tpu.memory_space<vmem>>) offsets(%dma_start3A_443 : memref<40xi32, #tpu.memory_space<vmem>>) semaphore(%arg24 : memref<!tpu.dma_semaphore, #tpu.memory_space<semaphore_mem>>)
        %add3A_447 = arith.constant 320000 : i32
        %add3A_448 = arith.addi %add3A_447, %mul3A_2 : i32
        %mul3A_449 = arith.constant 40 : i32
        %mul3A_450 = arith.muli %add3A_387, %mul3A_449 : i32
        %add3A_451 = arith.addi %add3A_448, %mul3A_450 : i32
        %dma_start3A_452 = tpu.memref_slice %arg3[%add3A_451] : memref<640000xi32, #tpu.memory_space<hbm>> -> memref<40xi32, #tpu.memory_space<hbm>>
        %dma_start3A_453 = tpu.memref_slice %arg3[%add3A_451] : memref<640000xi32, #tpu.memory_space<hbm>> -> memref<40xi32, #tpu.memory_space<hbm>>
        tpu.enqueue_dma source(%dma_start3A_453 : memref<40xi32, #tpu.memory_space<hbm>>) target(%arg8 : memref<40xi32, #tpu.memory_space<vmem>>) target_semaphore(%arg24 : memref<!tpu.dma_semaphore, #tpu.memory_space<semaphore_mem>>)
      } else {
      }
      %add3A_393 = arith.constant 1 : i32
      %add3A_394 = arith.addi %scan3A_220, %add3A_393 : i32
      %mul3A_395 = arith.constant 7 : i32
      %mul3A_396 = arith.muli %mul3A_395, %add3A_394 : i32
      %add3A_397 = arith.constant 3 : i32
      %add3A_398 = arith.addi %mul3A_396, %add3A_397 : i32
      %lt3A_399 = arith.constant 250 : i32
      %lt3A_400 = arith.cmpi slt, %add3A_398, %lt3A_399 : i32
      %convert_element_type3A_401 = arith.extui %lt3A_400 : i1 to i32
      %cond3A_402 = arith.constant 0 : i32
      %cond3A_403 = arith.cmpi ne, %convert_element_type3A_401, %cond3A_402 : i32
      scf.if %cond3A_403 {
        %dma_wait3A_438 = arith.constant 0 : i32
        %dma_wait3A_439 = arith.constant 0 : i32
        %dma_wait3A_440 = tpu.memref_slice %arg21[%dma_wait3A_438, %dma_wait3A_439] : memref<10000x128xf32, #tpu.memory_space<vmem_shared>> -> memref<10000x128xf32, #tpu.memory_space<vmem_shared>>
        tpu.wait_indirect_dma semaphore(%arg32 : memref<!tpu.dma_semaphore, #tpu.memory_space<semaphore_mem>>) src(%arg16 : memref<40x128xf32, #tpu.memory_space<vmem>>) dst(%dma_wait3A_440 : memref<10000x128xf32, #tpu.memory_space<vmem_shared>>)
        %mul3A_441 = arith.constant 40 : i32
        %mul3A_442 = arith.muli %add3A_398, %mul3A_441 : i32
        %dma_start3A_443 = tpu.memref_slice %arg5[%mul3A_442] : memref<10000xi32, #tpu.memory_space<vmem>> -> memref<40xi32, #tpu.memory_space<vmem>>
        %dma_start3A_444 = arith.constant 0 : i32
        %dma_start3A_445 = arith.constant 0 : i32
        %dma_start3A_446 = tpu.memref_slice %arg2[%dma_start3A_444, %dma_start3A_445] : memref<10000x128xf32, #tpu.memory_space<hbm>> -> memref<10000x128xf32, #tpu.memory_space<hbm>>
        tpu.enqueue_indirect_dma source(%dma_start3A_446 : memref<10000x128xf32, #tpu.memory_space<hbm>>) target(%arg16 : memref<40x128xf32, #tpu.memory_space<vmem>>) offsets(%dma_start3A_443 : memref<40xi32, #tpu.memory_space<vmem>>) semaphore(%arg25 : memref<!tpu.dma_semaphore, #tpu.memory_space<semaphore_mem>>)
        %add3A_447 = arith.constant 320000 : i32
        %add3A_448 = arith.addi %add3A_447, %mul3A_2 : i32
        %mul3A_449 = arith.constant 40 : i32
        %mul3A_450 = arith.muli %add3A_398, %mul3A_449 : i32
        %add3A_451 = arith.addi %add3A_448, %mul3A_450 : i32
        %dma_start3A_452 = tpu.memref_slice %arg3[%add3A_451] : memref<640000xi32, #tpu.memory_space<hbm>> -> memref<40xi32, #tpu.memory_space<hbm>>
        %dma_start3A_453 = tpu.memref_slice %arg3[%add3A_451] : memref<640000xi32, #tpu.memory_space<hbm>> -> memref<40xi32, #tpu.memory_space<hbm>>
        tpu.enqueue_dma source(%dma_start3A_453 : memref<40xi32, #tpu.memory_space<hbm>>) target(%arg9 : memref<40xi32, #tpu.memory_space<vmem>>) target_semaphore(%arg25 : memref<!tpu.dma_semaphore, #tpu.memory_space<semaphore_mem>>)
      } else {
      }
      %add3A_404 = arith.constant 1 : i32
      %add3A_405 = arith.addi %scan3A_220, %add3A_404 : i32
      %mul3A_406 = arith.constant 7 : i32
      %mul3A_407 = arith.muli %mul3A_406, %add3A_405 : i32
      %add3A_408 = arith.constant 4 : i32
      %add3A_409 = arith.addi %mul3A_407, %add3A_408 : i32
      %lt3A_410 = arith.constant 250 : i32
      %lt3A_411 = arith.cmpi slt, %add3A_409, %lt3A_410 : i32
      %convert_element_type3A_412 = arith.extui %lt3A_411 : i1 to i32
      %cond3A_413 = arith.constant 0 : i32
      %cond3A_414 = arith.cmpi ne, %convert_element_type3A_412, %cond3A_413 : i32
      scf.if %cond3A_414 {
        %dma_wait3A_438 = arith.constant 0 : i32
        %dma_wait3A_439 = arith.constant 0 : i32
        %dma_wait3A_440 = tpu.memref_slice %arg21[%dma_wait3A_438, %dma_wait3A_439] : memref<10000x128xf32, #tpu.memory_space<vmem_shared>> -> memref<10000x128xf32, #tpu.memory_space<vmem_shared>>
        tpu.wait_indirect_dma semaphore(%arg33 : memref<!tpu.dma_semaphore, #tpu.memory_space<semaphore_mem>>) src(%arg17 : memref<40x128xf32, #tpu.memory_space<vmem>>) dst(%dma_wait3A_440 : memref<10000x128xf32, #tpu.memory_space<vmem_shared>>)
        %mul3A_441 = arith.constant 40 : i32
        %mul3A_442 = arith.muli %add3A_409, %mul3A_441 : i32
        %dma_start3A_443 = tpu.memref_slice %arg5[%mul3A_442] : memref<10000xi32, #tpu.memory_space<vmem>> -> memref<40xi32, #tpu.memory_space<vmem>>
        %dma_start3A_444 = arith.constant 0 : i32
        %dma_start3A_445 = arith.constant 0 : i32
        %dma_start3A_446 = tpu.memref_slice %arg2[%dma_start3A_444, %dma_start3A_445] : memref<10000x128xf32, #tpu.memory_space<hbm>> -> memref<10000x128xf32, #tpu.memory_space<hbm>>
        tpu.enqueue_indirect_dma source(%dma_start3A_446 : memref<10000x128xf32, #tpu.memory_space<hbm>>) target(%arg17 : memref<40x128xf32, #tpu.memory_space<vmem>>) offsets(%dma_start3A_443 : memref<40xi32, #tpu.memory_space<vmem>>) semaphore(%arg26 : memref<!tpu.dma_semaphore, #tpu.memory_space<semaphore_mem>>)
        %add3A_447 = arith.constant 320000 : i32
        %add3A_448 = arith.addi %add3A_447, %mul3A_2 : i32
        %mul3A_449 = arith.constant 40 : i32
        %mul3A_450 = arith.muli %add3A_409, %mul3A_449 : i32
        %add3A_451 = arith.addi %add3A_448, %mul3A_450 : i32
        %dma_start3A_452 = tpu.memref_slice %arg3[%add3A_451] : memref<640000xi32, #tpu.memory_space<hbm>> -> memref<40xi32, #tpu.memory_space<hbm>>
        %dma_start3A_453 = tpu.memref_slice %arg3[%add3A_451] : memref<640000xi32, #tpu.memory_space<hbm>> -> memref<40xi32, #tpu.memory_space<hbm>>
        tpu.enqueue_dma source(%dma_start3A_453 : memref<40xi32, #tpu.memory_space<hbm>>) target(%arg10 : memref<40xi32, #tpu.memory_space<vmem>>) target_semaphore(%arg26 : memref<!tpu.dma_semaphore, #tpu.memory_space<semaphore_mem>>)
      } else {
      }
      %add3A_415 = arith.constant 1 : i32
      %add3A_416 = arith.addi %scan3A_220, %add3A_415 : i32
      %mul3A_417 = arith.constant 7 : i32
      %mul3A_418 = arith.muli %mul3A_417, %add3A_416 : i32
      %add3A_419 = arith.constant 5 : i32
      %add3A_420 = arith.addi %mul3A_418, %add3A_419 : i32
      %lt3A_421 = arith.constant 250 : i32
      %lt3A_422 = arith.cmpi slt, %add3A_420, %lt3A_421 : i32
      %convert_element_type3A_423 = arith.extui %lt3A_422 : i1 to i32
      %cond3A_424 = arith.constant 0 : i32
      %cond3A_425 = arith.cmpi ne, %convert_element_type3A_423, %cond3A_424 : i32
      scf.if %cond3A_425 {
        %dma_wait3A_438 = arith.constant 0 : i32
        %dma_wait3A_439 = arith.constant 0 : i32
        %dma_wait3A_440 = tpu.memref_slice %arg21[%dma_wait3A_438, %dma_wait3A_439] : memref<10000x128xf32, #tpu.memory_space<vmem_shared>> -> memref<10000x128xf32, #tpu.memory_space<vmem_shared>>
        tpu.wait_indirect_dma semaphore(%arg34 : memref<!tpu.dma_semaphore, #tpu.memory_space<semaphore_mem>>) src(%arg18 : memref<40x128xf32, #tpu.memory_space<vmem>>) dst(%dma_wait3A_440 : memref<10000x128xf32, #tpu.memory_space<vmem_shared>>)
        %mul3A_441 = arith.constant 40 : i32
        %mul3A_442 = arith.muli %add3A_420, %mul3A_441 : i32
        %dma_start3A_443 = tpu.memref_slice %arg5[%mul3A_442] : memref<10000xi32, #tpu.memory_space<vmem>> -> memref<40xi32, #tpu.memory_space<vmem>>
        %dma_start3A_444 = arith.constant 0 : i32
        %dma_start3A_445 = arith.constant 0 : i32
        %dma_start3A_446 = tpu.memref_slice %arg2[%dma_start3A_444, %dma_start3A_445] : memref<10000x128xf32, #tpu.memory_space<hbm>> -> memref<10000x128xf32, #tpu.memory_space<hbm>>
        tpu.enqueue_indirect_dma source(%dma_start3A_446 : memref<10000x128xf32, #tpu.memory_space<hbm>>) target(%arg18 : memref<40x128xf32, #tpu.memory_space<vmem>>) offsets(%dma_start3A_443 : memref<40xi32, #tpu.memory_space<vmem>>) semaphore(%arg27 : memref<!tpu.dma_semaphore, #tpu.memory_space<semaphore_mem>>)
        %add3A_447 = arith.constant 320000 : i32
        %add3A_448 = arith.addi %add3A_447, %mul3A_2 : i32
        %mul3A_449 = arith.constant 40 : i32
        %mul3A_450 = arith.muli %add3A_420, %mul3A_449 : i32
        %add3A_451 = arith.addi %add3A_448, %mul3A_450 : i32
        %dma_start3A_452 = tpu.memref_slice %arg3[%add3A_451] : memref<640000xi32, #tpu.memory_space<hbm>> -> memref<40xi32, #tpu.memory_space<hbm>>
        %dma_start3A_453 = tpu.memref_slice %arg3[%add3A_451] : memref<640000xi32, #tpu.memory_space<hbm>> -> memref<40xi32, #tpu.memory_space<hbm>>
        tpu.enqueue_dma source(%dma_start3A_453 : memref<40xi32, #tpu.memory_space<hbm>>) target(%arg11 : memref<40xi32, #tpu.memory_space<vmem>>) target_semaphore(%arg27 : memref<!tpu.dma_semaphore, #tpu.memory_space<semaphore_mem>>)
      } else {
      }
      %add3A_426 = arith.constant 1 : i32
      %add3A_427 = arith.addi %scan3A_220, %add3A_426 : i32
      %mul3A_428 = arith.constant 7 : i32
      %mul3A_429 = arith.muli %mul3A_428, %add3A_427 : i32
      %add3A_430 = arith.constant 6 : i32
      %add3A_431 = arith.addi %mul3A_429, %add3A_430 : i32
      %lt3A_432 = arith.constant 250 : i32
      %lt3A_433 = arith.cmpi slt, %add3A_431, %lt3A_432 : i32
      %convert_element_type3A_434 = arith.extui %lt3A_433 : i1 to i32
      %cond3A_435 = arith.constant 0 : i32
      %cond3A_436 = arith.cmpi ne, %convert_element_type3A_434, %cond3A_435 : i32
      scf.if %cond3A_436 {
        %dma_wait3A_438 = arith.constant 0 : i32
        %dma_wait3A_439 = arith.constant 0 : i32
        %dma_wait3A_440 = tpu.memref_slice %arg21[%dma_wait3A_438, %dma_wait3A_439] : memref<10000x128xf32, #tpu.memory_space<vmem_shared>> -> memref<10000x128xf32, #tpu.memory_space<vmem_shared>>
        tpu.wait_indirect_dma semaphore(%arg35 : memref<!tpu.dma_semaphore, #tpu.memory_space<semaphore_mem>>) src(%arg19 : memref<40x128xf32, #tpu.memory_space<vmem>>) dst(%dma_wait3A_440 : memref<10000x128xf32, #tpu.memory_space<vmem_shared>>)
        %mul3A_441 = arith.constant 40 : i32
        %mul3A_442 = arith.muli %add3A_431, %mul3A_441 : i32
        %dma_start3A_443 = tpu.memref_slice %arg5[%mul3A_442] : memref<10000xi32, #tpu.memory_space<vmem>> -> memref<40xi32, #tpu.memory_space<vmem>>
        %dma_start3A_444 = arith.constant 0 : i32
        %dma_start3A_445 = arith.constant 0 : i32
        %dma_start3A_446 = tpu.memref_slice %arg2[%dma_start3A_444, %dma_start3A_445] : memref<10000x128xf32, #tpu.memory_space<hbm>> -> memref<10000x128xf32, #tpu.memory_space<hbm>>
        tpu.enqueue_indirect_dma source(%dma_start3A_446 : memref<10000x128xf32, #tpu.memory_space<hbm>>) target(%arg19 : memref<40x128xf32, #tpu.memory_space<vmem>>) offsets(%dma_start3A_443 : memref<40xi32, #tpu.memory_space<vmem>>) semaphore(%arg28 : memref<!tpu.dma_semaphore, #tpu.memory_space<semaphore_mem>>)
        %add3A_447 = arith.constant 320000 : i32
        %add3A_448 = arith.addi %add3A_447, %mul3A_2 : i32
        %mul3A_449 = arith.constant 40 : i32
        %mul3A_450 = arith.muli %add3A_431, %mul3A_449 : i32
        %add3A_451 = arith.addi %add3A_448, %mul3A_450 : i32
        %dma_start3A_452 = tpu.memref_slice %arg3[%add3A_451] : memref<640000xi32, #tpu.memory_space<hbm>> -> memref<40xi32, #tpu.memory_space<hbm>>
        %dma_start3A_453 = tpu.memref_slice %arg3[%add3A_451] : memref<640000xi32, #tpu.memory_space<hbm>> -> memref<40xi32, #tpu.memory_space<hbm>>
        tpu.enqueue_dma source(%dma_start3A_453 : memref<40xi32, #tpu.memory_space<hbm>>) target(%arg12 : memref<40xi32, #tpu.memory_space<vmem>>) target_semaphore(%arg28 : memref<!tpu.dma_semaphore, #tpu.memory_space<semaphore_mem>>)
      } else {
      }
      %scan3A_437 = arith.constant 0 : i32
      scf.yield %scan3A_437 : i32
    }
    %scan3A_110 = arith.constant 35 : i32
    %add3A_111 = arith.constant 320000 : i32
    %add3A_112 = arith.addi %add3A_111, %mul3A_2 : i32
    %add3A_113 = arith.constant 9800 : i32
    %add3A_114 = arith.addi %add3A_112, %add3A_113 : i32
    %dma_wait3A_115 = tpu.memref_slice %arg3[%add3A_114] : memref<640000xi32, #tpu.memory_space<hbm>> -> memref<40xi32, #tpu.memory_space<hbm>>
    %dma_wait3A_116 = tpu.memref_slice %arg3[%add3A_114] : memref<640000xi32, #tpu.memory_space<hbm>> -> memref<40xi32, #tpu.memory_space<hbm>>
    tpu.wait_dma2 semaphore(%arg22 : memref<!tpu.dma_semaphore, #tpu.memory_space<semaphore_mem>>) src(%dma_wait3A_116 : memref<40xi32, #tpu.memory_space<hbm>>) dst(%arg6 : memref<40xi32, #tpu.memory_space<vmem>>)
    %dma_wait3A_117 = arith.constant 9800 : i32
    %dma_wait3A_118 = tpu.memref_slice %arg5[%dma_wait3A_117] : memref<10000xi32, #tpu.memory_space<vmem>> -> memref<40xi32, #tpu.memory_space<vmem>>
    %dma_wait3A_119 = arith.constant 0 : i32
    %dma_wait3A_120 = arith.constant 0 : i32
    %dma_wait3A_121 = tpu.memref_slice %arg2[%dma_wait3A_119, %dma_wait3A_120] : memref<10000x128xf32, #tpu.memory_space<hbm>> -> memref<10000x128xf32, #tpu.memory_space<hbm>>
    tpu.wait_indirect_dma semaphore(%arg22 : memref<!tpu.dma_semaphore, #tpu.memory_space<semaphore_mem>>) src(%dma_wait3A_121 : memref<10000x128xf32, #tpu.memory_space<hbm>>) dst(%arg13 : memref<40x128xf32, #tpu.memory_space<vmem>>)
    %dma_start3A_122 = arith.constant 0 : i32
    %dma_start3A_123 = arith.constant 0 : i32
    %dma_start3A_124 = tpu.memref_slice %arg21[%dma_start3A_122, %dma_start3A_123] : memref<10000x128xf32, #tpu.memory_space<vmem_shared>> -> memref<10000x128xf32, #tpu.memory_space<vmem_shared>>
    tpu.enqueue_indirect_dma source(%arg13 : memref<40x128xf32, #tpu.memory_space<vmem>>) target(%dma_start3A_124 : memref<10000x128xf32, #tpu.memory_space<vmem_shared>>) offsets(%arg6 : memref<40xi32, #tpu.memory_space<vmem>>) semaphore(%arg29 : memref<!tpu.dma_semaphore, #tpu.memory_space<semaphore_mem>>) {add = true}
    %add3A_125 = arith.constant 320000 : i32
    %add3A_126 = arith.addi %add3A_125, %mul3A_2 : i32
    %add3A_127 = arith.constant 9840 : i32
    %add3A_128 = arith.addi %add3A_126, %add3A_127 : i32
    %dma_wait3A_129 = tpu.memref_slice %arg3[%add3A_128] : memref<640000xi32, #tpu.memory_space<hbm>> -> memref<40xi32, #tpu.memory_space<hbm>>
    %dma_wait3A_130 = tpu.memref_slice %arg3[%add3A_128] : memref<640000xi32, #tpu.memory_space<hbm>> -> memref<40xi32, #tpu.memory_space<hbm>>
    tpu.wait_dma2 semaphore(%arg23 : memref<!tpu.dma_semaphore, #tpu.memory_space<semaphore_mem>>) src(%dma_wait3A_130 : memref<40xi32, #tpu.memory_space<hbm>>) dst(%arg7 : memref<40xi32, #tpu.memory_space<vmem>>)
    %dma_wait3A_131 = arith.constant 9840 : i32
    %dma_wait3A_132 = tpu.memref_slice %arg5[%dma_wait3A_131] : memref<10000xi32, #tpu.memory_space<vmem>> -> memref<40xi32, #tpu.memory_space<vmem>>
    %dma_wait3A_133 = arith.constant 0 : i32
    %dma_wait3A_134 = arith.constant 0 : i32
    %dma_wait3A_135 = tpu.memref_slice %arg2[%dma_wait3A_133, %dma_wait3A_134] : memref<10000x128xf32, #tpu.memory_space<hbm>> -> memref<10000x128xf32, #tpu.memory_space<hbm>>
    tpu.wait_indirect_dma semaphore(%arg23 : memref<!tpu.dma_semaphore, #tpu.memory_space<semaphore_mem>>) src(%dma_wait3A_135 : memref<10000x128xf32, #tpu.memory_space<hbm>>) dst(%arg14 : memref<40x128xf32, #tpu.memory_space<vmem>>)
    %dma_start3A_136 = arith.constant 0 : i32
    %dma_start3A_137 = arith.constant 0 : i32
    %dma_start3A_138 = tpu.memref_slice %arg21[%dma_start3A_136, %dma_start3A_137] : memref<10000x128xf32, #tpu.memory_space<vmem_shared>> -> memref<10000x128xf32, #tpu.memory_space<vmem_shared>>
    tpu.enqueue_indirect_dma source(%arg14 : memref<40x128xf32, #tpu.memory_space<vmem>>) target(%dma_start3A_138 : memref<10000x128xf32, #tpu.memory_space<vmem_shared>>) offsets(%arg7 : memref<40xi32, #tpu.memory_space<vmem>>) semaphore(%arg30 : memref<!tpu.dma_semaphore, #tpu.memory_space<semaphore_mem>>) {add = true}
    %add3A_139 = arith.constant 320000 : i32
    %add3A_140 = arith.addi %add3A_139, %mul3A_2 : i32
    %add3A_141 = arith.constant 9880 : i32
    %add3A_142 = arith.addi %add3A_140, %add3A_141 : i32
    %dma_wait3A_143 = tpu.memref_slice %arg3[%add3A_142] : memref<640000xi32, #tpu.memory_space<hbm>> -> memref<40xi32, #tpu.memory_space<hbm>>
    %dma_wait3A_144 = tpu.memref_slice %arg3[%add3A_142] : memref<640000xi32, #tpu.memory_space<hbm>> -> memref<40xi32, #tpu.memory_space<hbm>>
    tpu.wait_dma2 semaphore(%arg24 : memref<!tpu.dma_semaphore, #tpu.memory_space<semaphore_mem>>) src(%dma_wait3A_144 : memref<40xi32, #tpu.memory_space<hbm>>) dst(%arg8 : memref<40xi32, #tpu.memory_space<vmem>>)
    %dma_wait3A_145 = arith.constant 9880 : i32
    %dma_wait3A_146 = tpu.memref_slice %arg5[%dma_wait3A_145] : memref<10000xi32, #tpu.memory_space<vmem>> -> memref<40xi32, #tpu.memory_space<vmem>>
    %dma_wait3A_147 = arith.constant 0 : i32
    %dma_wait3A_148 = arith.constant 0 : i32
    %dma_wait3A_149 = tpu.memref_slice %arg2[%dma_wait3A_147, %dma_wait3A_148] : memref<10000x128xf32, #tpu.memory_space<hbm>> -> memref<10000x128xf32, #tpu.memory_space<hbm>>
    tpu.wait_indirect_dma semaphore(%arg24 : memref<!tpu.dma_semaphore, #tpu.memory_space<semaphore_mem>>) src(%dma_wait3A_149 : memref<10000x128xf32, #tpu.memory_space<hbm>>) dst(%arg15 : memref<40x128xf32, #tpu.memory_space<vmem>>)
    %dma_start3A_150 = arith.constant 0 : i32
    %dma_start3A_151 = arith.constant 0 : i32
    %dma_start3A_152 = tpu.memref_slice %arg21[%dma_start3A_150, %dma_start3A_151] : memref<10000x128xf32, #tpu.memory_space<vmem_shared>> -> memref<10000x128xf32, #tpu.memory_space<vmem_shared>>
    tpu.enqueue_indirect_dma source(%arg15 : memref<40x128xf32, #tpu.memory_space<vmem>>) target(%dma_start3A_152 : memref<10000x128xf32, #tpu.memory_space<vmem_shared>>) offsets(%arg8 : memref<40xi32, #tpu.memory_space<vmem>>) semaphore(%arg31 : memref<!tpu.dma_semaphore, #tpu.memory_space<semaphore_mem>>) {add = true}
    %add3A_153 = arith.constant 320000 : i32
    %add3A_154 = arith.addi %add3A_153, %mul3A_2 : i32
    %add3A_155 = arith.constant 9920 : i32
    %add3A_156 = arith.addi %add3A_154, %add3A_155 : i32
    %dma_wait3A_157 = tpu.memref_slice %arg3[%add3A_156] : memref<640000xi32, #tpu.memory_space<hbm>> -> memref<40xi32, #tpu.memory_space<hbm>>
    %dma_wait3A_158 = tpu.memref_slice %arg3[%add3A_156] : memref<640000xi32, #tpu.memory_space<hbm>> -> memref<40xi32, #tpu.memory_space<hbm>>
    tpu.wait_dma2 semaphore(%arg25 : memref<!tpu.dma_semaphore, #tpu.memory_space<semaphore_mem>>) src(%dma_wait3A_158 : memref<40xi32, #tpu.memory_space<hbm>>) dst(%arg9 : memref<40xi32, #tpu.memory_space<vmem>>)
    %dma_wait3A_159 = arith.constant 9920 : i32
    %dma_wait3A_160 = tpu.memref_slice %arg5[%dma_wait3A_159] : memref<10000xi32, #tpu.memory_space<vmem>> -> memref<40xi32, #tpu.memory_space<vmem>>
    %dma_wait3A_161 = arith.constant 0 : i32
    %dma_wait3A_162 = arith.constant 0 : i32
    %dma_wait3A_163 = tpu.memref_slice %arg2[%dma_wait3A_161, %dma_wait3A_162] : memref<10000x128xf32, #tpu.memory_space<hbm>> -> memref<10000x128xf32, #tpu.memory_space<hbm>>
    tpu.wait_indirect_dma semaphore(%arg25 : memref<!tpu.dma_semaphore, #tpu.memory_space<semaphore_mem>>) src(%dma_wait3A_163 : memref<10000x128xf32, #tpu.memory_space<hbm>>) dst(%arg16 : memref<40x128xf32, #tpu.memory_space<vmem>>)
    %dma_start3A_164 = arith.constant 0 : i32
    %dma_start3A_165 = arith.constant 0 : i32
    %dma_start3A_166 = tpu.memref_slice %arg21[%dma_start3A_164, %dma_start3A_165] : memref<10000x128xf32, #tpu.memory_space<vmem_shared>> -> memref<10000x128xf32, #tpu.memory_space<vmem_shared>>
    tpu.enqueue_indirect_dma source(%arg16 : memref<40x128xf32, #tpu.memory_space<vmem>>) target(%dma_start3A_166 : memref<10000x128xf32, #tpu.memory_space<vmem_shared>>) offsets(%arg9 : memref<40xi32, #tpu.memory_space<vmem>>) semaphore(%arg32 : memref<!tpu.dma_semaphore, #tpu.memory_space<semaphore_mem>>) {add = true}
    %add3A_167 = arith.constant 320000 : i32
    %add3A_168 = arith.addi %add3A_167, %mul3A_2 : i32
    %add3A_169 = arith.constant 9960 : i32
    %add3A_170 = arith.addi %add3A_168, %add3A_169 : i32
    %dma_wait3A_171 = tpu.memref_slice %arg3[%add3A_170] : memref<640000xi32, #tpu.memory_space<hbm>> -> memref<40xi32, #tpu.memory_space<hbm>>
    %dma_wait3A_172 = tpu.memref_slice %arg3[%add3A_170] : memref<640000xi32, #tpu.memory_space<hbm>> -> memref<40xi32, #tpu.memory_space<hbm>>
    tpu.wait_dma2 semaphore(%arg26 : memref<!tpu.dma_semaphore, #tpu.memory_space<semaphore_mem>>) src(%dma_wait3A_172 : memref<40xi32, #tpu.memory_space<hbm>>) dst(%arg10 : memref<40xi32, #tpu.memory_space<vmem>>)
    %dma_wait3A_173 = arith.constant 9960 : i32
    %dma_wait3A_174 = tpu.memref_slice %arg5[%dma_wait3A_173] : memref<10000xi32, #tpu.memory_space<vmem>> -> memref<40xi32, #tpu.memory_space<vmem>>
    %dma_wait3A_175 = arith.constant 0 : i32
    %dma_wait3A_176 = arith.constant 0 : i32
    %dma_wait3A_177 = tpu.memref_slice %arg2[%dma_wait3A_175, %dma_wait3A_176] : memref<10000x128xf32, #tpu.memory_space<hbm>> -> memref<10000x128xf32, #tpu.memory_space<hbm>>
    tpu.wait_indirect_dma semaphore(%arg26 : memref<!tpu.dma_semaphore, #tpu.memory_space<semaphore_mem>>) src(%dma_wait3A_177 : memref<10000x128xf32, #tpu.memory_space<hbm>>) dst(%arg17 : memref<40x128xf32, #tpu.memory_space<vmem>>)
    %dma_start3A_178 = arith.constant 0 : i32
    %dma_start3A_179 = arith.constant 0 : i32
    %dma_start3A_180 = tpu.memref_slice %arg21[%dma_start3A_178, %dma_start3A_179] : memref<10000x128xf32, #tpu.memory_space<vmem_shared>> -> memref<10000x128xf32, #tpu.memory_space<vmem_shared>>
    tpu.enqueue_indirect_dma source(%arg17 : memref<40x128xf32, #tpu.memory_space<vmem>>) target(%dma_start3A_180 : memref<10000x128xf32, #tpu.memory_space<vmem_shared>>) offsets(%arg10 : memref<40xi32, #tpu.memory_space<vmem>>) semaphore(%arg33 : memref<!tpu.dma_semaphore, #tpu.memory_space<semaphore_mem>>) {add = true}
    %dma_wait3A_181 = arith.constant 0 : i32
    %dma_wait3A_182 = arith.constant 0 : i32
    %dma_wait3A_183 = tpu.memref_slice %arg21[%dma_wait3A_181, %dma_wait3A_182] : memref<10000x128xf32, #tpu.memory_space<vmem_shared>> -> memref<10000x128xf32, #tpu.memory_space<vmem_shared>>
    tpu.wait_indirect_dma semaphore(%arg34 : memref<!tpu.dma_semaphore, #tpu.memory_space<semaphore_mem>>) src(%arg18 : memref<40x128xf32, #tpu.memory_space<vmem>>) dst(%dma_wait3A_183 : memref<10000x128xf32, #tpu.memory_space<vmem_shared>>)
    %dma_wait3A_184 = arith.constant 0 : i32
    %dma_wait3A_185 = arith.constant 0 : i32
    %dma_wait3A_186 = tpu.memref_slice %arg21[%dma_wait3A_184, %dma_wait3A_185] : memref<10000x128xf32, #tpu.memory_space<vmem_shared>> -> memref<10000x128xf32, #tpu.memory_space<vmem_shared>>
    tpu.wait_indirect_dma semaphore(%arg35 : memref<!tpu.dma_semaphore, #tpu.memory_space<semaphore_mem>>) src(%arg19 : memref<40x128xf32, #tpu.memory_space<vmem>>) dst(%dma_wait3A_186 : memref<10000x128xf32, #tpu.memory_space<vmem_shared>>)
    %dma_wait3A_187 = arith.constant 0 : i32
    %dma_wait3A_188 = arith.constant 0 : i32
    %dma_wait3A_189 = tpu.memref_slice %arg21[%dma_wait3A_187, %dma_wait3A_188] : memref<10000x128xf32, #tpu.memory_space<vmem_shared>> -> memref<10000x128xf32, #tpu.memory_space<vmem_shared>>
    tpu.wait_indirect_dma semaphore(%arg29 : memref<!tpu.dma_semaphore, #tpu.memory_space<semaphore_mem>>) src(%arg13 : memref<40x128xf32, #tpu.memory_space<vmem>>) dst(%dma_wait3A_189 : memref<10000x128xf32, #tpu.memory_space<vmem_shared>>)
    %dma_wait3A_190 = arith.constant 0 : i32
    %dma_wait3A_191 = arith.constant 0 : i32
    %dma_wait3A_192 = tpu.memref_slice %arg21[%dma_wait3A_190, %dma_wait3A_191] : memref<10000x128xf32, #tpu.memory_space<vmem_shared>> -> memref<10000x128xf32, #tpu.memory_space<vmem_shared>>
    tpu.wait_indirect_dma semaphore(%arg30 : memref<!tpu.dma_semaphore, #tpu.memory_space<semaphore_mem>>) src(%arg14 : memref<40x128xf32, #tpu.memory_space<vmem>>) dst(%dma_wait3A_192 : memref<10000x128xf32, #tpu.memory_space<vmem_shared>>)
    %dma_wait3A_193 = arith.constant 0 : i32
    %dma_wait3A_194 = arith.constant 0 : i32
    %dma_wait3A_195 = tpu.memref_slice %arg21[%dma_wait3A_193, %dma_wait3A_194] : memref<10000x128xf32, #tpu.memory_space<vmem_shared>> -> memref<10000x128xf32, #tpu.memory_space<vmem_shared>>
    tpu.wait_indirect_dma semaphore(%arg31 : memref<!tpu.dma_semaphore, #tpu.memory_space<semaphore_mem>>) src(%arg15 : memref<40x128xf32, #tpu.memory_space<vmem>>) dst(%dma_wait3A_195 : memref<10000x128xf32, #tpu.memory_space<vmem_shared>>)
    %dma_wait3A_196 = arith.constant 0 : i32
    %dma_wait3A_197 = arith.constant 0 : i32
    %dma_wait3A_198 = tpu.memref_slice %arg21[%dma_wait3A_196, %dma_wait3A_197] : memref<10000x128xf32, #tpu.memory_space<vmem_shared>> -> memref<10000x128xf32, #tpu.memory_space<vmem_shared>>
    tpu.wait_indirect_dma semaphore(%arg32 : memref<!tpu.dma_semaphore, #tpu.memory_space<semaphore_mem>>) src(%arg16 : memref<40x128xf32, #tpu.memory_space<vmem>>) dst(%dma_wait3A_198 : memref<10000x128xf32, #tpu.memory_space<vmem_shared>>)
    %dma_wait3A_199 = arith.constant 0 : i32
    %dma_wait3A_200 = arith.constant 0 : i32
    %dma_wait3A_201 = tpu.memref_slice %arg21[%dma_wait3A_199, %dma_wait3A_200] : memref<10000x128xf32, #tpu.memory_space<vmem_shared>> -> memref<10000x128xf32, #tpu.memory_space<vmem_shared>>
    tpu.wait_indirect_dma semaphore(%arg33 : memref<!tpu.dma_semaphore, #tpu.memory_space<semaphore_mem>>) src(%arg17 : memref<40x128xf32, #tpu.memory_space<vmem>>) dst(%dma_wait3A_201 : memref<10000x128xf32, #tpu.memory_space<vmem_shared>>)
    %barrier3A_202 = arith.constant 0 : index
    tpu.barrier barrier_id(%barrier3A_202)
    %lt3A_203 = arith.constant 15 : i32
    %lt3A_204 = arith.cmpi slt, %arg1, %lt3A_203 : i32
    %jit3A_205 = arith.constant 8 : i32
    %jit3A_206 = arith.constant 5 : i32
    %select_n3A_207 = arith.select %lt3A_204, %jit3A_205, %jit3A_206 : i32
    %while3A_208 = arith.constant 0 : i32
    %while3A_209 = arith.constant 0 : i32
    %while3A_210 = arith.subi %select_n3A_207, %while3A_208 : i32
    %while3A_211 = arith.addi %while3A_208, %while3A_210 : i32
    %while3A_212 = arith.constant 1 : i32
    %while3A_213 = arith.divsi %while3A_210, %while3A_212 : i32
    %while3A_214 = arith.muli %while3A_213, %while3A_212 : i32
    %while3A_215 = arith.addi %while3A_208, %while3A_214 : i32
    %while3A_216 = arith.constant 1 : i32
    %while3A_217 = scf.for %while3A_220 = %while3A_208 to %while3A_215 step %while3A_216 iter_args(%while3A_221 = %while3A_209) -> (i32)  : i32 {
      %mul3A_222 = arith.constant 80 : i32
      %mul3A_223 = arith.muli %while3A_220, %mul3A_222 : i32
      %add3A_224 = arith.addi %mul3A_14, %mul3A_223 : i32
      "tpu.region"() ({
        %run_scoped3A = tpu.sem_alloc : memref<!tpu.dma_semaphore, #tpu.memory_space<semaphore_mem>>
        %dma_start3A_226 = arith.constant 0 : i32
        %dma_start3A_227 = tpu.memref_slice %arg4[%arg0, %add3A_224, %dma_start3A_226] : memref<2x10000x128xf32, #tpu.memory_space<hbm>> -> memref<1x80x128xf32, #tpu.memory_space<hbm>>
        %dma_start3A_228 = tpu.memref_squeeze %dma_start3A_227 : memref<1x80x128xf32, #tpu.memory_space<hbm>> -> memref<80x128xf32, #tpu.memory_space<hbm>>
        %dma_start3A_229 = arith.constant 0 : i32
        %dma_start3A_230 = tpu.memref_slice %arg21[%add3A_224, %dma_start3A_229] : memref<10000x128xf32, #tpu.memory_space<vmem_shared>> -> memref<80x128xf32, #tpu.memory_space<vmem_shared>>
        tpu.enqueue_dma source(%dma_start3A_230 : memref<80x128xf32, #tpu.memory_space<vmem_shared>>) target(%dma_start3A_228 : memref<80x128xf32, #tpu.memory_space<hbm>>) target_semaphore(%run_scoped3A : memref<!tpu.dma_semaphore, #tpu.memory_space<semaphore_mem>>)
        %dma_wait3A_231 = arith.constant 0 : i32
        %dma_wait3A_232 = tpu.memref_slice %arg4[%arg0, %add3A_224, %dma_wait3A_231] : memref<2x10000x128xf32, #tpu.memory_space<hbm>> -> memref<1x80x128xf32, #tpu.memory_space<hbm>>
        %dma_wait3A_233 = tpu.memref_squeeze %dma_wait3A_232 : memref<1x80x128xf32, #tpu.memory_space<hbm>> -> memref<80x128xf32, #tpu.memory_space<hbm>>
        %dma_wait3A_234 = arith.constant 0 : i32
        %dma_wait3A_235 = tpu.memref_slice %arg21[%add3A_224, %dma_wait3A_234] : memref<10000x128xf32, #tpu.memory_space<vmem_shared>> -> memref<80x128xf32, #tpu.memory_space<vmem_shared>>
        tpu.wait_dma2 semaphore(%run_scoped3A : memref<!tpu.dma_semaphore, #tpu.memory_space<semaphore_mem>>) src(%dma_wait3A_235 : memref<80x128xf32, #tpu.memory_space<vmem_shared>>) dst(%dma_wait3A_233 : memref<80x128xf32, #tpu.memory_space<hbm>>)
        tpu.yield
      }) : () -> ()
      %while3A_225 = arith.constant 0 : i32
      scf.yield %while3A_225 : i32
    }
    %while3A_218 = arith.constant 1 : i32
    %while3A_219 = scf.for %while3A_220 = %while3A_215 to %while3A_211 step %while3A_218 iter_args(%while3A_221 = %while3A_217) -> (i32)  : i32 {
      %mul3A_222 = arith.constant 80 : i32
      %mul3A_223 = arith.muli %while3A_220, %mul3A_222 : i32
      %add3A_224 = arith.addi %mul3A_14, %mul3A_223 : i32
      "tpu.region"() ({
        %run_scoped3A = tpu.sem_alloc : memref<!tpu.dma_semaphore, #tpu.memory_space<semaphore_mem>>
        %dma_start3A_226 = arith.constant 0 : i32
        %dma_start3A_227 = tpu.memref_slice %arg4[%arg0, %add3A_224, %dma_start3A_226] : memref<2x10000x128xf32, #tpu.memory_space<hbm>> -> memref<1x80x128xf32, #tpu.memory_space<hbm>>
        %dma_start3A_228 = tpu.memref_squeeze %dma_start3A_227 : memref<1x80x128xf32, #tpu.memory_space<hbm>> -> memref<80x128xf32, #tpu.memory_space<hbm>>
        %dma_start3A_229 = arith.constant 0 : i32
        %dma_start3A_230 = tpu.memref_slice %arg21[%add3A_224, %dma_start3A_229] : memref<10000x128xf32, #tpu.memory_space<vmem_shared>> -> memref<80x128xf32, #tpu.memory_space<vmem_shared>>
        tpu.enqueue_dma source(%dma_start3A_230 : memref<80x128xf32, #tpu.memory_space<vmem_shared>>) target(%dma_start3A_228 : memref<80x128xf32, #tpu.memory_space<hbm>>) target_semaphore(%run_scoped3A : memref<!tpu.dma_semaphore, #tpu.memory_space<semaphore_mem>>)
        %dma_wait3A_231 = arith.constant 0 : i32
        %dma_wait3A_232 = tpu.memref_slice %arg4[%arg0, %add3A_224, %dma_wait3A_231] : memref<2x10000x128xf32, #tpu.memory_space<hbm>> -> memref<1x80x128xf32, #tpu.memory_space<hbm>>
        %dma_wait3A_233 = tpu.memref_squeeze %dma_wait3A_232 : memref<1x80x128xf32, #tpu.memory_space<hbm>> -> memref<80x128xf32, #tpu.memory_space<hbm>>
        %dma_wait3A_234 = arith.constant 0 : i32
        %dma_wait3A_235 = tpu.memref_slice %arg21[%add3A_224, %dma_wait3A_234] : memref<10000x128xf32, #tpu.memory_space<vmem_shared>> -> memref<80x128xf32, #tpu.memory_space<vmem_shared>>
        tpu.wait_dma2 semaphore(%run_scoped3A : memref<!tpu.dma_semaphore, #tpu.memory_space<semaphore_mem>>) src(%dma_wait3A_235 : memref<80x128xf32, #tpu.memory_space<vmem_shared>>) dst(%dma_wait3A_233 : memref<80x128xf32, #tpu.memory_space<hbm>>)
        tpu.yield
      }) : () -> ()
      %while3A_225 = arith.constant 0 : i32
      scf.yield %while3A_225 : i32
    }
    return
  }
}

module attributes {stable_mosaic.version = 14 : i64} {
  func.func @_mlp1_body(%arg0: i32, %arg1: memref<10000x128xf32, #tpu.memory_space<vmem>>, %arg2: memref<2x10000x128xf32, #tpu.memory_space<vmem>>, %arg3: memref<128x128xf32, #tpu.memory_space<vmem>>, %arg4: memref<1x128xf32, #tpu.memory_space<vmem>>, %arg5: memref<128x128xf32, #tpu.memory_space<vmem>>, %arg6: memref<1x128xf32, #tpu.memory_space<vmem>>, %arg7: memref<10000x128xf32, #tpu.memory_space<vmem>>) attributes {dimension_semantics = [#tpu.dimension_semantics<arbitrary>], iteration_bounds = array<i64: 1>, scalar_prefetch = 0 : i64, scratch_operands = 0 : i64, tpu.core_type = #tpu.core_type<tc>, window_params = [{transform_indices = @transform_0, window_bounds = array<i64: 10000, 128>}, {transform_indices = @transform_1, window_bounds = array<i64: 2, 10000, 128>}, {pipeline_mode = #tpu.pipeline_mode<synchronous>, transform_indices = @transform_2, window_bounds = array<i64: 128, 128>}, {pipeline_mode = #tpu.pipeline_mode<synchronous>, transform_indices = @transform_3, window_bounds = array<i64: 1, 128>}, {pipeline_mode = #tpu.pipeline_mode<synchronous>, transform_indices = @transform_4, window_bounds = array<i64: 128, 128>}, {pipeline_mode = #tpu.pipeline_mode<synchronous>, transform_indices = @transform_5, window_bounds = array<i64: 1, 128>}, {transform_indices = @transform_6, window_bounds = array<i64: 10000, 128>}]} {
    %get3A = arith.constant 0 : index
    %get3A_0 = arith.constant 0 : index
    %get3A_1 = vector.load %arg1[%get3A, %get3A_0] : memref<10000x128xf32, #tpu.memory_space<vmem>>, vector<10000x128xf32>
    %get3A_2 = arith.constant 0 : index
    %get3A_3 = arith.constant 0 : index
    %get3A_4 = arith.constant 0 : index
    %get3A_5 = vector.load %arg2[%get3A_2, %get3A_3, %get3A_4] : memref<2x10000x128xf32, #tpu.memory_space<vmem>>, vector<1x10000x128xf32>
    %get3A_6 = vector.shape_cast %get3A_5 : vector<1x10000x128xf32> to vector<10000x128xf32>
    %add3A = arith.addf %get3A_1, %get3A_6 : vector<10000x128xf32>
    %get3A_7 = arith.constant 1 : index
    %get3A_8 = arith.constant 0 : index
    %get3A_9 = arith.constant 0 : index
    %get3A_10 = vector.load %arg2[%get3A_7, %get3A_8, %get3A_9] : memref<2x10000x128xf32, #tpu.memory_space<vmem>>, vector<1x10000x128xf32>
    %get3A_11 = vector.shape_cast %get3A_10 : vector<1x10000x128xf32> to vector<10000x128xf32>
    %add3A_12 = arith.addf %add3A, %get3A_11 : vector<10000x128xf32>
    %get3A_13 = arith.constant 0 : index
    %get3A_14 = arith.constant 0 : index
    %get3A_15 = vector.load %arg3[%get3A_13, %get3A_14] : memref<128x128xf32, #tpu.memory_space<vmem>>, vector<128x128xf32>
    %dot_general3A = arith.constant dense<0.000000e+00> : vector<10000x128xf32>
    %dot_general3A_16 = tpu.matmul %add3A_12, %get3A_15, %dot_general3A {dimension_numbers = #tpu.dot_dimension_numbers<[1], [0], [0], [1], [0, 0, 1, 1], [], []>, transpose_lhs_hint = false} : vector<10000x128xf32>, vector<128x128xf32>, vector<10000x128xf32> -> vector<10000x128xf32>
    %get3A_17 = arith.constant 0 : index
    %get3A_18 = arith.constant 0 : index
    %get3A_19 = vector.load %arg4[%get3A_17, %get3A_18] : memref<1x128xf32, #tpu.memory_space<vmem>>, vector<1x128xf32>
    %add3A_20 = vector.broadcast %get3A_19 : vector<1x128xf32> to vector<10000x128xf32>
    %add3A_21 = arith.addf %dot_general3A_16, %add3A_20 : vector<10000x128xf32>
    %max3A = arith.constant 0.000000e+00 : f32
    %max3A_22 = vector.broadcast %max3A : f32 to vector<10000x128xf32>
    %max3A_23 = arith.maximumf %add3A_21, %max3A_22 : vector<10000x128xf32>
    %get3A_24 = arith.constant 0 : index
    %get3A_25 = arith.constant 0 : index
    %get3A_26 = vector.load %arg5[%get3A_24, %get3A_25] : memref<128x128xf32, #tpu.memory_space<vmem>>, vector<128x128xf32>
    %dot_general3A_27 = arith.constant dense<0.000000e+00> : vector<10000x128xf32>
    %dot_general3A_28 = tpu.matmul %max3A_23, %get3A_26, %dot_general3A_27 {dimension_numbers = #tpu.dot_dimension_numbers<[1], [0], [0], [1], [0, 0, 1, 1], [], []>, transpose_lhs_hint = false} : vector<10000x128xf32>, vector<128x128xf32>, vector<10000x128xf32> -> vector<10000x128xf32>
    %get3A_29 = arith.constant 0 : index
    %get3A_30 = arith.constant 0 : index
    %get3A_31 = vector.load %arg6[%get3A_29, %get3A_30] : memref<1x128xf32, #tpu.memory_space<vmem>>, vector<1x128xf32>
    %add3A_32 = vector.broadcast %get3A_31 : vector<1x128xf32> to vector<10000x128xf32>
    %add3A_33 = arith.addf %dot_general3A_28, %add3A_32 : vector<10000x128xf32>
    %max3A_34 = arith.constant 0.000000e+00 : f32
    %max3A_35 = vector.broadcast %max3A_34 : f32 to vector<10000x128xf32>
    %max3A_36 = arith.maximumf %add3A_33, %max3A_35 : vector<10000x128xf32>
    %swap3A = arith.constant 0 : index
    %swap3A_37 = arith.constant 0 : index
    %swap3A_38 = vector.load %arg7[%swap3A, %swap3A_37] : memref<10000x128xf32, #tpu.memory_space<vmem>>, vector<10000x128xf32>
    tpu.vector_store %arg7[%swap3A, %swap3A_37], %max3A_36 {strides = array<i32>} : memref<10000x128xf32, #tpu.memory_space<vmem>>, vector<10000x128xf32>,
    return
  }
  func.func @transform_0(%arg0: i32) -> (i32, i32) {
    %c0_i32 = arith.constant 0 : i32
    %c0_i32_0 = arith.constant 0 : i32
    return %arg0, %c0_i32 : i32, i32
  }
  func.func @transform_1(%arg0: i32) -> (i32, i32, i32) {
    %c0_i32 = arith.constant 0 : i32
    %c0_i32_0 = arith.constant 0 : i32
    %c0_i32_1 = arith.constant 0 : i32
    return %c0_i32, %arg0, %c0_i32_0 : i32, i32, i32
  }
  func.func @transform_2(%arg0: i32) -> (i32, i32) {
    %c0_i32 = arith.constant 0 : i32
    %c0_i32_0 = arith.constant 0 : i32
    %c0_i32_1 = arith.constant 0 : i32
    return %c0_i32, %c0_i32_0 : i32, i32
  }
  func.func @transform_3(%arg0: i32) -> (i32, i32) {
    %c0_i32 = arith.constant 0 : i32
    %c0_i32_0 = arith.constant 0 : i32
    %c0_i32_1 = arith.constant 0 : i32
    return %c0_i32, %c0_i32_0 : i32, i32
  }
  func.func @transform_4(%arg0: i32) -> (i32, i32) {
    %c0_i32 = arith.constant 0 : i32
    %c0_i32_0 = arith.constant 0 : i32
    %c0_i32_1 = arith.constant 0 : i32
    return %c0_i32, %c0_i32_0 : i32, i32
  }
  func.func @transform_5(%arg0: i32) -> (i32, i32) {
    %c0_i32 = arith.constant 0 : i32
    %c0_i32_0 = arith.constant 0 : i32
    %c0_i32_1 = arith.constant 0 : i32
    return %c0_i32, %c0_i32_0 : i32, i32
  }
  func.func @transform_6(%arg0: i32) -> (i32, i32) {
    %c0_i32 = arith.constant 0 : i32
    %c0_i32_0 = arith.constant 0 : i32
    return %arg0, %c0_i32 : i32, i32
  }
}

module attributes {stable_mosaic.version = 14 : i64} {
  func.func @_mlp2_pool_body(%arg0: i32, %arg1: memref<10000x128xf32, #tpu.memory_space<vmem>>, %arg2: memref<2x10000x128xf32, #tpu.memory_space<vmem>>, %arg3: memref<1x1x10000xi32, #tpu.memory_space<vmem>>, %arg4: memref<128x128xf32, #tpu.memory_space<vmem>>, %arg5: memref<1x128xf32, #tpu.memory_space<vmem>>, %arg6: memref<128x128xf32, #tpu.memory_space<vmem>>, %arg7: memref<1x128xf32, #tpu.memory_space<vmem>>, %arg8: memref<64x128xf32, #tpu.memory_space<vmem>>) attributes {dimension_semantics = [#tpu.dimension_semantics<arbitrary>], iteration_bounds = array<i64: 1>, scalar_prefetch = 0 : i64, scratch_operands = 0 : i64, tpu.core_type = #tpu.core_type<tc>, window_params = [{transform_indices = @transform_0, window_bounds = array<i64: 10000, 128>}, {transform_indices = @transform_1, window_bounds = array<i64: 2, 10000, 128>}, {transform_indices = @transform_2, window_bounds = array<i64: 1, 1, 10000>}, {pipeline_mode = #tpu.pipeline_mode<synchronous>, transform_indices = @transform_3, window_bounds = array<i64: 128, 128>}, {pipeline_mode = #tpu.pipeline_mode<synchronous>, transform_indices = @transform_4, window_bounds = array<i64: 1, 128>}, {pipeline_mode = #tpu.pipeline_mode<synchronous>, transform_indices = @transform_5, window_bounds = array<i64: 128, 128>}, {pipeline_mode = #tpu.pipeline_mode<synchronous>, transform_indices = @transform_6, window_bounds = array<i64: 1, 128>}, {pipeline_mode = #tpu.pipeline_mode<synchronous>, transform_indices = @transform_7, window_bounds = array<i64: 64, 128>}]} {
    %get3A = arith.constant 0 : index
    %get3A_0 = arith.constant 0 : index
    %get3A_1 = vector.load %arg1[%get3A, %get3A_0] : memref<10000x128xf32, #tpu.memory_space<vmem>>, vector<10000x128xf32>
    %get3A_2 = arith.constant 0 : index
    %get3A_3 = arith.constant 0 : index
    %get3A_4 = arith.constant 0 : index
    %get3A_5 = vector.load %arg2[%get3A_2, %get3A_3, %get3A_4] : memref<2x10000x128xf32, #tpu.memory_space<vmem>>, vector<1x10000x128xf32>
    %get3A_6 = vector.shape_cast %get3A_5 : vector<1x10000x128xf32> to vector<10000x128xf32>
    %add3A = arith.addf %get3A_1, %get3A_6 : vector<10000x128xf32>
    %get3A_7 = arith.constant 1 : index
    %get3A_8 = arith.constant 0 : index
    %get3A_9 = arith.constant 0 : index
    %get3A_10 = vector.load %arg2[%get3A_7, %get3A_8, %get3A_9] : memref<2x10000x128xf32, #tpu.memory_space<vmem>>, vector<1x10000x128xf32>
    %get3A_11 = vector.shape_cast %get3A_10 : vector<1x10000x128xf32> to vector<10000x128xf32>
    %add3A_12 = arith.addf %add3A, %get3A_11 : vector<10000x128xf32>
    %get3A_13 = arith.constant 0 : index
    %get3A_14 = arith.constant 0 : index
    %get3A_15 = vector.load %arg4[%get3A_13, %get3A_14] : memref<128x128xf32, #tpu.memory_space<vmem>>, vector<128x128xf32>
    %dot_general3A = arith.constant dense<0.000000e+00> : vector<10000x128xf32>
    %dot_general3A_16 = tpu.matmul %add3A_12, %get3A_15, %dot_general3A {dimension_numbers = #tpu.dot_dimension_numbers<[1], [0], [0], [1], [0, 0, 1, 1], [], []>, transpose_lhs_hint = false} : vector<10000x128xf32>, vector<128x128xf32>, vector<10000x128xf32> -> vector<10000x128xf32>
    %get3A_17 = arith.constant 0 : index
    %get3A_18 = arith.constant 0 : index
    %get3A_19 = vector.load %arg5[%get3A_17, %get3A_18] : memref<1x128xf32, #tpu.memory_space<vmem>>, vector<1x128xf32>
    %add3A_20 = vector.broadcast %get3A_19 : vector<1x128xf32> to vector<10000x128xf32>
    %add3A_21 = arith.addf %dot_general3A_16, %add3A_20 : vector<10000x128xf32>
    %max3A = arith.constant 0.000000e+00 : f32
    %max3A_22 = vector.broadcast %max3A : f32 to vector<10000x128xf32>
    %max3A_23 = arith.maximumf %add3A_21, %max3A_22 : vector<10000x128xf32>
    %get3A_24 = arith.constant 0 : index
    %get3A_25 = arith.constant 0 : index
    %get3A_26 = vector.load %arg6[%get3A_24, %get3A_25] : memref<128x128xf32, #tpu.memory_space<vmem>>, vector<128x128xf32>
    %dot_general3A_27 = arith.constant dense<0.000000e+00> : vector<10000x128xf32>
    %dot_general3A_28 = tpu.matmul %max3A_23, %get3A_26, %dot_general3A_27 {dimension_numbers = #tpu.dot_dimension_numbers<[1], [0], [0], [1], [0, 0, 1, 1], [], []>, transpose_lhs_hint = false} : vector<10000x128xf32>, vector<128x128xf32>, vector<10000x128xf32> -> vector<10000x128xf32>
    %get3A_29 = arith.constant 0 : index
    %get3A_30 = arith.constant 0 : index
    %get3A_31 = vector.load %arg7[%get3A_29, %get3A_30] : memref<1x128xf32, #tpu.memory_space<vmem>>, vector<1x128xf32>
    %add3A_32 = vector.broadcast %get3A_31 : vector<1x128xf32> to vector<10000x128xf32>
    %add3A_33 = arith.addf %dot_general3A_28, %add3A_32 : vector<10000x128xf32>
    %get3A_34 = arith.constant 0 : index
    %get3A_35 = arith.constant 0 : index
    %get3A_36 = arith.constant 0 : index
    %get3A_37 = vector.load %arg3[%get3A_34, %get3A_35, %get3A_36] : memref<1x1x10000xi32, #tpu.memory_space<vmem>>, vector<1x1x10000xi32>
    %reshape3A = vector.shape_cast %get3A_37 : vector<1x1x10000xi32> to vector<1x10000xi32>
    %iota3A = tpu.iota {dimensions = array<i32: 0>} : vector<64x10000xi32>
    %eq3A = vector.broadcast %reshape3A : vector<1x10000xi32> to vector<64x10000xi32>
    %eq3A_38 = arith.cmpi eq, %eq3A, %iota3A : vector<64x10000xi32>
    %convert_element_type3A = arith.extui %eq3A_38 : vector<64x10000xi1> to vector<64x10000xi32>
    %convert_element_type3A_39 = arith.sitofp %convert_element_type3A : vector<64x10000xi32> to vector<64x10000xf32>
    %dot_general3A_40 = arith.constant dense<0.000000e+00> : vector<64x128xf32>
    %dot_general3A_41 = tpu.matmul %convert_element_type3A_39, %add3A_33, %dot_general3A_40 {dimension_numbers = #tpu.dot_dimension_numbers<[1], [0], [0], [1], [0, 0, 1, 1], [], []>, transpose_lhs_hint = false} : vector<64x10000xf32>, vector<10000x128xf32>, vector<64x128xf32> -> vector<64x128xf32>
    %eq3A_42 = arith.constant 0 : i32
    %eq3A_43 = arith.cmpi eq, %arg0, %eq3A_42 : i32
    %convert_element_type3A_44 = arith.extui %eq3A_43 : i1 to i32
    %cond3A = arith.constant 0 : i32
    %cond3A_45 = arith.cmpi ne, %convert_element_type3A_44, %cond3A : i32
    scf.if %cond3A_45 {
      %broadcast_in_dim3A = arith.constant 0.000000e+00 : f32
      %broadcast_in_dim3A_52 = vector.broadcast %broadcast_in_dim3A : f32 to vector<64x128xf32>
      %swap3A_53 = arith.constant 0 : index
      %swap3A_54 = arith.constant 0 : index
      %swap3A_55 = vector.load %arg8[%swap3A_53, %swap3A_54] : memref<64x128xf32, #tpu.memory_space<vmem>>, vector<64x128xf32>
      tpu.vector_store %arg8[%swap3A_53, %swap3A_54], %broadcast_in_dim3A_52 {strides = array<i32>} : memref<64x128xf32, #tpu.memory_space<vmem>>, vector<64x128xf32>,
    } else {
    }
    %get3A_46 = arith.constant 0 : index
    %get3A_47 = arith.constant 0 : index
    %get3A_48 = vector.load %arg8[%get3A_46, %get3A_47] : memref<64x128xf32, #tpu.memory_space<vmem>>, vector<64x128xf32>
    %add3A_49 = arith.addf %get3A_48, %dot_general3A_41 : vector<64x128xf32>
    %swap3A = arith.constant 0 : index
    %swap3A_50 = arith.constant 0 : index
    %swap3A_51 = vector.load %arg8[%swap3A, %swap3A_50] : memref<64x128xf32, #tpu.memory_space<vmem>>, vector<64x128xf32>
    tpu.vector_store %arg8[%swap3A, %swap3A_50], %add3A_49 {strides = array<i32>} : memref<64x128xf32, #tpu.memory_space<vmem>>, vector<64x128xf32>,
    return
  }
  func.func @transform_0(%arg0: i32) -> (i32, i32) {
    %c0_i32 = arith.constant 0 : i32
    %c0_i32_0 = arith.constant 0 : i32
    return %arg0, %c0_i32 : i32, i32
  }
  func.func @transform_1(%arg0: i32) -> (i32, i32, i32) {
    %c0_i32 = arith.constant 0 : i32
    %c0_i32_0 = arith.constant 0 : i32
    %c0_i32_1 = arith.constant 0 : i32
    return %c0_i32, %arg0, %c0_i32_0 : i32, i32, i32
  }
  func.func @transform_2(%arg0: i32) -> (i32, i32, i32) {
    %c0_i32 = arith.constant 0 : i32
    %c0_i32_0 = arith.constant 0 : i32
    %c0_i32_1 = arith.constant 0 : i32
    return %arg0, %c0_i32, %c0_i32_0 : i32, i32, i32
  }
  func.func @transform_3(%arg0: i32) -> (i32, i32) {
    %c0_i32 = arith.constant 0 : i32
    %c0_i32_0 = arith.constant 0 : i32
    %c0_i32_1 = arith.constant 0 : i32
    return %c0_i32, %c0_i32_0 : i32, i32
  }
  func.func @transform_4(%arg0: i32) -> (i32, i32) {
    %c0_i32 = arith.constant 0 : i32
    %c0_i32_0 = arith.constant 0 : i32
    %c0_i32_1 = arith.constant 0 : i32
    return %c0_i32, %c0_i32_0 : i32, i32
  }
  func.func @transform_5(%arg0: i32) -> (i32, i32) {
    %c0_i32 = arith.constant 0 : i32
    %c0_i32_0 = arith.constant 0 : i32
    %c0_i32_1 = arith.constant 0 : i32
    return %c0_i32, %c0_i32_0 : i32, i32
  }
  func.func @transform_6(%arg0: i32) -> (i32, i32) {
    %c0_i32 = arith.constant 0 : i32
    %c0_i32_0 = arith.constant 0 : i32
    %c0_i32_1 = arith.constant 0 : i32
    return %c0_i32, %c0_i32_0 : i32, i32
  }
  func.func @transform_7(%arg0: i32) -> (i32, i32) {
    %c0_i32 = arith.constant 0 : i32
    %c0_i32_0 = arith.constant 0 : i32
    %c0_i32_1 = arith.constant 0 : i32
    return %c0_i32, %c0_i32_0 : i32, i32
  }
}

</mosaic_0001>

<sc_bundles>
// kernel: kernel.6.cloned.1.call-start
scs
__scs_entry_jumppad:
0x0: {  	(pc) =	sbr.rel $0x88, $3  }
0x1: {  	(tag) =	ssettag $0x0;
	lr =	simm.s32 $0x1  }
0x2: {  	[smem:$0x3F96] =	sst lr;
	_ =	strace $0xD0000000  }
0x3: {  	_ = 	snop  }
0x4: {  	_ = 	snop  }
0x5: {  	_ = 	snop  }
0x6: {  	_ = 	snop  }
0x7: {  	_ = 	snop  }
__scs_overlays_trampoline_lowered:
0x8: {  	[smem:$0x3FA5] =	sst s0  }
0x9: {  	[smem:$0x3FA6] =	sst s1  }
0xa: {  	[smem:$0x3FA7] =	sst s2  }
0xb: {  	[smem:$0x3FA8] =	sst s3  }
0xc: {  	[smem:$0x3FA9] =	sst s4  }
0xd: {  	[smem:$0x3FAA] =	sst s5  }
0xe: {  	[smem:$0x3FAB] =	sst s6  }
0xf: {  	[smem:$0x3FAC] =	sst s7  }
0x10: {  	[smem:$0x3FAD] =	sst s8  }
0x11: {  	[smem:$0x3FAE] =	sst s9;
	s0 =	simm.s32 @!p0 $0x0  }
0x12: {  	s1 =	sld [smem:$0x3F94];
	s0 =	simm.s32 @p0 $0x1  }
0x13: {  	[smem:$0x3FAF] =	sst s0;
	s0 =	simm.s32 @!p1 $0x0  }
0x14: {  	s2 =	sld [smem:$0x3F93];
	s0 =	simm.s32 @p1 $0x1  }
0x15: {  	[smem:$0x3FB0] =	sst s0;
	s0 =	simm.s32 @!p2 $0x0  }
0x16: {  	s3 =	sld [smem:$0x3FDB];
	s0 =	simm.s32 @p2 $0x1  }
0x17: {  	s4 =	simm.s32 $0x1BF5;
	[smem:$0x3FB2] =	sst s0  }
0x18: {  	s0 =	sld [smem:$0x3F95];
	_ =	swait.ge [sflag:s4], $0x0  }
0x19: {  	s7 =	sld [smem:$0x3F96]  }
0x1a: {  	s8 =	sadd.s32 $0xFFFFE003, lr  }
0x1b: {  	s9 =	sadd.s32 $0xFFFFFEF7, lr;
	s5 =	simm.s32 $0xFFFFFFFF;
	p2 =	slt.u32 s8, $0xFFFFF086  }
0x1c: {  	p1 =	slt.u32 s9, $0xF7A;
	s5 =	simm.s32 @!p2 $0x0  }
0x1d: {  	s5 =	simm.s32 @p1 $0x1;
	p0 =	seq.s32 s7, s2  }
0x1e: {  	s7 =	smul.u32 @!p0 $0xF7A, s2;
	p2 =	seq.s32 @!p0 s5, $0x0  }
0x1f: {  	s9 =	smul.u32 $0xF7A, s1;
	s8 =	simm.s32 @!p0 $0x1BF5;
	p2 =	por !p2, p0  }
0x20: {  	[sflag:s8] =	ssyncset.s32 @!p0 $0xFFFFF086;
	s6 =	sadd.s32 @!p0 s3, s7;
	s7 =	simm.s32 @!p0 $0x108  }
0x21: {  	s3 =	sadd.s32 s3, s9;
	s6 =	sadd.s32 @!p0 $0x88, s6;
	s7 =	simm.s32 @p2 $0x1082  }
0x22: {  	[simem:s7], [sflag:s8] =	dma.local @!p0 [hbm:s6], $0xF7A  }
0x23: {  	s9 =	sor.u32 $0xD0000000, s2;
	s6 =	simm.s32 $0x108;
	_ =	swait.ge @!p0 [sflag:s8], $0x0  }
0x24: {  	s3 =	sadd.s32 $0x88, s3;
	s6 =	simm.s32 @!p1 $0x1082;
	[sflag:s4] =	ssyncset.s32 $0xFFFFF086  }
0x25: {  	[simem:s6], [sflag:s4] =	dma.local [hbm:s3], $0xF7A  }
0x26: {  	[smem:$0x3F96] =	sst s1;
	(tag) =	ssettag s2;
	_ =	strace s9  }
0x27: {  	s1 =	sld [smem:$0x3FA6]  }
0x28: {  	s2 =	sld [smem:$0x3FA7]  }
0x29: {  	s4 =	sld [smem:$0x3FA9]  }
0x2a: {  	p0 =	seq.s32 s5, $0x0;
	s5 =	sld [smem:$0x3FAA]  }
0x2b: {  	s6 =	sld [smem:$0x3FAB]  }
0x2c: {  	s7 =	sld [smem:$0x3FAC]  }
0x2d: {  	s3 =	simm.s32 $0x108;
	s8 =	sld [smem:$0x3FAD]  }
0x2e: {  	s3 =	simm.s32 @!p0 $0x1082;
	s9 =	sld [smem:$0x3FAE]  }
0x2f: {  	lr =	sadd.s32 s0, s3;
	s0 =	sld [smem:$0x3FA5]  }
0x30: {  	s3 =	sld [smem:$0x3FA8]  }
0x31: {  	[smem:$0x3FB1] =	sst s10  }
0x32: {  	s10 =	sld [smem:$0x3FAF];
	_ =	sdelay $0x3  }
0x33: {  	p0 =	seq.s32 s10, $0x1;
	s10 =	sld [smem:$0x3FB1];
	_ =	sdelay $0x3  }
0x34: {  	[smem:$0x3FB1] =	sst s10  }
0x35: {  	s10 =	sld [smem:$0x3FB0];
	_ =	sdelay $0x3  }
0x36: {  	p1 =	seq.s32 s10, $0x1;
	s10 =	sld [smem:$0x3FB1];
	_ =	sdelay $0x3  }
0x37: {  	[smem:$0x3FB1] =	sst s10  }
0x38: {  	s10 =	sld [smem:$0x3FB2]  }
0x39: {  	_ = 	snop;
	(pc) =	sbr.ind lr, $3  }
0x3a: {  	_ = 	snop  }
0x3b: {  	_ = 	snop  }
0x3c: {  	p2 =	seq.s32 s10, $0x1;
	s10 =	sld [smem:$0x3FB1]  }
0x3d: {  	_ =	shalt  }
0x3e: {  	_ =	shalt  }
0x3f: {  	_ =	shalt  }
0x40: {  	_ =	shalt  }
0x41: {  	_ =	shalt  }
0x42: {  	_ =	shalt  }
0x43: {  	_ =	shalt  }
0x44: {  	_ =	shalt  }
0x45: {  	_ =	shalt  }
0x46: {  	_ =	shalt  }
0x47: {  	_ =	shalt  }
0x48: {  	_ =	shalt  }
0x49: {  	_ =	shalt  }
0x4a: {  	_ =	shalt  }
0x4b: {  	_ =	shalt  }
0x4c: {  	_ =	shalt  }
0x4d: {  	_ =	shalt  }
0x4e: {  	_ =	shalt  }
0x4f: {  	_ =	shalt  }
0x50: {  	_ =	shalt  }
0x51: {  	_ =	shalt  }
0x52: {  	_ =	shalt  }
0x53: {  	_ =	shalt  }
0x54: {  	_ =	shalt  }
0x55: {  	_ =	shalt  }
0x56: {  	_ =	shalt  }
0x57: {  	_ =	shalt  }
0x58: {  	_ =	shalt  }
0x59: {  	_ =	shalt  }
0x5a: {  	_ =	shalt  }
0x5b: {  	_ =	shalt  }
0x5c: {  	_ =	shalt  }
0x5d: {  	_ =	shalt  }
0x5e: {  	_ =	shalt  }
0x5f: {  	_ =	shalt  }
0x60: {  	_ =	shalt  }
0x61: {  	_ =	shalt  }
0x62: {  	_ =	shalt  }
0x63: {  	_ =	shalt  }
0x64: {  	_ =	shalt  }
0x65: {  	_ =	shalt  }
0x66: {  	_ =	shalt  }
0x67: {  	_ =	shalt  }
0x68: {  	_ =	shalt  }
0x69: {  	_ =	shalt  }
0x6a: {  	_ =	shalt  }
0x6b: {  	_ =	shalt  }
0x6c: {  	_ =	shalt  }
0x6d: {  	_ =	shalt  }
0x6e: {  	_ =	shalt  }
0x6f: {  	_ =	shalt  }
0x70: {  	_ =	shalt  }
0x71: {  	_ =	shalt  }
0x72: {  	_ =	shalt  }
0x73: {  	_ =	shalt  }
0x74: {  	_ =	shalt  }
0x75: {  	_ =	shalt  }
0x76: {  	_ =	shalt  }
0x77: {  	_ =	shalt  }
0x78: {  	_ =	shalt  }
0x79: {  	_ =	shalt  }
0x7a: {  	_ =	shalt  }
0x7b: {  	_ =	shalt  }
0x7c: {  	_ =	shalt  }
0x7d: {  	_ =	shalt  }
0x7e: {  	_ =	shalt  }
0x7f: {  	_ =	shalt  }
0x80: {  	_ =	shalt  }
0x81: {  	_ =	shalt  }
0x82: {  	_ =	shalt  }
0x83: {  	_ =	shalt  }
0x84: {  	_ =	shalt  }
0x85: {  	_ =	shalt  }
0x86: {  	_ =	shalt  }
0x87: {  	_ =	shalt  }
.Lfunc_end0:
.L_simem_size_0:
called_computation_lowered:
.L_overlay_start_0:
0x88: {  	s2 =	sld [smem:$0x3FD9]  }
0x89: {  	s3 =	sld [smem:$0x3FFE];
	_ =	sdelay $0x1  }
0x8a: {  	s1 =	srdreg.scid  }
0x8b: {  	s0 =	sand.u32 $0x1, s1  }
0x8c: {  	s17 =	sshll.u32 s0, $0xA;
	s2 =	sadd.s32 s3, s2  }
0x8d: {  	s2 =	sadd.s32 s2, s17  }
0x8e: {  	[smem:$0x3FBD] =	sst s2  }
0x8f: {  	_ = 	snop  }
0x90: {  	s2 =	sld [smem:$0x3FC9];
	(tm) =	ssettm $0x1  }
0x91: {  	s18 =	sld [smem:$0x3FFB];
	_ =	sdelay $0x3  }
0x92: {  	_ =	strace s18  }
0x93: {  	s3 =	sld [smem:$0x3FFC];
	_ =	sdelay $0x3  }
0x94: {  	_ =	strace s3  }
0x95: {  	s3 =	sld [smem:$0x3FFD];
	_ =	sdelay $0x3  }
0x96: {  	_ =	strace s3  }
0x97: {  	_ =	strace $0x8FFFFFFF  }
0x98: {  	s19 =	sld [smem:$0x3FDB];
	_ =	sdelay $0x1  }
0x99: {  	s4 =	simm.s32 $_scs_section_size  }
0x9a: {  	s5 =	simm.s32 $_size__tile_overlayer_lowered;
	s6 =	simm.s32 $_tile_overlayer_lowered  }
0x9b: {  	s22 =	simm.s32 $0x1BFF;
	s21 =	sshll.u32 s6, $0x1;
	s3 =	sadd.s32 s4, s19  }
0x9c: {  	s7 =	simm.s32 $0x0;
	s20 =	sshll.u32 s5, $0x1;
	s5 =	sadd.s32 s21, s3  }
0x9d: {  	[timem:s7], [sflag:s22] =	dma.local [hbm:s5], s20  }
0x9e: {  	_ =	swait.ge [sflag:s22], s20  }
0x9f: {  	s4 =	ssub.s32 $0x0, s20;
	[sflag:s22] =	ssyncset.done $0x0  }
0xa0: {  	[sflag:s22] =	ssyncadd.s32 s4;
	_ =	sdelay $0x1  }
0xa1: {  	s23 =	simm.s32 $0x1B8B  }
0xa2: {  	_ =	swait.ge [sflag:s23], $0x1  }
0xa3: {  	[sflag:s23] =	ssyncset.done $0x0  }
0xa4: {  	s25 =	simm.s32 $0x1B8E;
	s24 =	sld [smem:$0x3FFE];
	[sflag:s23] =	ssyncadd.s32 $0xFFFFFFFF  }
0xa5: {  	s26 =	simm.s32 $execute0_lowered;
	[smem:$0x3FD2] =	sst s25  }
0xa6: {  	s5 =	sshll.u32 s26, $0x1;
	_ =	strace $0x80000046;
	[dreg:$0x1] =	wrdreg $0xFFFFFFFF  }
0xa7: {  	s28 =	simm.s32 $_size_execute0_lowered;
	s3 =	sadd.s32 s3, s5;
	[dreg:$0x0] =	wrdreg $0x0  }
0xa8: {  	s5 =	sshll.u32 s28, $0x1;
	[dreg:$0x2] =	wrdreg s3  }
0xa9: {  	[dreg:$0x3] =	wrdreg s5  }
0xaa: {  	[dreg:$0x4] =	wrdreg $0xC0  }
0xab: {  	_ =	task [dreg:s7], $0x5FFFF  }
0xac: {  	[dreg:$0x1] =	wrdreg $0xFFFFFFFF  }
0xad: {  	[dreg:$0x0] =	wrdreg $0x60  }
0xae: {  	[dreg:$0x2] =	wrdreg s2  }
0xaf: {  	[dreg:$0x3] =	wrdreg s24  }
0xb0: {  	[dreg:$0x4] =	wrdreg $0xBF000  }
0xb1: {  	[dreg:$0x5] =	wrdreg $0x9  }
0xb2: {  	_ =	task.clear_ibuf [dreg:s7], $0x6FFFF;
	_ =	strace $0x90000046  }
0xb3: {  	s29 =	simm.s32 $0x9;
	_ =	strace $0x80000048  }
0xb4: {  	_ =	swait.ge [sflag:s29], $0x1  }
0xb5: {  	[sflag:s29] =	ssyncadd.s32 $0xFFFFFFFF  }
0xb6: {  	_ =	strace $0x90000048  }
0xb7: {  	_ =	sfence  }
0xb8: {  	s30 =	sld [smem:$0x0];
	_ =	sdelay $0x2  }
0xb9: {  	s31 =	sshll.u32 s1, $0xD;
	s1 =	sshrl.u32 s1, $0x2  }
0xba: {  	s3 =	sand.u32 $0x4000, s31;
	s1 =	sadd.s32 s1, s30  }
0xbb: {  	s0 =	sor.u32 s3, s0;
	s1 =	sshll.u32 s1, $0x11  }
0xbc: {  	s0 =	sor.u32 s1, s0  }
0xbd: {  	s0 =	sadd.s32 $0x8F2B, s0  }
0xbe: {  	[sflag:s0] =	ssyncadd.remote.s32 $0x1  }
0xbf: {  	_ =	sfence.sel $0xFFFF  }
0xc0: {  	[dreg:$0x0] =	wrdreg $0xFFFFFFFF;
	(pc) =	sbr.abs _section_cstart, $3  }
0xc1: {  	[dreg:$0x1] =	wrdreg $0xFFFFFFFF  }
0xc2: {  	_ =	task.clear_ibuf [dreg:s7], $0x2FFFF;
	_ =	strace $0x9FFFFFFF  }
0xc3: {  	(tm) =	ssettm $0x7FFFFFFF  }
tec
execute0_lowered:
.L_overlay_start_1:
0x0: {  	(tag) =	ssettag $0x1  }
0x1: {  	s2 =	rddreg [dreg:$0x0]  }
0x2: {  	s0 =	rddreg [dreg:$0x1]  }
0x3: {  	s1 =	rddreg [dreg:$0x2]  }
0x4: {  	s3 =	srdreg.scid;
	s18 =	simm.s32 $0x0;
	s11 =	stileid.u32  }
0x5: {  	s10 =	simm.s32 $0x19;
	s28 =	simm.s32 $0xB700;
	s29 =	simm.s32 $0xF  }
0x6: {  	s31 =	simm.s32 $0x28;
	s30 =	simm.s32 $0x2900;
	s3 =	sand.u32 $0x1, s3  }
0x7: {  	[smem:$0x7FF] =	sst s18;
	s7 =	sadd.s32 $0x2A00, s0;
	s16 =	smul.u32 $0x50000, s11  }
0x8: {  	p0 =	seq.s32 s11, $0xF;
	s22 =	smul.u32 $0x2710, s11;
	s5 =	sshll.u32 s3, $0x4  }
0x9: {  	_ =	strace $0x80000047;
	s6 =	ssub.s32 $0x2, s3;
	s20 =	smul.u32 $0x27100, s3  }
0xa: {  	s10 =	simm.s32 @!p0 $0x28;
	s3 =	smul.u32 $0x138800, s3;
	s5 =	sor.u32 s11, s5  }
0xb: {  	s8 =	sshrl.u32 s6, $0x1;
	[dreg:$0x4] =	wrdreg s10;
	s9 =	smul.u32 $0x2710, s5  }
0xc: {  	s5 =	sadd.s32 $0x16400, s0;
	s0 =	ssub.s32 s6, s8;
	s6 =	sshrl.u32 s16, $0x2  }
0xd: {  	s8 =	sadd.s32 s22, s20;
	s20 =	smul.u32 $0x14000, s11;
	s22 =	simm.s32 $0x6700  }
0xe: {  	s6 =	sadd.s32 s6, s1;
	s26 =	sadd.s32 $0x4E408, s8;
	s10 =	sadd.s32 $0x4E3E0, s8  }
0xf: {  	s13 =	sadd.s32 $0x4E3B8, s8;
	s14 =	sadd.s32 $0x4E390, s8;
	s0 =	smax.u32 s0, $0x1  }
0x10: {  	s17 =	sshrl.u32 s9, $0x3;
	[dreg:$0x6] =	wrdreg s6;
	s19 =	sadd.s32 $0x4E228, s9  }
0x11: {  	s24 =	sadd.s32 $0x4E278, s9;
	s9 =	sadd.s32 $0x4E2C8, s9;
	s15 =	sshrl.u32 s13, $0x3  }
0x12: {  	s16 =	sshrl.u32 s14, $0x3;
	s3 =	sadd.s32 s20, s3;
	[dreg:$0x16] =	wrdreg s0  }
0x13: {  	s14 =	simm.s32 $0x2B00;
	s12 =	sadd.s32 s7, s17;
	s6 =	sshrl.u32 s19, $0x3  }
0x14: {  	s25 =	sshrl.u32 s9, $0x3;
	s9 =	sshrl.u32 s26, $0x3;
	[dreg:$0x14] =	wrdreg s3  }
0x15: {  	s13 =	sadd.s32 s16, s7;
	s17 =	sadd.s32 $0x4E368, s8;
	[dreg:$0x5] =	wrdreg s12  }
0x16: {  	s19 =	sadd.s32 $0x4E340, s8;
	s21 =	sadd.s32 $0x9C40, s12;
	[dreg:$0x10] =	wrdreg s13  }
0x17: {  	s8 =	sadd.s32 $0x4E318, s8;
	s6 =	sadd.s32 s7, s6;
	[dreg:$0x7] =	wrdreg s21  }
0x18: {  	s3 =	simm.s32 $0x5;
	s23 =	sadd.s32 $0x9C4A, s12;
	[dreg:$0x8] =	wrdreg s6  }
0x19: {  	s16 =	simm.s32 $0x3F00;
	s4 =	sadd.s32 $0x9C54, s12;
	[dreg:$0x9] =	wrdreg s23  }
0x1a: {  	s8 =	sshrl.u32 s8, $0x3;
	s26 =	sadd.s32 $0x9C5E, s12;
	[dreg:$0xb] =	wrdreg s4  }
0x1b: {  	s3 =	simm.s32 @!p0 $0x8;
	s12 =	simm.s32 $0x2780;
	[dreg:$0x13] =	wrdreg s26  }
0x1c: {  	s6 =	sshrl.u32 s24, $0x3;
	[dreg:$0x15] =	wrdreg s3;
	s26 =	simm.s32 $0x5  }
0x1d: {  	s4 =	simm.s32 $0x5300;
	s23 =	simm.s32 $0x4;
	s6 =	sadd.s32 s7, s6  }
0x1e: {  	s24 =	simm.s32 $0x6;
	[dreg:$0xa] =	wrdreg s6;
	s6 =	sadd.s32 s7, s25  }
0x1f: {  	s3 =	simm.s32 $0x0;
	[dreg:$0xc] =	wrdreg s6;
	s6 =	sadd.s32 s9, s7  }
0x20: {  	s25 =	simm.s32 $0x2;
	[dreg:$0xd] =	wrdreg s6;
	s6 =	sshrl.u32 s10, $0x3  }
0x21: {  	s9 =	sshrl.u32 s19, $0x3;
	s19 =	simm.s32 $0x2880;
	s6 =	sadd.s32 s6, s7  }
0x22: {  	s9 =	sadd.s32 s9, s7;
	[dreg:$0xe] =	wrdreg s6;
	s6 =	sadd.s32 s15, s7  }
0x23: {  	s10 =	simm.s32 $0x8;
	[dreg:$0xf] =	wrdreg s6;
	s6 =	sshrl.u32 s17, $0x3  }
0x24: {  	[dreg:$0x18] =	wrdreg s9;
	s15 =	simm.s32 $0x7;
	s21 =	sadd.s32 s6, s7  }
0x25: {  	s17 =	simm.s32 $0x2800;
	s7 =	sadd.s32 s8, s7;
	[dreg:$0x11] =	wrdreg s21  }
0x26: {  	v0 =	vimm.f32 $0.0e+00;
	s8 =	simm.s32 $0x1;
	s6 =	simm.s32 $0x3;
	[dreg:$0x12] =	wrdreg s7  }
.LBB2_1:
0x27: {  	s0 =	rddreg [dreg:$0x5];
	s20 =	sand.u32 $0x1E00, s18  }
0x28: {  	[tilespmem:s18], [sflag:$0x8] =	stream.linear.gather [hbm4b:s0+s18], $0x2710, $0x38;
	[tilespmem:$0x1F780] =	vst v63  }
0x29: {  	[dreg:$0x17] =	wrdreg s3;
	s21 =	sand.u32 $0x70, s18;
	s20 =	sshrl.u32 s20, $0x2  }
0x2a: {  	s3 =	simm.s32 $0x0;
	s0 =	simm.s32 $0x40;
	s20 =	sor.u32 s21, s20  }
.LBB2_2:
0x2b: {  	p0 =	sne.s32 s0, $0x1FC0  }
0x2c: {  	[tilespmem:s20+$0xB700] =	vst v0;
	s3 =	sadd.s32 $0x10, s3;
	s20 =	smov.u32 s0;
	s0 =	sadd.s32 $0x40, s0  }
.Ltmp0:
0x2d: {  	(pc) =	sbr.rel @p0 .LBB2_2-.Ltmp0, $4  }
0x2e: {  	_ = 	snop  }
0x2f: {  	s20 =	sand.u32 $0x1E00, s20  }
0x30: {  	s21 =	sand.u32 $0x70, s3;
	s20 =	sshrl.u32 s20, $0x2  }
0x31: {  	s20 =	sor.u32 s21, s20  }
0x32: {  	s0 =	rddreg [dreg:$0x4]  }
0x33: {  	p0 =	sne.s32 s0, $0x1  }
.Ltmp1:
0x34: {  	_ = 	snop;
	(pc) =	sbr.rel @!p0 .LBB2_5-.Ltmp1, $4  }
0x35: {  	[tilespmem:s20+$0xB700] =	vst v0;
	s3 =	rddreg [dreg:$0x6];
	s7 =	simm.s32 $0x2980  }
0x36: {  	[spmem:s3] =	stream.linear.scatter [tilespmem:s28], [sflag:$0xF], $0x800, $0x38;
	[tilespmem:$0x1F780] =	vst v63  }
0x37: {  	s11 =	simm.s32 $0x8F00;
	s13 =	simm.s32 $0x2A00;
	_ =	swait.ge [sflag:s29], $0x800  }
0x38: {  	s18 =	simm.s32 $0xA300;
	s0 =	sadd.s32 $0xFFFFFFFF, s0;
	[sflag:s29] =	ssyncset.done $0x0  }
.LBB2_4:
0x39: {  	p0 =	sne.s32 s0, $0x1;
	[sflag:s29] =	ssyncadd.s32 $0xFFFFF800;
	s3 =	sadd.s32 $0x800, s3  }
.Ltmp2:
0x3a: {  	s0 =	sadd.s32 $0xFFFFFFFF, s0;
	(pc) =	sbr.rel @p0 .LBB2_4-.Ltmp2, $4  }
0x3b: {  	_ = 	snop  }
0x3c: {  	[spmem:s3] =	stream.linear.scatter [tilespmem:s28], [sflag:$0xF], $0x800, $0x38;
	[tilespmem:$0x1F780] =	vst v63  }
0x3d: {  	_ =	swait.ge [sflag:s29], $0x800  }
0x3e: {  	[sflag:s29] =	ssyncset.done $0x0  }
.LBB2_5:
0x3f: {  	[sflag:s29] =	ssyncadd.s32 $0xFFFFF800  }
0x40: {  	_ =	swait.ge [sflag:s10], $0x2710  }
0x41: {  	[sflag:s10] =	ssyncset.done $0x0  }
0x42: {  	[sflag:s10] =	ssyncadd.s32 $0xFFFFD8F0  }
0x43: {  	s20 =	simm.s32 $0x0;
	[bflag:$0x0] =	sbarrier.arrive $0xFFFF  }
0x44: {  	[tilespmem:s14], [sflag:$0x1] =	stream.indirect.gather [hbm4b:s2+s31], $0x80, s20, s31, $0xb8;
	[tilespmem:$0x1F780] =	vst v63  }
0x45: {  	s0 =	rddreg [dreg:$0x7]  }
0x46: {  	[tilespmem:s12], [sflag:$0x1] =	stream.linear.gather [hbm4b:s0+s20], $0x28, $0x38;
	[tilespmem:$0x1F780] =	vst v63  }
0x47: {  	_ = 	snop  }
0x48: {  	[tilespmem:s16], [sflag:$0x2] =	stream.indirect.gather [hbm4b:s2+s31], $0x80, s31, s31, $0xb8;
	[tilespmem:$0x1F780] =	vst v63  }
0x49: {  	s21 =	rddreg [dreg:$0x8]  }
0x4a: {  	[tilespmem:s17], [sflag:$0x2] =	stream.linear.gather [hbm4b:s21+s20], $0x28, $0x38;
	[tilespmem:$0x1F780] =	vst v63  }
0x4b: {  	s3 =	simm.s32 $0x50  }
0x4c: {  	[tilespmem:s4], [sflag:$0x3] =	stream.indirect.gather [hbm4b:s2+s31], $0x80, s3, s31, $0xb8;
	[tilespmem:$0x1F780] =	vst v63  }
0x4d: {  	s4 =	rddreg [dreg:$0x9]  }
0x4e: {  	[tilespmem:s19], [sflag:$0x3] =	stream.linear.gather [hbm4b:s4+s20], $0x28, $0x38;
	[tilespmem:$0x1F780] =	vst v63  }
0x4f: {  	s9 =	simm.s32 $0x78  }
0x50: {  	[tilespmem:s22], [sflag:$0x4] =	stream.indirect.gather [hbm4b:s2+s31], $0x80, s9, s31, $0xb8;
	[tilespmem:$0x1F780] =	vst v63  }
0x51: {  	s12 =	rddreg [dreg:$0xa]  }
0x52: {  	[tilespmem:s30], [sflag:$0x4] =	stream.linear.gather [hbm4b:s12+s20], $0x28, $0x38;
	[tilespmem:$0x1F780] =	vst v63  }
0x53: {  	s14 =	simm.s32 $0xA0;
	s3 =	simm.s32 $0x7B00  }
0x54: {  	[tilespmem:s3], [sflag:$0x5] =	stream.indirect.gather [hbm4b:s2+s31], $0x80, s14, s31, $0xb8;
	[tilespmem:$0x1F780] =	vst v63  }
0x55: {  	s16 =	rddreg [dreg:$0xb]  }
0x56: {  	[tilespmem:s7], [sflag:$0x5] =	stream.linear.gather [hbm4b:s16+s20], $0x28, $0x38;
	[tilespmem:$0x1F780] =	vst v63  }
0x57: {  	s17 =	simm.s32 $0xC8  }
0x58: {  	[tilespmem:s11], [sflag:$0x6] =	stream.indirect.gather [hbm4b:s2+s31], $0x80, s17, s31, $0xb8;
	[tilespmem:$0x1F780] =	vst v63  }
0x59: {  	s19 =	rddreg [dreg:$0xc]  }
0x5a: {  	[tilespmem:s13], [sflag:$0x6] =	stream.linear.gather [hbm4b:s19+s20], $0x28, $0x38;
	[tilespmem:$0x1F780] =	vst v63  }
0x5b: {  	s21 =	simm.s32 $0xF0;
	s4 =	simm.s32 $0x0;
	s22 =	rddreg [dreg:$0x13]  }
0x5c: {  	[tilespmem:s18], [sflag:$0x7] =	stream.indirect.gather [hbm4b:s2+s31], $0x80, s21, s31, $0xb8;
	[tilespmem:$0x1F780] =	vst v63  }
0x5d: {  	s30 =	simm.s32 $0x2A80;
	s21 =	simm.s32 $0x208;
	s18 =	simm.s32 $0x9  }
0x5e: {  	[tilespmem:s30], [sflag:$0x7] =	stream.linear.gather [hbm4b:s22+s20], $0x28, $0x38;
	[tilespmem:$0x1F780] =	vst v63  }
.LBB2_6:
0x5f: {  	_ =	swait.ge [sflag:s8], $0x28  }
0x60: {  	[sflag:s8] =	ssyncset.done $0x0  }
0x61: {  	[sflag:s8] =	ssyncadd.s32 $0xFFFFFFD8  }
0x62: {  	_ =	swait.ge [sflag:s8], $0x1400  }
0x63: {  	[sflag:s8] =	ssyncset.done $0x0  }
0x64: {  	s7 =	simm.s32 $0x2B00;
	s17 =	simm.s32 $0x2780;
	[sflag:s8] =	ssyncadd.s32 $0xFFFFEC00  }
0x65: {  	[spmem:s1] =	stream.indirect.scatter.add.f32 [tilespmem:s7], [sflag:$0x8], $0x80, s17, s31, $0xb8;
	[tilespmem:$0x1F780] =	vst v63  }
0x66: {  	_ =	swait.ge [sflag:s25], $0x28  }
0x67: {  	[sflag:s25] =	ssyncset.done $0x0  }
0x68: {  	[sflag:s25] =	ssyncadd.s32 $0xFFFFFFD8  }
0x69: {  	_ =	swait.ge [sflag:s25], $0x1400  }
0x6a: {  	[sflag:s25] =	ssyncset.done $0x0  }
0x6b: {  	s22 =	simm.s32 $0x3F00;
	s30 =	simm.s32 $0x2800;
	[sflag:s25] =	ssyncadd.s32 $0xFFFFEC00  }
0x6c: {  	[spmem:s1] =	stream.indirect.scatter.add.f32 [tilespmem:s22], [sflag:$0x9], $0x80, s30, s31, $0xb8;
	[tilespmem:$0x1F780] =	vst v63  }
0x6d: {  	_ =	swait.ge [sflag:s6], $0x28  }
0x6e: {  	[sflag:s6] =	ssyncset.done $0x0  }
0x6f: {  	[sflag:s6] =	ssyncadd.s32 $0xFFFFFFD8  }
0x70: {  	_ =	swait.ge [sflag:s6], $0x1400  }
0x71: {  	[sflag:s6] =	ssyncset.done $0x0  }
0x72: {  	s12 =	simm.s32 $0x5300;
	s13 =	simm.s32 $0x2880;
	[sflag:s6] =	ssyncadd.s32 $0xFFFFEC00  }
0x73: {  	[spmem:s1] =	stream.indirect.scatter.add.f32 [tilespmem:s12], [sflag:$0xA], $0x80, s13, s31, $0xb8;
	[tilespmem:$0x1F780] =	vst v63  }
0x74: {  	_ =	swait.ge [sflag:s23], $0x28  }
0x75: {  	[sflag:s23] =	ssyncset.done $0x0  }
0x76: {  	[sflag:s23] =	ssyncadd.s32 $0xFFFFFFD8  }
0x77: {  	_ =	swait.ge [sflag:s23], $0x1400  }
0x78: {  	[sflag:s23] =	ssyncset.done $0x0  }
0x79: {  	s11 =	simm.s32 $0x6700;
	s14 =	simm.s32 $0x2900;
	[sflag:s23] =	ssyncadd.s32 $0xFFFFEC00  }
0x7a: {  	[spmem:s1] =	stream.indirect.scatter.add.f32 [tilespmem:s11], [sflag:$0xB], $0x80, s14, s31, $0xb8;
	[tilespmem:$0x1F780] =	vst v63  }
0x7b: {  	_ =	swait.ge [sflag:s26], $0x28  }
0x7c: {  	[sflag:s26] =	ssyncset.done $0x0  }
0x7d: {  	[sflag:s26] =	ssyncadd.s32 $0xFFFFFFD8  }
0x7e: {  	_ =	swait.ge [sflag:s26], $0x1400  }
0x7f: {  	[sflag:s26] =	ssyncset.done $0x0  }
0x80: {  	s9 =	simm.s32 $0x2980;
	[sflag:s26] =	ssyncadd.s32 $0xFFFFEC00  }
0x81: {  	[spmem:s1] =	stream.indirect.scatter.add.f32 [tilespmem:s3], [sflag:$0xC], $0x80, s9, s31, $0xb8;
	[tilespmem:$0x1F780] =	vst v63  }
0x82: {  	_ =	swait.ge [sflag:s24], $0x28  }
0x83: {  	[sflag:s24] =	ssyncset.done $0x0  }
0x84: {  	[sflag:s24] =	ssyncadd.s32 $0xFFFFFFD8  }
0x85: {  	_ =	swait.ge [sflag:s24], $0x1400  }
0x86: {  	[sflag:s24] =	ssyncset.done $0x0  }
0x87: {  	s0 =	simm.s32 $0x8F00;
	s16 =	simm.s32 $0x2A00;
	[sflag:s24] =	ssyncadd.s32 $0xFFFFEC00  }
0x88: {  	[spmem:s1] =	stream.indirect.scatter.add.f32 [tilespmem:s0], [sflag:$0xD], $0x80, s16, s31, $0xb8;
	[tilespmem:$0x1F780] =	vst v63  }
0x89: {  	_ =	swait.ge [sflag:s15], $0x28  }
0x8a: {  	[sflag:s15] =	ssyncset.done $0x0  }
0x8b: {  	[sflag:s15] =	ssyncadd.s32 $0xFFFFFFD8  }
0x8c: {  	_ =	swait.ge [sflag:s15], $0x1400  }
0x8d: {  	[sflag:s15] =	ssyncset.done $0x0  }
0x8e: {  	s19 =	simm.s32 $0xA300;
	s16 =	simm.s32 $0x2A80;
	[sflag:s15] =	ssyncadd.s32 $0xFFFFEC00  }
0x8f: {  	[spmem:s1] =	stream.indirect.scatter.add.f32 [tilespmem:s19], [sflag:$0xE], $0x80, s16, s31, $0xb8;
	[tilespmem:$0x1F780] =	vst v63  }
0x90: {  	_ =	swait.ge [sflag:s10], $0x1400  }
0x91: {  	[sflag:s10] =	ssyncset.done $0x0  }
0x92: {  	s19 =	rddreg [dreg:$0x12];
	[sflag:s10] =	ssyncadd.s32 $0xFFFFEC00;
	s10 =	sadd.s32 $0xFFFFFF10, s21  }
0x93: {  	[tilespmem:s7], [sflag:$0x1] =	stream.indirect.gather [hbm4b:s2+s31], $0x80, s10, s31, $0xb8;
	[tilespmem:$0x1F780] =	vst v63  }
0x94: {  	s0 =	sadd.s32 s20, s19  }
0x95: {  	[tilespmem:s17], [sflag:$0x1] =	stream.linear.gather [hbm4b:s0+s4], $0x28, $0x38;
	[tilespmem:$0x1F780] =	vst v63  }
0x96: {  	_ =	swait.ge [sflag:s18], $0x1400  }
0x97: {  	[sflag:s18] =	ssyncset.done $0x0  }
0x98: {  	s7 =	sadd.s32 $0xFFFFFF38, s21;
	s10 =	rddreg [dreg:$0x18];
	[sflag:s18] =	ssyncadd.s32 $0xFFFFEC00  }
0x99: {  	[tilespmem:s22], [sflag:$0x2] =	stream.indirect.gather [hbm4b:s2+s31], $0x80, s7, s31, $0xb8;
	[tilespmem:$0x1F780] =	vst v63  }
0x9a: {  	s0 =	sadd.s32 s20, s10;
	s22 =	simm.s32 $0xA  }
0x9b: {  	[tilespmem:s30], [sflag:$0x2] =	stream.linear.gather [hbm4b:s0+s4], $0x28, $0x38;
	[tilespmem:$0x1F780] =	vst v63  }
0x9c: {  	_ =	swait.ge [sflag:s22], $0x1400  }
0x9d: {  	[sflag:s22] =	ssyncset.done $0x0  }
0x9e: {  	s10 =	sadd.s32 $0xFFFFFF60, s21;
	[sflag:s22] =	ssyncadd.s32 $0xFFFFEC00  }
0x9f: {  	[tilespmem:s12], [sflag:$0x3] =	stream.indirect.gather [hbm4b:s2+s31], $0x80, s10, s31, $0xb8;
	[tilespmem:$0x1F780] =	vst v63  }
0xa0: {  	s12 =	rddreg [dreg:$0x11]  }
0xa1: {  	s0 =	sadd.s32 s20, s12  }
0xa2: {  	[tilespmem:s13], [sflag:$0x3] =	stream.linear.gather [hbm4b:s0+s4], $0x28, $0x38;
	[tilespmem:$0x1F780] =	vst v63  }
0xa3: {  	s13 =	simm.s32 $0xB  }
0xa4: {  	_ =	swait.ge [sflag:s13], $0x1400  }
0xa5: {  	[sflag:s13] =	ssyncset.done $0x0  }
0xa6: {  	s10 =	sadd.s32 $0xFFFFFF88, s21;
	[sflag:s13] =	ssyncadd.s32 $0xFFFFEC00;
	s13 =	rddreg [dreg:$0x10]  }
0xa7: {  	[tilespmem:s11], [sflag:$0x4] =	stream.indirect.gather [hbm4b:s2+s31], $0x80, s10, s31, $0xb8;
	[tilespmem:$0x1F780] =	vst v63  }
0xa8: {  	s0 =	sadd.s32 s20, s13;
	s10 =	simm.s32 $0xC  }
0xa9: {  	[tilespmem:s14], [sflag:$0x4] =	stream.linear.gather [hbm4b:s0+s4], $0x28, $0x38;
	[tilespmem:$0x1F780] =	vst v63  }
0xaa: {  	_ =	swait.ge [sflag:s10], $0x1400  }
0xab: {  	[sflag:s10] =	ssyncset.done $0x0  }
0xac: {  	s11 =	sadd.s32 $0xFFFFFFB0, s21;
	s14 =	rddreg [dreg:$0xf];
	[sflag:s10] =	ssyncadd.s32 $0xFFFFEC00  }
0xad: {  	[tilespmem:s3], [sflag:$0x5] =	stream.indirect.gather [hbm4b:s2+s31], $0x80, s11, s31, $0xb8;
	[tilespmem:$0x1F780] =	vst v63  }
0xae: {  	p0 =	seq.s32 s20, $0x4A6;
	s0 =	sadd.s32 s20, s14  }
0xaf: {  	[tilespmem:s9], [sflag:$0x5] =	stream.linear.gather [hbm4b:s0+s4], $0x28, $0x38;
	[tilespmem:$0x1F780] =	vst v63  }
0xb0: {  	s0 =	simm.s32 @!p0 $0xD  }
0xb1: {  	_ =	swait.ge @!p0 [sflag:s0], $0x1400  }
0xb2: {  	s3 =	simm.s32 @!p0 $0x28;
	[sflag:s0] =	ssyncset.done @!p0 $0x0  }
0xb3: {  	s9 =	simm.s32 @!p0 $0x8F00;
	[sflag:s0] =	ssyncadd.s32 @!p0 $0xFFFFEC00;
	s0 =	sadd.s32 @!p0 $0xFFFFFFD8, s21  }
0xb4: {  	[tilespmem:s9], [sflag:$0x6] =	stream.indirect.gather @!p0 [hbm4b:s2+s3], $0x80, s0, s3, $0xb8;
	[tilespmem:$0x1F780] =	vst v63  }
0xb5: {  	s0 =	rddreg [dreg:$0xe]  }
0xb6: {  	s10 =	simm.s32 @!p0 $0x2A00;
	s9 =	simm.s32 @!p0 $0x0;
	s0 =	sadd.s32 @!p0 s20, s0  }
0xb7: {  	[tilespmem:s10], [sflag:$0x6] =	stream.linear.gather @!p0 [hbm4b:s0+s9], $0x28, $0x38;
	[tilespmem:$0x1F780] =	vst v63  }
0xb8: {  	s0 =	simm.s32 @!p0 $0xE  }
0xb9: {  	_ =	swait.ge @!p0 [sflag:s0], $0x1400  }
0xba: {  	[sflag:s0] =	ssyncset.done @!p0 $0x0  }
0xbb: {  	[sflag:s0] =	ssyncadd.s32 @!p0 $0xFFFFEC00;
	s0 =	simm.s32 @!p0 $0xA300  }
0xbc: {  	[tilespmem:s0], [sflag:$0x7] =	stream.indirect.gather @!p0 [hbm4b:s2+s3], $0x80, s21, s3, $0xb8;
	[tilespmem:$0x1F780] =	vst v63  }
0xbd: {  	s0 =	rddreg [dreg:$0xd]  }
0xbe: {  	s0 =	sadd.s32 @!p0 s20, s0;
	s20 =	sadd.s32 @!p0 $0x23, s20  }
0xbf: {  	p1 =	sne.s32 @!p0 s20, $0x4C9  }
0xc0: {  	s16 =	simm.s32 $0x2B00;
	s19 =	simm.s32 $0x2780;
	p1 =	por p0, !p1  }
.Ltmp3:
0xc1: {  	s17 =	simm.s32 $0x3F00;
	s7 =	simm.s32 $0x2800;
	(pc) =	sbr.rel @!p1 .LBB2_6-.Ltmp3, $4  }
0xc2: {  	s30 =	simm.s32 $0x2880;
	s22 =	simm.s32 $0x5300;
	s12 =	simm.s32 $0x6700  }
0xc3: {  	s13 =	simm.s32 $0x2900;
	s11 =	simm.s32 $0x2980;
	s3 =	simm.s32 @!p0 $0x2A80  }
0xc4: {  	[tilespmem:s3], [sflag:$0x7] =	stream.linear.gather @!p0 [hbm4b:s0+s9], $0x28, $0x38;
	[tilespmem:$0x1F780] =	vst v63  }
0xc5: {  	s10 =	simm.s32 $0x8;
	s21 =	sadd.s32 @!p0 $0x118, s21;
	s3 =	simm.s32 $0x7B00  }
0xc6: {  	_ =	swait.ge [sflag:s8], $0x28  }
0xc7: {  	[sflag:s8] =	ssyncset.done $0x0  }
0xc8: {  	[sflag:s8] =	ssyncadd.s32 $0xFFFFFFD8  }
0xc9: {  	_ =	swait.ge [sflag:s8], $0x1400  }
0xca: {  	[sflag:s8] =	ssyncset.done $0x0  }
0xcb: {  	[sflag:s8] =	ssyncadd.s32 $0xFFFFEC00  }
0xcc: {  	[spmem:s1] =	stream.indirect.scatter.add.f32 [tilespmem:s16], [sflag:$0x8], $0x80, s19, s31, $0xb8;
	[tilespmem:$0x1F780] =	vst v63  }
0xcd: {  	_ =	swait.ge [sflag:s25], $0x28  }
0xce: {  	[sflag:s25] =	ssyncset.done $0x0  }
0xcf: {  	[sflag:s25] =	ssyncadd.s32 $0xFFFFFFD8  }
0xd0: {  	_ =	swait.ge [sflag:s25], $0x1400  }
0xd1: {  	[sflag:s25] =	ssyncset.done $0x0  }
0xd2: {  	[sflag:s25] =	ssyncadd.s32 $0xFFFFEC00  }
0xd3: {  	[spmem:s1] =	stream.indirect.scatter.add.f32 [tilespmem:s17], [sflag:$0x9], $0x80, s7, s31, $0xb8;
	[tilespmem:$0x1F780] =	vst v63  }
0xd4: {  	_ =	swait.ge [sflag:s6], $0x28  }
0xd5: {  	[sflag:s6] =	ssyncset.done $0x0  }
0xd6: {  	[sflag:s6] =	ssyncadd.s32 $0xFFFFFFD8  }
0xd7: {  	_ =	swait.ge [sflag:s6], $0x1400  }
0xd8: {  	[sflag:s6] =	ssyncset.done $0x0  }
0xd9: {  	[sflag:s6] =	ssyncadd.s32 $0xFFFFEC00  }
0xda: {  	[spmem:s1] =	stream.indirect.scatter.add.f32 [tilespmem:s22], [sflag:$0xA], $0x80, s30, s31, $0xb8;
	[tilespmem:$0x1F780] =	vst v63  }
0xdb: {  	_ =	swait.ge [sflag:s23], $0x28  }
0xdc: {  	[sflag:s23] =	ssyncset.done $0x0  }
0xdd: {  	[sflag:s23] =	ssyncadd.s32 $0xFFFFFFD8  }
0xde: {  	_ =	swait.ge [sflag:s23], $0x1400  }
0xdf: {  	[sflag:s23] =	ssyncset.done $0x0  }
0xe0: {  	[sflag:s23] =	ssyncadd.s32 $0xFFFFEC00  }
0xe1: {  	[spmem:s1] =	stream.indirect.scatter.add.f32 [tilespmem:s12], [sflag:$0xB], $0x80, s13, s31, $0xb8;
	[tilespmem:$0x1F780] =	vst v63  }
0xe2: {  	_ =	swait.ge [sflag:s26], $0x28  }
0xe3: {  	[sflag:s26] =	ssyncset.done $0x0  }
0xe4: {  	[sflag:s26] =	ssyncadd.s32 $0xFFFFFFD8  }
0xe5: {  	_ =	swait.ge [sflag:s26], $0x1400  }
0xe6: {  	[sflag:s26] =	ssyncset.done $0x0  }
0xe7: {  	s0 =	simm.s32 $0xD;
	[sflag:s26] =	ssyncadd.s32 $0xFFFFEC00  }
0xe8: {  	[spmem:s1] =	stream.indirect.scatter.add.f32 [tilespmem:s3], [sflag:$0xC], $0x80, s11, s31, $0xb8;
	[tilespmem:$0x1F780] =	vst v63  }
0xe9: {  	_ =	swait.ge [sflag:s0], $0x1400  }
0xea: {  	[sflag:s0] =	ssyncset.done $0x0  }
0xeb: {  	s11 =	simm.s32 $0xE;
	[sflag:s0] =	ssyncadd.s32 $0xFFFFEC00  }
0xec: {  	_ =	swait.ge [sflag:s11], $0x1400  }
0xed: {  	[sflag:s11] =	ssyncset.done $0x0  }
0xee: {  	[sflag:s11] =	ssyncadd.s32 $0xFFFFEC00  }
0xef: {  	_ =	swait.ge [sflag:s10], $0x1400  }
0xf0: {  	[sflag:s10] =	ssyncset.done $0x0  }
0xf1: {  	[sflag:s10] =	ssyncadd.s32 $0xFFFFEC00  }
0xf2: {  	_ =	swait.ge [sflag:s18], $0x1400  }
0xf3: {  	[sflag:s18] =	ssyncset.done $0x0  }
0xf4: {  	s12 =	simm.s32 $0xA;
	[sflag:s18] =	ssyncadd.s32 $0xFFFFEC00  }
0xf5: {  	_ =	swait.ge [sflag:s12], $0x1400  }
0xf6: {  	[sflag:s12] =	ssyncset.done $0x0  }
0xf7: {  	s13 =	simm.s32 $0xB;
	[sflag:s12] =	ssyncadd.s32 $0xFFFFEC00  }
0xf8: {  	_ =	swait.ge [sflag:s13], $0x1400  }
0xf9: {  	[sflag:s13] =	ssyncset.done $0x0  }
0xfa: {  	s14 =	simm.s32 $0xC;
	[sflag:s13] =	ssyncadd.s32 $0xFFFFEC00  }
0xfb: {  	_ =	swait.ge [sflag:s14], $0x1400  }
0xfc: {  	[sflag:s14] =	ssyncset.done $0x0  }
0xfd: {  	[sflag:s14] =	ssyncadd.s32 $0xFFFFEC00  }
0xfe: {  	[bflag:$0x0] =	sbarrier.arrive $0xFFFF  }
0xff: {  	s16 =	stileid.u32;
	s17 =	rddreg [dreg:$0x14]  }
0x100: {  	s0 =	sshll.u32 s16, $0x6;
	s19 =	rddreg [dreg:$0x6];
	s18 =	sshrl.u32 s17, $0x3  }
0x101: {  	s20 =	sor.u32 $0x1C0F, s0;
	s9 =	sshrl.u32 s19, $0x3;
	s3 =	sadd.s32 s5, s18  }
0x102: {  	[hbm:s3], [sflag:s20] =	dma.local [spmem:s9], $0x500  }
0x103: {  	s22 =	rddreg [dreg:$0x15]  }
0x104: {  	p0 =	sne.s32 s22, $0x1  }
.Ltmp4:
0x105: {  	_ = 	snop;
	(pc) =	sbr.rel @!p0 .LBB2_9-.Ltmp4, $4  }
0x106: {  	s4 =	simm.s32 $0x5300  }
0x107: {  	s30 =	simm.s32 $0x2900;
	s16 =	simm.s32 $0x3F00;
	s12 =	simm.s32 $0x2780  }
0x108: {  	s0 =	sadd.s32 $0x2800, s17;
	s17 =	simm.s32 $0x2800;
	s3 =	smov.u32 s19  }
0x109: {  	s19 =	simm.s32 $0x2880;
	s21 =	sadd.s32 $0xFFFFFFFF, s22;
	s22 =	simm.s32 $0x6700  }
.LBB2_8:
0x10a: {  	_ =	swait.ge [sflag:s29], $0x500  }
0x10b: {  	s3 =	sadd.s32 $0x2800, s3;
	s9 =	sshrl.u32 s0, $0x3;
	p0 =	sne.s32 s21, $0x1  }
.Ltmp5:
0x10c: {  	s10 =	sshrl.u32 s3, $0x3;
	[sflag:s29] =	ssyncset.done $0x0;
	(pc) =	sbr.rel @p0 .LBB2_8-.Ltmp5, $4  }
0x10d: {  	s9 =	sadd.s32 s5, s9;
	[sflag:s29] =	ssyncadd.s32 $0xFFFFFB00  }
0x10e: {  	[hbm:s9], [sflag:s20] =	dma.local [spmem:s10], $0x500  }
0x10f: {  	s21 =	sadd.s32 $0xFFFFFFFF, s21  }
0x110: {  	s0 =	sadd.s32 $0x2800, s0  }
.LBB2_9:
0x111: {  	_ =	swait.ge [sflag:s29], $0x500  }
0x112: {  	s3 =	rddreg [dreg:$0x17]  }
0x113: {  	s0 =	rddreg [dreg:$0x16];
	s3 =	sadd.s32 $0x1, s3  }
0x114: {  	p0 =	sne.s32 s3, s0  }
.Ltmp6:
0x115: {  	_ = 	snop;
	(pc) =	sbr.rel @p0 .LBB2_1-.Ltmp6, $3  }
0x116: {  	_ =	sdelay $0x1  }
0x117: {  	s10 =	simm.s32 $0x8;
	[sflag:s29] =	ssyncset.done $0x0  }
0x118: {  	s18 =	simm.s32 $0x0;
	s14 =	simm.s32 $0x2B00;
	[sflag:s29] =	ssyncadd.s32 $0xFFFFFB00  }
0x119: {  	_ =	sfence.sel $0x180000  }
0x11a: {  	[bflag:$0x0] =	sbarrier.arrive $0xFFFF  }
0x11b: {  	_ =	strace $0x90000047  }
0x11c: {  	s0 =	stileid.u32;
	[bflag:$0x2] =	sbarrier.arrive $0xFFFF  }
0x11d: {  	p0 =	sne.s32 s0, $0x0;
	s0 =	rddreg [dreg:$0x3]  }
0x11e: {  	s0 =	sadd.s32 @!p0 $0x100000, s0  }
0x11f: {  	[sflag:s0] =	ssyncadd.tile.s32 @!p0 $0x1;
	_ =	shalt  }
.Lfunc_end2:
_tile_overlayer_lowered:
.L_overlay_start_2:
0x120: {  	(tag) =	ssettag $0x2  }
0x121: {  	s0 =	rddreg [dreg:$0x0];
	s2 =	stileid.u32  }
0x122: {  	s1 =	rddreg [dreg:$0x1];
	p0 =	sne.s32 s2, $0x0  }
0x123: {  	s3 =	rddreg [dreg:$0x2];
	[bflag:$0x3] =	sbarrier.arrive $0xFFFF;
	s2 =	simm.s32 @!p0 $0x1C0F  }
0x124: {  	[timem:s3], [sflag:s2] =	dma.local @!p0 [hbm:s0], s1  }
0x125: {  	s0 =	simm.s32 @!p0 $0xF  }
0x126: {  	_ =	swait.ge @!p0 [sflag:s0], s1  }
0x127: {  	s1 =	ssub.s32 @!p0 $0x0, s1;
	[sflag:s0] =	ssyncset.done @!p0 $0x0  }
0x128: {  	[sflag:s0] =	ssyncadd.s32 @!p0 s1  }
0x129: {  	[bflag:$0x3] =	sbarrier.arrive $0xFFFF  }
0x12a: {  	_ =	shalt  }

// kernel: kernel.9.cloned.1.call-start
scs
__scs_entry_jumppad:
0x0: {  	(pc) =	sbr.rel $0x88, $3  }
0x1: {  	(tag) =	ssettag $0x0;
	lr =	simm.s32 $0x1  }
0x2: {  	[smem:$0x3F96] =	sst lr;
	_ =	strace $0xD0000000  }
0x3: {  	_ = 	snop  }
0x4: {  	_ = 	snop  }
0x5: {  	_ = 	snop  }
0x6: {  	_ = 	snop  }
0x7: {  	_ = 	snop  }
__scs_overlays_trampoline_lowered:
0x8: {  	[smem:$0x3FA5] =	sst s0  }
0x9: {  	[smem:$0x3FA6] =	sst s1  }
0xa: {  	[smem:$0x3FA7] =	sst s2  }
0xb: {  	[smem:$0x3FA8] =	sst s3  }
0xc: {  	[smem:$0x3FA9] =	sst s4  }
0xd: {  	[smem:$0x3FAA] =	sst s5  }
0xe: {  	[smem:$0x3FAB] =	sst s6  }
0xf: {  	[smem:$0x3FAC] =	sst s7  }
0x10: {  	[smem:$0x3FAD] =	sst s8  }
0x11: {  	[smem:$0x3FAE] =	sst s9;
	s0 =	simm.s32 @!p0 $0x0  }
0x12: {  	s1 =	sld [smem:$0x3F94];
	s0 =	simm.s32 @p0 $0x1  }
0x13: {  	[smem:$0x3FAF] =	sst s0;
	s0 =	simm.s32 @!p1 $0x0  }
0x14: {  	s2 =	sld [smem:$0x3F93];
	s0 =	simm.s32 @p1 $0x1  }
0x15: {  	[smem:$0x3FB0] =	sst s0;
	s0 =	simm.s32 @!p2 $0x0  }
0x16: {  	s3 =	sld [smem:$0x3FDB];
	s0 =	simm.s32 @p2 $0x1  }
0x17: {  	s4 =	simm.s32 $0x1BF5;
	[smem:$0x3FB2] =	sst s0  }
0x18: {  	s0 =	sld [smem:$0x3F95];
	_ =	swait.ge [sflag:s4], $0x0  }
0x19: {  	s7 =	sld [smem:$0x3F96]  }
0x1a: {  	s8 =	sadd.s32 $0xFFFFE003, lr  }
0x1b: {  	s9 =	sadd.s32 $0xFFFFFEF7, lr;
	s5 =	simm.s32 $0xFFFFFFFF;
	p2 =	slt.u32 s8, $0xFFFFF086  }
0x1c: {  	p1 =	slt.u32 s9, $0xF7A;
	s5 =	simm.s32 @!p2 $0x0  }
0x1d: {  	s5 =	simm.s32 @p1 $0x1;
	p0 =	seq.s32 s7, s2  }
0x1e: {  	s7 =	smul.u32 @!p0 $0xF7A, s2;
	p2 =	seq.s32 @!p0 s5, $0x0  }
0x1f: {  	s9 =	smul.u32 $0xF7A, s1;
	s8 =	simm.s32 @!p0 $0x1BF5;
	p2 =	por !p2, p0  }
0x20: {  	[sflag:s8] =	ssyncset.s32 @!p0 $0xFFFFF086;
	s6 =	sadd.s32 @!p0 s3, s7;
	s7 =	simm.s32 @!p0 $0x108  }
0x21: {  	s3 =	sadd.s32 s3, s9;
	s6 =	sadd.s32 @!p0 $0x88, s6;
	s7 =	simm.s32 @p2 $0x1082  }
0x22: {  	[simem:s7], [sflag:s8] =	dma.local @!p0 [hbm:s6], $0xF7A  }
0x23: {  	s9 =	sor.u32 $0xD0000000, s2;
	s6 =	simm.s32 $0x108;
	_ =	swait.ge @!p0 [sflag:s8], $0x0  }
0x24: {  	s3 =	sadd.s32 $0x88, s3;
	s6 =	simm.s32 @!p1 $0x1082;
	[sflag:s4] =	ssyncset.s32 $0xFFFFF086  }
0x25: {  	[simem:s6], [sflag:s4] =	dma.local [hbm:s3], $0xF7A  }
0x26: {  	[smem:$0x3F96] =	sst s1;
	(tag) =	ssettag s2;
	_ =	strace s9  }
0x27: {  	s1 =	sld [smem:$0x3FA6]  }
0x28: {  	s2 =	sld [smem:$0x3FA7]  }
0x29: {  	s4 =	sld [smem:$0x3FA9]  }
0x2a: {  	p0 =	seq.s32 s5, $0x0;
	s5 =	sld [smem:$0x3FAA]  }
0x2b: {  	s6 =	sld [smem:$0x3FAB]  }
0x2c: {  	s7 =	sld [smem:$0x3FAC]  }
0x2d: {  	s3 =	simm.s32 $0x108;
	s8 =	sld [smem:$0x3FAD]  }
0x2e: {  	s3 =	simm.s32 @!p0 $0x1082;
	s9 =	sld [smem:$0x3FAE]  }
0x2f: {  	lr =	sadd.s32 s0, s3;
	s0 =	sld [smem:$0x3FA5]  }
0x30: {  	s3 =	sld [smem:$0x3FA8]  }
0x31: {  	[smem:$0x3FB1] =	sst s10  }
0x32: {  	s10 =	sld [smem:$0x3FAF];
	_ =	sdelay $0x3  }
0x33: {  	p0 =	seq.s32 s10, $0x1;
	s10 =	sld [smem:$0x3FB1];
	_ =	sdelay $0x3  }
0x34: {  	[smem:$0x3FB1] =	sst s10  }
0x35: {  	s10 =	sld [smem:$0x3FB0];
	_ =	sdelay $0x3  }
0x36: {  	p1 =	seq.s32 s10, $0x1;
	s10 =	sld [smem:$0x3FB1];
	_ =	sdelay $0x3  }
0x37: {  	[smem:$0x3FB1] =	sst s10  }
0x38: {  	s10 =	sld [smem:$0x3FB2]  }
0x39: {  	_ = 	snop;
	(pc) =	sbr.ind lr, $3  }
0x3a: {  	_ = 	snop  }
0x3b: {  	_ = 	snop  }
0x3c: {  	p2 =	seq.s32 s10, $0x1;
	s10 =	sld [smem:$0x3FB1]  }
0x3d: {  	_ =	shalt  }
0x3e: {  	_ =	shalt  }
0x3f: {  	_ =	shalt  }
0x40: {  	_ =	shalt  }
0x41: {  	_ =	shalt  }
0x42: {  	_ =	shalt  }
0x43: {  	_ =	shalt  }
0x44: {  	_ =	shalt  }
0x45: {  	_ =	shalt  }
0x46: {  	_ =	shalt  }
0x47: {  	_ =	shalt  }
0x48: {  	_ =	shalt  }
0x49: {  	_ =	shalt  }
0x4a: {  	_ =	shalt  }
0x4b: {  	_ =	shalt  }
0x4c: {  	_ =	shalt  }
0x4d: {  	_ =	shalt  }
0x4e: {  	_ =	shalt  }
0x4f: {  	_ =	shalt  }
0x50: {  	_ =	shalt  }
0x51: {  	_ =	shalt  }
0x52: {  	_ =	shalt  }
0x53: {  	_ =	shalt  }
0x54: {  	_ =	shalt  }
0x55: {  	_ =	shalt  }
0x56: {  	_ =	shalt  }
0x57: {  	_ =	shalt  }
0x58: {  	_ =	shalt  }
0x59: {  	_ =	shalt  }
0x5a: {  	_ =	shalt  }
0x5b: {  	_ =	shalt  }
0x5c: {  	_ =	shalt  }
0x5d: {  	_ =	shalt  }
0x5e: {  	_ =	shalt  }
0x5f: {  	_ =	shalt  }
0x60: {  	_ =	shalt  }
0x61: {  	_ =	shalt  }
0x62: {  	_ =	shalt  }
0x63: {  	_ =	shalt  }
0x64: {  	_ =	shalt  }
0x65: {  	_ =	shalt  }
0x66: {  	_ =	shalt  }
0x67: {  	_ =	shalt  }
0x68: {  	_ =	shalt  }
0x69: {  	_ =	shalt  }
0x6a: {  	_ =	shalt  }
0x6b: {  	_ =	shalt  }
0x6c: {  	_ =	shalt  }
0x6d: {  	_ =	shalt  }
0x6e: {  	_ =	shalt  }
0x6f: {  	_ =	shalt  }
0x70: {  	_ =	shalt  }
0x71: {  	_ =	shalt  }
0x72: {  	_ =	shalt  }
0x73: {  	_ =	shalt  }
0x74: {  	_ =	shalt  }
0x75: {  	_ =	shalt  }
0x76: {  	_ =	shalt  }
0x77: {  	_ =	shalt  }
0x78: {  	_ =	shalt  }
0x79: {  	_ =	shalt  }
0x7a: {  	_ =	shalt  }
0x7b: {  	_ =	shalt  }
0x7c: {  	_ =	shalt  }
0x7d: {  	_ =	shalt  }
0x7e: {  	_ =	shalt  }
0x7f: {  	_ =	shalt  }
0x80: {  	_ =	shalt  }
0x81: {  	_ =	shalt  }
0x82: {  	_ =	shalt  }
0x83: {  	_ =	shalt  }
0x84: {  	_ =	shalt  }
0x85: {  	_ =	shalt  }
0x86: {  	_ =	shalt  }
0x87: {  	_ =	shalt  }
.Lfunc_end0:
.L_simem_size_0:
called_computation.1_lowered:
.L_overlay_start_0:
0x88: {  	s2 =	sld [smem:$0x3FD9]  }
0x89: {  	s3 =	sld [smem:$0x3FFE];
	_ =	sdelay $0x1  }
0x8a: {  	s1 =	srdreg.scid  }
0x8b: {  	s0 =	sand.u32 $0x1, s1  }
0x8c: {  	s16 =	sshll.u32 s0, $0xA;
	s2 =	sadd.s32 s3, s2  }
0x8d: {  	s2 =	sadd.s32 s2, s16  }
0x8e: {  	[smem:$0x3FBD] =	sst s2  }
0x8f: {  	_ = 	snop  }
0x90: {  	(tm) =	ssettm $0x1  }
0x91: {  	s17 =	sld [smem:$0x3FFB];
	_ =	sdelay $0x3  }
0x92: {  	_ =	strace s17  }
0x93: {  	s2 =	sld [smem:$0x3FFC];
	_ =	sdelay $0x3  }
0x94: {  	_ =	strace s2  }
0x95: {  	s2 =	sld [smem:$0x3FFD];
	_ =	sdelay $0x3  }
0x96: {  	_ =	strace s2  }
0x97: {  	_ =	strace $0x8FFFFFFF  }
0x98: {  	s18 =	sld [smem:$0x3FDB];
	_ =	sdelay $0x1  }
0x99: {  	s19 =	simm.s32 $_scs_section_size  }
0x9a: {  	s4 =	simm.s32 $_size__tile_overlayer_lowered;
	s5 =	simm.s32 $_tile_overlayer_lowered  }
0x9b: {  	s22 =	simm.s32 $0x1BFF;
	s21 =	sshll.u32 s5, $0x1;
	s2 =	sadd.s32 s19, s18  }
0x9c: {  	s6 =	simm.s32 $0x0;
	s20 =	sshll.u32 s4, $0x1;
	s4 =	sadd.s32 s21, s2  }
0x9d: {  	[timem:s6], [sflag:s22] =	dma.local [hbm:s4], s20  }
0x9e: {  	_ =	swait.ge [sflag:s22], s20  }
0x9f: {  	s3 =	ssub.s32 $0x0, s20;
	[sflag:s22] =	ssyncset.done $0x0  }
0xa0: {  	[sflag:s22] =	ssyncadd.s32 s3;
	_ =	sdelay $0x1  }
0xa1: {  	s23 =	simm.s32 $0x1B8B  }
0xa2: {  	_ =	swait.ge [sflag:s23], $0x1  }
0xa3: {  	[sflag:s23] =	ssyncset.done $0x0  }
0xa4: {  	s25 =	simm.s32 $0x1B8E;
	s24 =	sld [smem:$0x3FFE];
	[sflag:s23] =	ssyncadd.s32 $0xFFFFFFFF  }
0xa5: {  	s26 =	simm.s32 $execute0_lowered;
	[smem:$0x3FD2] =	sst s25  }
0xa6: {  	s4 =	sshll.u32 s26, $0x1;
	_ =	strace $0x80000049;
	[dreg:$0x1] =	wrdreg $0xFFFFFFFF  }
0xa7: {  	s28 =	simm.s32 $_size_execute0_lowered;
	s2 =	sadd.s32 s2, s4;
	[dreg:$0x0] =	wrdreg $0x0  }
0xa8: {  	s4 =	sshll.u32 s28, $0x1;
	[dreg:$0x2] =	wrdreg s2  }
0xa9: {  	[dreg:$0x3] =	wrdreg s4  }
0xaa: {  	[dreg:$0x4] =	wrdreg $0xC0  }
0xab: {  	_ =	task [dreg:s6], $0x5FFFF  }
0xac: {  	[dreg:$0x1] =	wrdreg $0xFFFFFFFF  }
0xad: {  	[dreg:$0x0] =	wrdreg $0x60  }
0xae: {  	[dreg:$0x2] =	wrdreg s24  }
0xaf: {  	[dreg:$0x3] =	wrdreg $0xBF000  }
0xb0: {  	[dreg:$0x4] =	wrdreg $0x9  }
0xb1: {  	_ =	task.clear_ibuf [dreg:s6], $0x5FFFF;
	_ =	strace $0x90000049  }
0xb2: {  	s29 =	simm.s32 $0x9;
	_ =	strace $0x8000004B  }
0xb3: {  	_ =	swait.ge [sflag:s29], $0x1  }
0xb4: {  	[sflag:s29] =	ssyncadd.s32 $0xFFFFFFFF  }
0xb5: {  	_ =	strace $0x9000004B  }
0xb6: {  	_ =	sfence  }
0xb7: {  	s30 =	sld [smem:$0x0];
	_ =	sdelay $0x2  }
0xb8: {  	s31 =	sshll.u32 s1, $0xD;
	s1 =	sshrl.u32 s1, $0x2  }
0xb9: {  	s3 =	sand.u32 $0x4000, s31;
	s1 =	sadd.s32 s1, s30  }
0xba: {  	s0 =	sor.u32 s3, s0;
	s1 =	sshll.u32 s1, $0x11  }
0xbb: {  	s0 =	sor.u32 s1, s0  }
0xbc: {  	s0 =	sadd.s32 $0x8F2B, s0  }
0xbd: {  	[sflag:s0] =	ssyncadd.remote.s32 $0x1  }
0xbe: {  	_ =	sfence.sel $0xFFFF  }
0xbf: {  	[dreg:$0x0] =	wrdreg $0xFFFFFFFF;
	(pc) =	sbr.abs _section_cstart, $3  }
0xc0: {  	[dreg:$0x1] =	wrdreg $0xFFFFFFFF  }
0xc1: {  	_ =	task.clear_ibuf [dreg:s6], $0x2FFFF;
	_ =	strace $0x9FFFFFFF  }
0xc2: {  	(tm) =	ssettm $0x7FFFFFFF  }
0xc3: {  	_ =	shalt  }
tec
execute0_lowered:
.L_overlay_start_1:
0x0: {  	(tag) =	ssettag $0x1  }
0x1: {  	s0 =	rddreg [dreg:$0x0]  }
0x2: {  	s16 =	rddreg [dreg:$0x1];
	s18 =	simm.s32 $0x0  }
0x3: {  	s3 =	srdreg.scid;
	s11 =	stileid.u32;
	s10 =	simm.s32 $0x19  }
0x4: {  	s28 =	simm.s32 $0xB700;
	s29 =	simm.s32 $0xF;
	s31 =	simm.s32 $0x28  }
0x5: {  	s30 =	simm.s32 $0x2900;
	[smem:$0x7FF] =	sst s18;
	s3 =	sand.u32 $0x1, s3  }
0x6: {  	s4 =	sadd.s32 $0x16400, s0;
	s7 =	sadd.s32 $0x2A00, s0;
	s15 =	smul.u32 $0x50000, s11  }
0x7: {  	p0 =	seq.s32 s11, $0xF;
	s22 =	smul.u32 $0x2710, s11;
	_ =	strace $0x8000004A  }
0x8: {  	s5 =	sshll.u32 s3, $0x4;
	s6 =	ssub.s32 $0x2, s3;
	s20 =	smul.u32 $0x27100, s3  }
0x9: {  	s10 =	simm.s32 @!p0 $0x28;
	s3 =	smul.u32 $0x138800, s3;
	s5 =	sor.u32 s11, s5  }
0xa: {  	s8 =	sshrl.u32 s6, $0x1;
	[dreg:$0x3] =	wrdreg s10;
	s9 =	smul.u32 $0x2710, s5  }
0xb: {  	s5 =	sadd.s32 $0x3D600, s0;
	s0 =	ssub.s32 s6, s8;
	s6 =	sshrl.u32 s15, $0x2  }
0xc: {  	s8 =	sadd.s32 s22, s20;
	s20 =	smul.u32 $0x14000, s11;
	s22 =	simm.s32 $0x6700  }
0xd: {  	s6 =	sadd.s32 s6, s16;
	s26 =	sadd.s32 $0x4E408, s8;
	s10 =	sadd.s32 $0x4E3B8, s8  }
0xe: {  	s13 =	sadd.s32 $0x4E390, s8;
	s0 =	smax.u32 s0, $0x1;
	s17 =	sshrl.u32 s9, $0x3  }
0xf: {  	[dreg:$0x5] =	wrdreg s6;
	s19 =	sadd.s32 $0x4E228, s9;
	s24 =	sadd.s32 $0x4E278, s9  }
0x10: {  	s9 =	sadd.s32 $0x4E2C8, s9;
	s2 =	sshrl.u32 s26, $0x3;
	s14 =	sshrl.u32 s10, $0x3  }
0x11: {  	s15 =	sshrl.u32 s13, $0x3;
	s3 =	sadd.s32 s20, s3;
	[dreg:$0x15] =	wrdreg s0  }
0x12: {  	s10 =	simm.s32 $0x8;
	s12 =	sadd.s32 s7, s17;
	s6 =	sshrl.u32 s19, $0x3  }
0x13: {  	s25 =	sshrl.u32 s9, $0x3;
	s9 =	sadd.s32 $0x4E3E0, s8;
	[dreg:$0x13] =	wrdreg s3  }
0x14: {  	s13 =	sadd.s32 s15, s7;
	s17 =	sadd.s32 $0x4E368, s8;
	[dreg:$0x4] =	wrdreg s12  }
0x15: {  	s19 =	sadd.s32 $0x4E340, s8;
	s21 =	sadd.s32 $0x9C40, s12;
	[dreg:$0xf] =	wrdreg s13  }
0x16: {  	s8 =	sadd.s32 $0x4E318, s8;
	s6 =	sadd.s32 s7, s6;
	[dreg:$0x6] =	wrdreg s21  }
0x17: {  	s3 =	simm.s32 $0x5;
	s23 =	sadd.s32 $0x9C4A, s12;
	[dreg:$0x7] =	wrdreg s6  }
0x18: {  	s15 =	simm.s32 $0x7;
	s1 =	sadd.s32 $0x9C54, s12;
	[dreg:$0x8] =	wrdreg s23  }
0x19: {  	s8 =	sshrl.u32 s8, $0x3;
	s26 =	sadd.s32 $0x9C5E, s12;
	[dreg:$0xa] =	wrdreg s1  }
0x1a: {  	s3 =	simm.s32 @!p0 $0x8;
	s12 =	simm.s32 $0x2780;
	[dreg:$0x12] =	wrdreg s26  }
0x1b: {  	s6 =	sshrl.u32 s24, $0x3;
	[dreg:$0x14] =	wrdreg s3;
	s26 =	simm.s32 $0x5  }
0x1c: {  	s1 =	simm.s32 $0x3F00;
	s23 =	simm.s32 $0x4;
	s6 =	sadd.s32 s7, s6  }
0x1d: {  	s24 =	simm.s32 $0x6;
	[dreg:$0x9] =	wrdreg s6;
	s6 =	sadd.s32 s7, s25  }
0x1e: {  	s3 =	simm.s32 $0x0;
	[dreg:$0xb] =	wrdreg s6;
	s6 =	sadd.s32 s2, s7  }
0x1f: {  	s25 =	simm.s32 $0x2;
	[dreg:$0xc] =	wrdreg s6;
	s6 =	sshrl.u32 s9, $0x3  }
0x20: {  	s2 =	simm.s32 $0x5300;
	s9 =	sshrl.u32 s19, $0x3;
	s6 =	sadd.s32 s6, s7  }
0x21: {  	s19 =	simm.s32 $0x2880;
	[dreg:$0xd] =	wrdreg s6;
	s6 =	sadd.s32 s14, s7  }
0x22: {  	s9 =	sadd.s32 s9, s7;
	[dreg:$0xe] =	wrdreg s6;
	s6 =	sshrl.u32 s17, $0x3  }
0x23: {  	s14 =	simm.s32 $0x2B00;
	[dreg:$0x17] =	wrdreg s9;
	s21 =	sadd.s32 s6, s7  }
0x24: {  	s17 =	simm.s32 $0x2800;
	s7 =	sadd.s32 s8, s7;
	[dreg:$0x10] =	wrdreg s21  }
0x25: {  	v0 =	vimm.f32 $0.0e+00;
	s8 =	simm.s32 $0x1;
	s6 =	simm.s32 $0x3;
	[dreg:$0x11] =	wrdreg s7  }
.LBB2_1:
0x26: {  	s0 =	rddreg [dreg:$0x4];
	s20 =	sand.u32 $0x1E00, s18  }
0x27: {  	[tilespmem:s18], [sflag:$0x8] =	stream.linear.gather [hbm4b:s0+s18], $0x2710, $0x38;
	[tilespmem:$0x1F780] =	vst v63  }
0x28: {  	[dreg:$0x16] =	wrdreg s3;
	s21 =	sand.u32 $0x70, s18;
	s20 =	sshrl.u32 s20, $0x2  }
0x29: {  	s3 =	simm.s32 $0x0;
	s0 =	simm.s32 $0x40;
	s20 =	sor.u32 s21, s20  }
.LBB2_2:
0x2a: {  	p0 =	sne.s32 s0, $0x1FC0  }
0x2b: {  	[tilespmem:s20+$0xB700] =	vst v0;
	s3 =	sadd.s32 $0x10, s3;
	s20 =	smov.u32 s0;
	s0 =	sadd.s32 $0x40, s0  }
.Ltmp0:
0x2c: {  	(pc) =	sbr.rel @p0 .LBB2_2-.Ltmp0, $4  }
0x2d: {  	_ = 	snop  }
0x2e: {  	s20 =	sand.u32 $0x1E00, s20  }
0x2f: {  	s21 =	sand.u32 $0x70, s3;
	s20 =	sshrl.u32 s20, $0x2  }
0x30: {  	s20 =	sor.u32 s21, s20  }
0x31: {  	s0 =	rddreg [dreg:$0x3]  }
0x32: {  	p0 =	sne.s32 s0, $0x1  }
.Ltmp1:
0x33: {  	_ = 	snop;
	(pc) =	sbr.rel @!p0 .LBB2_5-.Ltmp1, $4  }
0x34: {  	[tilespmem:s20+$0xB700] =	vst v0;
	s3 =	rddreg [dreg:$0x5];
	s7 =	simm.s32 $0x2980  }
0x35: {  	[spmem:s3] =	stream.linear.scatter [tilespmem:s28], [sflag:$0xF], $0x800, $0x38;
	[tilespmem:$0x1F780] =	vst v63  }
0x36: {  	s11 =	simm.s32 $0x8F00;
	s13 =	simm.s32 $0x2A00;
	_ =	swait.ge [sflag:s29], $0x800  }
0x37: {  	s18 =	simm.s32 $0xA300;
	s0 =	sadd.s32 $0xFFFFFFFF, s0;
	[sflag:s29] =	ssyncset.done $0x0  }
.LBB2_4:
0x38: {  	p0 =	sne.s32 s0, $0x1;
	[sflag:s29] =	ssyncadd.s32 $0xFFFFF800;
	s3 =	sadd.s32 $0x800, s3  }
.Ltmp2:
0x39: {  	s0 =	sadd.s32 $0xFFFFFFFF, s0;
	(pc) =	sbr.rel @p0 .LBB2_4-.Ltmp2, $4  }
0x3a: {  	_ = 	snop  }
0x3b: {  	[spmem:s3] =	stream.linear.scatter [tilespmem:s28], [sflag:$0xF], $0x800, $0x38;
	[tilespmem:$0x1F780] =	vst v63  }
0x3c: {  	_ =	swait.ge [sflag:s29], $0x800  }
0x3d: {  	[sflag:s29] =	ssyncset.done $0x0  }
.LBB2_5:
0x3e: {  	[sflag:s29] =	ssyncadd.s32 $0xFFFFF800  }
0x3f: {  	_ =	swait.ge [sflag:s10], $0x2710  }
0x40: {  	[sflag:s10] =	ssyncset.done $0x0  }
0x41: {  	[sflag:s10] =	ssyncadd.s32 $0xFFFFD8F0  }
0x42: {  	s20 =	simm.s32 $0x0;
	[bflag:$0x0] =	sbarrier.arrive $0xFFFF  }
0x43: {  	[tilespmem:s14], [sflag:$0x1] =	stream.indirect.gather [hbm4b:s4+s31], $0x80, s20, s31, $0xb8;
	[tilespmem:$0x1F780] =	vst v63  }
0x44: {  	s0 =	rddreg [dreg:$0x6]  }
0x45: {  	[tilespmem:s12], [sflag:$0x1] =	stream.linear.gather [hbm4b:s0+s20], $0x28, $0x38;
	[tilespmem:$0x1F780] =	vst v63  }
0x46: {  	_ = 	snop  }
0x47: {  	[tilespmem:s1], [sflag:$0x2] =	stream.indirect.gather [hbm4b:s4+s31], $0x80, s31, s31, $0xb8;
	[tilespmem:$0x1F780] =	vst v63  }
0x48: {  	s21 =	rddreg [dreg:$0x7]  }
0x49: {  	[tilespmem:s17], [sflag:$0x2] =	stream.linear.gather [hbm4b:s21+s20], $0x28, $0x38;
	[tilespmem:$0x1F780] =	vst v63  }
0x4a: {  	s1 =	simm.s32 $0x50  }
0x4b: {  	[tilespmem:s2], [sflag:$0x3] =	stream.indirect.gather [hbm4b:s4+s31], $0x80, s1, s31, $0xb8;
	[tilespmem:$0x1F780] =	vst v63  }
0x4c: {  	s2 =	rddreg [dreg:$0x8]  }
0x4d: {  	[tilespmem:s19], [sflag:$0x3] =	stream.linear.gather [hbm4b:s2+s20], $0x28, $0x38;
	[tilespmem:$0x1F780] =	vst v63  }
0x4e: {  	s3 =	simm.s32 $0x78  }
0x4f: {  	[tilespmem:s22], [sflag:$0x4] =	stream.indirect.gather [hbm4b:s4+s31], $0x80, s3, s31, $0xb8;
	[tilespmem:$0x1F780] =	vst v63  }
0x50: {  	s9 =	rddreg [dreg:$0x9]  }
0x51: {  	[tilespmem:s30], [sflag:$0x4] =	stream.linear.gather [hbm4b:s9+s20], $0x28, $0x38;
	[tilespmem:$0x1F780] =	vst v63  }
0x52: {  	s12 =	simm.s32 $0xA0;
	s3 =	simm.s32 $0x7B00  }
0x53: {  	[tilespmem:s3], [sflag:$0x5] =	stream.indirect.gather [hbm4b:s4+s31], $0x80, s12, s31, $0xb8;
	[tilespmem:$0x1F780] =	vst v63  }
0x54: {  	s14 =	rddreg [dreg:$0xa]  }
0x55: {  	[tilespmem:s7], [sflag:$0x5] =	stream.linear.gather [hbm4b:s14+s20], $0x28, $0x38;
	[tilespmem:$0x1F780] =	vst v63  }
0x56: {  	s17 =	simm.s32 $0xC8  }
0x57: {  	[tilespmem:s11], [sflag:$0x6] =	stream.indirect.gather [hbm4b:s4+s31], $0x80, s17, s31, $0xb8;
	[tilespmem:$0x1F780] =	vst v63  }
0x58: {  	s19 =	rddreg [dreg:$0xb]  }
0x59: {  	[tilespmem:s13], [sflag:$0x6] =	stream.linear.gather [hbm4b:s19+s20], $0x28, $0x38;
	[tilespmem:$0x1F780] =	vst v63  }
0x5a: {  	s21 =	simm.s32 $0xF0;
	s2 =	simm.s32 $0x0;
	s22 =	rddreg [dreg:$0x12]  }
0x5b: {  	[tilespmem:s18], [sflag:$0x7] =	stream.indirect.gather [hbm4b:s4+s31], $0x80, s21, s31, $0xb8;
	[tilespmem:$0x1F780] =	vst v63  }
0x5c: {  	s30 =	simm.s32 $0x2A80;
	s21 =	simm.s32 $0x208;
	s18 =	simm.s32 $0x9  }
0x5d: {  	[tilespmem:s30], [sflag:$0x7] =	stream.linear.gather [hbm4b:s22+s20], $0x28, $0x38;
	[tilespmem:$0x1F780] =	vst v63  }
.LBB2_6:
0x5e: {  	_ =	swait.ge [sflag:s8], $0x28  }
0x5f: {  	[sflag:s8] =	ssyncset.done $0x0  }
0x60: {  	[sflag:s8] =	ssyncadd.s32 $0xFFFFFFD8  }
0x61: {  	_ =	swait.ge [sflag:s8], $0x1400  }
0x62: {  	[sflag:s8] =	ssyncset.done $0x0  }
0x63: {  	s7 =	simm.s32 $0x2B00;
	s17 =	simm.s32 $0x2780;
	[sflag:s8] =	ssyncadd.s32 $0xFFFFEC00  }
0x64: {  	[spmem:s16] =	stream.indirect.scatter.add.f32 [tilespmem:s7], [sflag:$0x8], $0x80, s17, s31, $0xb8;
	[tilespmem:$0x1F780] =	vst v63  }
0x65: {  	_ =	swait.ge [sflag:s25], $0x28  }
0x66: {  	[sflag:s25] =	ssyncset.done $0x0  }
0x67: {  	[sflag:s25] =	ssyncadd.s32 $0xFFFFFFD8  }
0x68: {  	_ =	swait.ge [sflag:s25], $0x1400  }
0x69: {  	[sflag:s25] =	ssyncset.done $0x0  }
0x6a: {  	s22 =	simm.s32 $0x3F00;
	s30 =	simm.s32 $0x2800;
	[sflag:s25] =	ssyncadd.s32 $0xFFFFEC00  }
0x6b: {  	[spmem:s16] =	stream.indirect.scatter.add.f32 [tilespmem:s22], [sflag:$0x9], $0x80, s30, s31, $0xb8;
	[tilespmem:$0x1F780] =	vst v63  }
0x6c: {  	_ =	swait.ge [sflag:s6], $0x28  }
0x6d: {  	[sflag:s6] =	ssyncset.done $0x0  }
0x6e: {  	[sflag:s6] =	ssyncadd.s32 $0xFFFFFFD8  }
0x6f: {  	_ =	swait.ge [sflag:s6], $0x1400  }
0x70: {  	[sflag:s6] =	ssyncset.done $0x0  }
0x71: {  	s12 =	simm.s32 $0x5300;
	s13 =	simm.s32 $0x2880;
	[sflag:s6] =	ssyncadd.s32 $0xFFFFEC00  }
0x72: {  	[spmem:s16] =	stream.indirect.scatter.add.f32 [tilespmem:s12], [sflag:$0xA], $0x80, s13, s31, $0xb8;
	[tilespmem:$0x1F780] =	vst v63  }
0x73: {  	_ =	swait.ge [sflag:s23], $0x28  }
0x74: {  	[sflag:s23] =	ssyncset.done $0x0  }
0x75: {  	[sflag:s23] =	ssyncadd.s32 $0xFFFFFFD8  }
0x76: {  	_ =	swait.ge [sflag:s23], $0x1400  }
0x77: {  	[sflag:s23] =	ssyncset.done $0x0  }
0x78: {  	s11 =	simm.s32 $0x6700;
	s14 =	simm.s32 $0x2900;
	[sflag:s23] =	ssyncadd.s32 $0xFFFFEC00  }
0x79: {  	[spmem:s16] =	stream.indirect.scatter.add.f32 [tilespmem:s11], [sflag:$0xB], $0x80, s14, s31, $0xb8;
	[tilespmem:$0x1F780] =	vst v63  }
0x7a: {  	_ =	swait.ge [sflag:s26], $0x28  }
0x7b: {  	[sflag:s26] =	ssyncset.done $0x0  }
0x7c: {  	[sflag:s26] =	ssyncadd.s32 $0xFFFFFFD8  }
0x7d: {  	_ =	swait.ge [sflag:s26], $0x1400  }
0x7e: {  	[sflag:s26] =	ssyncset.done $0x0  }
0x7f: {  	s9 =	simm.s32 $0x2980;
	[sflag:s26] =	ssyncadd.s32 $0xFFFFEC00  }
0x80: {  	[spmem:s16] =	stream.indirect.scatter.add.f32 [tilespmem:s3], [sflag:$0xC], $0x80, s9, s31, $0xb8;
	[tilespmem:$0x1F780] =	vst v63  }
0x81: {  	_ =	swait.ge [sflag:s24], $0x28  }
0x82: {  	[sflag:s24] =	ssyncset.done $0x0  }
0x83: {  	[sflag:s24] =	ssyncadd.s32 $0xFFFFFFD8  }
0x84: {  	_ =	swait.ge [sflag:s24], $0x1400  }
0x85: {  	[sflag:s24] =	ssyncset.done $0x0  }
0x86: {  	s0 =	simm.s32 $0x8F00;
	s1 =	simm.s32 $0x2A00;
	[sflag:s24] =	ssyncadd.s32 $0xFFFFEC00  }
0x87: {  	[spmem:s16] =	stream.indirect.scatter.add.f32 [tilespmem:s0], [sflag:$0xD], $0x80, s1, s31, $0xb8;
	[tilespmem:$0x1F780] =	vst v63  }
0x88: {  	_ =	swait.ge [sflag:s15], $0x28  }
0x89: {  	[sflag:s15] =	ssyncset.done $0x0  }
0x8a: {  	[sflag:s15] =	ssyncadd.s32 $0xFFFFFFD8  }
0x8b: {  	_ =	swait.ge [sflag:s15], $0x1400  }
0x8c: {  	[sflag:s15] =	ssyncset.done $0x0  }
0x8d: {  	s19 =	simm.s32 $0xA300;
	s1 =	simm.s32 $0x2A80;
	[sflag:s15] =	ssyncadd.s32 $0xFFFFEC00  }
0x8e: {  	[spmem:s16] =	stream.indirect.scatter.add.f32 [tilespmem:s19], [sflag:$0xE], $0x80, s1, s31, $0xb8;
	[tilespmem:$0x1F780] =	vst v63  }
0x8f: {  	_ =	swait.ge [sflag:s10], $0x1400  }
0x90: {  	[sflag:s10] =	ssyncset.done $0x0  }
0x91: {  	s19 =	rddreg [dreg:$0x11];
	[sflag:s10] =	ssyncadd.s32 $0xFFFFEC00;
	s10 =	sadd.s32 $0xFFFFFF10, s21  }
0x92: {  	[tilespmem:s7], [sflag:$0x1] =	stream.indirect.gather [hbm4b:s4+s31], $0x80, s10, s31, $0xb8;
	[tilespmem:$0x1F780] =	vst v63  }
0x93: {  	s0 =	sadd.s32 s20, s19  }
0x94: {  	[tilespmem:s17], [sflag:$0x1] =	stream.linear.gather [hbm4b:s0+s2], $0x28, $0x38;
	[tilespmem:$0x1F780] =	vst v63  }
0x95: {  	_ =	swait.ge [sflag:s18], $0x1400  }
0x96: {  	[sflag:s18] =	ssyncset.done $0x0  }
0x97: {  	s7 =	sadd.s32 $0xFFFFFF38, s21;
	s10 =	rddreg [dreg:$0x17];
	[sflag:s18] =	ssyncadd.s32 $0xFFFFEC00  }
0x98: {  	[tilespmem:s22], [sflag:$0x2] =	stream.indirect.gather [hbm4b:s4+s31], $0x80, s7, s31, $0xb8;
	[tilespmem:$0x1F780] =	vst v63  }
0x99: {  	s0 =	sadd.s32 s20, s10;
	s22 =	simm.s32 $0xA  }
0x9a: {  	[tilespmem:s30], [sflag:$0x2] =	stream.linear.gather [hbm4b:s0+s2], $0x28, $0x38;
	[tilespmem:$0x1F780] =	vst v63  }
0x9b: {  	_ =	swait.ge [sflag:s22], $0x1400  }
0x9c: {  	[sflag:s22] =	ssyncset.done $0x0  }
0x9d: {  	s10 =	sadd.s32 $0xFFFFFF60, s21;
	[sflag:s22] =	ssyncadd.s32 $0xFFFFEC00  }
0x9e: {  	[tilespmem:s12], [sflag:$0x3] =	stream.indirect.gather [hbm4b:s4+s31], $0x80, s10, s31, $0xb8;
	[tilespmem:$0x1F780] =	vst v63  }
0x9f: {  	s12 =	rddreg [dreg:$0x10]  }
0xa0: {  	s0 =	sadd.s32 s20, s12  }
0xa1: {  	[tilespmem:s13], [sflag:$0x3] =	stream.linear.gather [hbm4b:s0+s2], $0x28, $0x38;
	[tilespmem:$0x1F780] =	vst v63  }
0xa2: {  	s13 =	simm.s32 $0xB  }
0xa3: {  	_ =	swait.ge [sflag:s13], $0x1400  }
0xa4: {  	[sflag:s13] =	ssyncset.done $0x0  }
0xa5: {  	s10 =	sadd.s32 $0xFFFFFF88, s21;
	[sflag:s13] =	ssyncadd.s32 $0xFFFFEC00;
	s13 =	rddreg [dreg:$0xf]  }
0xa6: {  	[tilespmem:s11], [sflag:$0x4] =	stream.indirect.gather [hbm4b:s4+s31], $0x80, s10, s31, $0xb8;
	[tilespmem:$0x1F780] =	vst v63  }
0xa7: {  	s0 =	sadd.s32 s20, s13;
	s10 =	simm.s32 $0xC  }
0xa8: {  	[tilespmem:s14], [sflag:$0x4] =	stream.linear.gather [hbm4b:s0+s2], $0x28, $0x38;
	[tilespmem:$0x1F780] =	vst v63  }
0xa9: {  	_ =	swait.ge [sflag:s10], $0x1400  }
0xaa: {  	[sflag:s10] =	ssyncset.done $0x0  }
0xab: {  	s11 =	sadd.s32 $0xFFFFFFB0, s21;
	s14 =	rddreg [dreg:$0xe];
	[sflag:s10] =	ssyncadd.s32 $0xFFFFEC00  }
0xac: {  	[tilespmem:s3], [sflag:$0x5] =	stream.indirect.gather [hbm4b:s4+s31], $0x80, s11, s31, $0xb8;
	[tilespmem:$0x1F780] =	vst v63  }
0xad: {  	p0 =	seq.s32 s20, $0x4A6;
	s0 =	sadd.s32 s20, s14  }
0xae: {  	[tilespmem:s9], [sflag:$0x5] =	stream.linear.gather [hbm4b:s0+s2], $0x28, $0x38;
	[tilespmem:$0x1F780] =	vst v63  }
0xaf: {  	s0 =	simm.s32 @!p0 $0xD  }
0xb0: {  	_ =	swait.ge @!p0 [sflag:s0], $0x1400  }
0xb1: {  	s3 =	simm.s32 @!p0 $0x28;
	[sflag:s0] =	ssyncset.done @!p0 $0x0  }
0xb2: {  	s9 =	simm.s32 @!p0 $0x8F00;
	[sflag:s0] =	ssyncadd.s32 @!p0 $0xFFFFEC00;
	s0 =	sadd.s32 @!p0 $0xFFFFFFD8, s21  }
0xb3: {  	[tilespmem:s9], [sflag:$0x6] =	stream.indirect.gather @!p0 [hbm4b:s4+s3], $0x80, s0, s3, $0xb8;
	[tilespmem:$0x1F780] =	vst v63  }
0xb4: {  	s0 =	rddreg [dreg:$0xd]  }
0xb5: {  	s10 =	simm.s32 @!p0 $0x2A00;
	s9 =	simm.s32 @!p0 $0x0;
	s0 =	sadd.s32 @!p0 s20, s0  }
0xb6: {  	[tilespmem:s10], [sflag:$0x6] =	stream.linear.gather @!p0 [hbm4b:s0+s9], $0x28, $0x38;
	[tilespmem:$0x1F780] =	vst v63  }
0xb7: {  	s0 =	simm.s32 @!p0 $0xE  }
0xb8: {  	_ =	swait.ge @!p0 [sflag:s0], $0x1400  }
0xb9: {  	[sflag:s0] =	ssyncset.done @!p0 $0x0  }
0xba: {  	[sflag:s0] =	ssyncadd.s32 @!p0 $0xFFFFEC00;
	s0 =	simm.s32 @!p0 $0xA300  }
0xbb: {  	[tilespmem:s0], [sflag:$0x7] =	stream.indirect.gather @!p0 [hbm4b:s4+s3], $0x80, s21, s3, $0xb8;
	[tilespmem:$0x1F780] =	vst v63  }
0xbc: {  	s0 =	rddreg [dreg:$0xc]  }
0xbd: {  	s0 =	sadd.s32 @!p0 s20, s0;
	s20 =	sadd.s32 @!p0 $0x23, s20  }
0xbe: {  	p1 =	sne.s32 @!p0 s20, $0x4C9  }
0xbf: {  	s1 =	simm.s32 $0x2B00;
	s19 =	simm.s32 $0x2780;
	p1 =	por p0, !p1  }
.Ltmp3:
0xc0: {  	s17 =	simm.s32 $0x3F00;
	s7 =	simm.s32 $0x2800;
	(pc) =	sbr.rel @!p1 .LBB2_6-.Ltmp3, $4  }
0xc1: {  	s30 =	simm.s32 $0x2880;
	s22 =	simm.s32 $0x5300;
	s12 =	simm.s32 $0x6700  }
0xc2: {  	s13 =	simm.s32 $0x2900;
	s11 =	simm.s32 $0x2980;
	s3 =	simm.s32 @!p0 $0x2A80  }
0xc3: {  	[tilespmem:s3], [sflag:$0x7] =	stream.linear.gather @!p0 [hbm4b:s0+s9], $0x28, $0x38;
	[tilespmem:$0x1F780] =	vst v63  }
0xc4: {  	s10 =	simm.s32 $0x8;
	s21 =	sadd.s32 @!p0 $0x118, s21;
	s3 =	simm.s32 $0x7B00  }
0xc5: {  	_ =	swait.ge [sflag:s8], $0x28  }
0xc6: {  	[sflag:s8] =	ssyncset.done $0x0  }
0xc7: {  	[sflag:s8] =	ssyncadd.s32 $0xFFFFFFD8  }
0xc8: {  	_ =	swait.ge [sflag:s8], $0x1400  }
0xc9: {  	[sflag:s8] =	ssyncset.done $0x0  }
0xca: {  	[sflag:s8] =	ssyncadd.s32 $0xFFFFEC00  }
0xcb: {  	[spmem:s16] =	stream.indirect.scatter.add.f32 [tilespmem:s1], [sflag:$0x8], $0x80, s19, s31, $0xb8;
	[tilespmem:$0x1F780] =	vst v63  }
0xcc: {  	_ =	swait.ge [sflag:s25], $0x28  }
0xcd: {  	[sflag:s25] =	ssyncset.done $0x0  }
0xce: {  	[sflag:s25] =	ssyncadd.s32 $0xFFFFFFD8  }
0xcf: {  	_ =	swait.ge [sflag:s25], $0x1400  }
0xd0: {  	[sflag:s25] =	ssyncset.done $0x0  }
0xd1: {  	[sflag:s25] =	ssyncadd.s32 $0xFFFFEC00  }
0xd2: {  	[spmem:s16] =	stream.indirect.scatter.add.f32 [tilespmem:s17], [sflag:$0x9], $0x80, s7, s31, $0xb8;
	[tilespmem:$0x1F780] =	vst v63  }
0xd3: {  	_ =	swait.ge [sflag:s6], $0x28  }
0xd4: {  	[sflag:s6] =	ssyncset.done $0x0  }
0xd5: {  	[sflag:s6] =	ssyncadd.s32 $0xFFFFFFD8  }
0xd6: {  	_ =	swait.ge [sflag:s6], $0x1400  }
0xd7: {  	[sflag:s6] =	ssyncset.done $0x0  }
0xd8: {  	[sflag:s6] =	ssyncadd.s32 $0xFFFFEC00  }
0xd9: {  	[spmem:s16] =	stream.indirect.scatter.add.f32 [tilespmem:s22], [sflag:$0xA], $0x80, s30, s31, $0xb8;
	[tilespmem:$0x1F780] =	vst v63  }
0xda: {  	_ =	swait.ge [sflag:s23], $0x28  }
0xdb: {  	[sflag:s23] =	ssyncset.done $0x0  }
0xdc: {  	[sflag:s23] =	ssyncadd.s32 $0xFFFFFFD8  }
0xdd: {  	_ =	swait.ge [sflag:s23], $0x1400  }
0xde: {  	[sflag:s23] =	ssyncset.done $0x0  }
0xdf: {  	[sflag:s23] =	ssyncadd.s32 $0xFFFFEC00  }
0xe0: {  	[spmem:s16] =	stream.indirect.scatter.add.f32 [tilespmem:s12], [sflag:$0xB], $0x80, s13, s31, $0xb8;
	[tilespmem:$0x1F780] =	vst v63  }
0xe1: {  	_ =	swait.ge [sflag:s26], $0x28  }
0xe2: {  	[sflag:s26] =	ssyncset.done $0x0  }
0xe3: {  	[sflag:s26] =	ssyncadd.s32 $0xFFFFFFD8  }
0xe4: {  	_ =	swait.ge [sflag:s26], $0x1400  }
0xe5: {  	[sflag:s26] =	ssyncset.done $0x0  }
0xe6: {  	s0 =	simm.s32 $0xD;
	[sflag:s26] =	ssyncadd.s32 $0xFFFFEC00  }
0xe7: {  	[spmem:s16] =	stream.indirect.scatter.add.f32 [tilespmem:s3], [sflag:$0xC], $0x80, s11, s31, $0xb8;
	[tilespmem:$0x1F780] =	vst v63  }
0xe8: {  	_ =	swait.ge [sflag:s0], $0x1400  }
0xe9: {  	[sflag:s0] =	ssyncset.done $0x0  }
0xea: {  	s9 =	simm.s32 $0xE;
	[sflag:s0] =	ssyncadd.s32 $0xFFFFEC00  }
0xeb: {  	_ =	swait.ge [sflag:s9], $0x1400  }
0xec: {  	[sflag:s9] =	ssyncset.done $0x0  }
0xed: {  	[sflag:s9] =	ssyncadd.s32 $0xFFFFEC00  }
0xee: {  	_ =	swait.ge [sflag:s10], $0x1400  }
0xef: {  	[sflag:s10] =	ssyncset.done $0x0  }
0xf0: {  	[sflag:s10] =	ssyncadd.s32 $0xFFFFEC00  }
0xf1: {  	_ =	swait.ge [sflag:s18], $0x1400  }
0xf2: {  	[sflag:s18] =	ssyncset.done $0x0  }
0xf3: {  	s11 =	simm.s32 $0xA;
	[sflag:s18] =	ssyncadd.s32 $0xFFFFEC00  }
0xf4: {  	_ =	swait.ge [sflag:s11], $0x1400  }
0xf5: {  	[sflag:s11] =	ssyncset.done $0x0  }
0xf6: {  	s12 =	simm.s32 $0xB;
	[sflag:s11] =	ssyncadd.s32 $0xFFFFEC00  }
0xf7: {  	_ =	swait.ge [sflag:s12], $0x1400  }
0xf8: {  	[sflag:s12] =	ssyncset.done $0x0  }
0xf9: {  	s13 =	simm.s32 $0xC;
	[sflag:s12] =	ssyncadd.s32 $0xFFFFEC00  }
0xfa: {  	_ =	swait.ge [sflag:s13], $0x1400  }
0xfb: {  	[sflag:s13] =	ssyncset.done $0x0  }
0xfc: {  	[sflag:s13] =	ssyncadd.s32 $0xFFFFEC00  }
0xfd: {  	[bflag:$0x0] =	sbarrier.arrive $0xFFFF  }
0xfe: {  	s14 =	stileid.u32;
	s17 =	rddreg [dreg:$0x13]  }
0xff: {  	s0 =	sshll.u32 s14, $0x6;
	s19 =	rddreg [dreg:$0x5];
	s18 =	sshrl.u32 s17, $0x3  }
0x100: {  	s20 =	sor.u32 $0x1C0F, s0;
	s9 =	sshrl.u32 s19, $0x3;
	s3 =	sadd.s32 s5, s18  }
0x101: {  	[hbm:s3], [sflag:s20] =	dma.local [spmem:s9], $0x500  }
0x102: {  	s22 =	rddreg [dreg:$0x14]  }
0x103: {  	p0 =	sne.s32 s22, $0x1  }
.Ltmp4:
0x104: {  	_ = 	snop;
	(pc) =	sbr.rel @!p0 .LBB2_9-.Ltmp4, $4  }
0x105: {  	s2 =	simm.s32 $0x5300  }
0x106: {  	s1 =	simm.s32 $0x3F00;
	s30 =	simm.s32 $0x2900;
	s12 =	simm.s32 $0x2780  }
0x107: {  	s0 =	sadd.s32 $0x2800, s17;
	s17 =	simm.s32 $0x2800;
	s3 =	smov.u32 s19  }
0x108: {  	s19 =	simm.s32 $0x2880;
	s21 =	sadd.s32 $0xFFFFFFFF, s22;
	s22 =	simm.s32 $0x6700  }
.LBB2_8:
0x109: {  	_ =	swait.ge [sflag:s29], $0x500  }
0x10a: {  	s3 =	sadd.s32 $0x2800, s3;
	s9 =	sshrl.u32 s0, $0x3;
	p0 =	sne.s32 s21, $0x1  }
.Ltmp5:
0x10b: {  	s10 =	sshrl.u32 s3, $0x3;
	[sflag:s29] =	ssyncset.done $0x0;
	(pc) =	sbr.rel @p0 .LBB2_8-.Ltmp5, $4  }
0x10c: {  	s9 =	sadd.s32 s5, s9;
	[sflag:s29] =	ssyncadd.s32 $0xFFFFFB00  }
0x10d: {  	[hbm:s9], [sflag:s20] =	dma.local [spmem:s10], $0x500  }
0x10e: {  	s21 =	sadd.s32 $0xFFFFFFFF, s21  }
0x10f: {  	s0 =	sadd.s32 $0x2800, s0  }
.LBB2_9:
0x110: {  	_ =	swait.ge [sflag:s29], $0x500  }
0x111: {  	s3 =	rddreg [dreg:$0x16]  }
0x112: {  	s0 =	rddreg [dreg:$0x15];
	s3 =	sadd.s32 $0x1, s3  }
0x113: {  	p0 =	sne.s32 s3, s0  }
.Ltmp6:
0x114: {  	_ = 	snop;
	(pc) =	sbr.rel @p0 .LBB2_1-.Ltmp6, $3  }
0x115: {  	_ =	sdelay $0x1  }
0x116: {  	s10 =	simm.s32 $0x8;
	[sflag:s29] =	ssyncset.done $0x0  }
0x117: {  	s18 =	simm.s32 $0x0;
	s14 =	simm.s32 $0x2B00;
	[sflag:s29] =	ssyncadd.s32 $0xFFFFFB00  }
0x118: {  	_ =	sfence.sel $0x180000  }
0x119: {  	[bflag:$0x0] =	sbarrier.arrive $0xFFFF  }
0x11a: {  	_ =	strace $0x9000004A  }
0x11b: {  	s0 =	stileid.u32;
	[bflag:$0x2] =	sbarrier.arrive $0xFFFF  }
0x11c: {  	p0 =	sne.s32 s0, $0x0;
	s0 =	rddreg [dreg:$0x2]  }
0x11d: {  	s0 =	sadd.s32 @!p0 $0x100000, s0  }
0x11e: {  	[sflag:s0] =	ssyncadd.tile.s32 @!p0 $0x1;
	_ =	shalt  }
.Lfunc_end2:
_tile_overlayer_lowered:
.L_overlay_start_2:
0x11f: {  	(tag) =	ssettag $0x2  }
0x120: {  	s0 =	rddreg [dreg:$0x0];
	s2 =	stileid.u32  }
0x121: {  	s1 =	rddreg [dreg:$0x1];
	p0 =	sne.s32 s2, $0x0  }
0x122: {  	s3 =	rddreg [dreg:$0x2];
	[bflag:$0x3] =	sbarrier.arrive $0xFFFF;
	s2 =	simm.s32 @!p0 $0x1C0F  }
0x123: {  	[timem:s3], [sflag:s2] =	dma.local @!p0 [hbm:s0], s1  }
0x124: {  	s0 =	simm.s32 @!p0 $0xF  }
0x125: {  	_ =	swait.ge @!p0 [sflag:s0], s1  }
0x126: {  	s1 =	ssub.s32 @!p0 $0x0, s1;
	[sflag:s0] =	ssyncset.done @!p0 $0x0  }
0x127: {  	[sflag:s0] =	ssyncadd.s32 @!p0 s1  }
0x128: {  	[bflag:$0x3] =	sbarrier.arrive $0xFFFF  }
0x129: {  	_ =	shalt  }

</sc_bundles>
